<compile_context>
chip_gen: v7x
topology: tpu7x:2x2x1
jax: 0.10.2.dev20260603
libtpu: 0.0.44.dev20260713+nightly
codegen_flags: <defaults>
</compile_context>

<pallas_src>
import functools
import math

import jax
import jax.numpy as jnp
from jax import lax
from jax.experimental import pallas as pl
from jax.experimental.pallas import tpu as pltpu
from jax.experimental.pallas import tpu_sc as plsc

N = 10000
E = 160000
INF = 128
HID = 256
TOPK = int(math.log(N))
NC, NS = 2, 16
NPAD = 10240
RPS = N // NS
EK_F, FS_CH = 80, 125
EK_E, ES_CH = 40, 125
LW = 128
DAG_T = 400
ER_C = 2000
HP = jax.lax.Precision.HIGHEST

_MESH = dict(core_axis_name="c", subcore_axis_name="s")



def _sc_degrees(se_f, ones_rows, zdeg):
    @functools.partial(
        pl.kernel,
        mesh=plsc.VectorSubcoreMesh(**_MESH),
        out_type=jax.ShapeDtypeStruct((NC, NPAD, LW), jnp.float32),
        scratch_types=[
            pltpu.VMEM((FS_CH, EK_F), jnp.int32),
            pltpu.VMEM((EK_F, LW), jnp.float32),
            pltpu.VMEM_SHARED((NPAD, LW), jnp.float32),
            pltpu.SemaphoreType.DMA,
        ],
    )
    def k(se_hbm, ones_hbm, z_hbm, out_hbm, idx_v, ones_v, acc_sh, sem):
        cid = lax.axis_index("c")
        sid = lax.axis_index("s")
        pltpu.sync_copy(se_hbm.at[cid, sid], idx_v)
        pltpu.sync_copy(ones_hbm, ones_v)

        @pl.when(sid == 0)
        def _():
            pltpu.sync_copy(z_hbm, acc_sh)

        plsc.subcore_barrier()

        def body(j, carry):
            pltpu.sync_copy(ones_v, acc_sh.at[idx_v.at[j]], add=True)
            return carry

        lax.fori_loop(0, FS_CH, body, 0)
        plsc.subcore_barrier()
        sl = pl.ds(sid * (NPAD // NS), NPAD // NS)
        pltpu.sync_copy(acc_sh.at[sl], out_hbm.at[cid].at[sl])

    return k(se_f, ones_rows, zdeg)


def _sc_edge_scatter_fsplit(table_h, se_f, zrows):
    @functools.partial(
        pl.kernel,
        mesh=plsc.VectorSubcoreMesh(**_MESH),
        out_type=jax.ShapeDtypeStruct((NC, NPAD, LW), jnp.float32),
        scratch_types=[
            pltpu.VMEM((FS_CH, EK_F), jnp.int32),
            pltpu.VMEM((FS_CH, EK_F), jnp.int32),
            pltpu.VMEM((EK_F, LW), jnp.float32),
            pltpu.VMEM_SHARED((NPAD, LW), jnp.float32),
            pltpu.SemaphoreType.DMA,
        ],
    )
    def k(tab_hbm, se_hbm, z_hbm, out_hbm, sidx_v, didx_v, rows_v, acc_sh, sem):
        cid = lax.axis_index("c")
        sid = lax.axis_index("s")
        pltpu.sync_copy(se_hbm.at[0, sid], sidx_v)
        pltpu.sync_copy(se_hbm.at[1, sid], didx_v)

        @pl.when(sid == 0)
        def _():
            pltpu.sync_copy(z_hbm, acc_sh)

        plsc.subcore_barrier()

        def body(j, carry):
            pltpu.async_copy(tab_hbm.at[cid].at[sidx_v.at[j]], rows_v, sem).wait()
            pltpu.sync_copy(rows_v, acc_sh.at[didx_v.at[j]], add=True)
            return carry

        lax.fori_loop(0, FS_CH, body, 0)
        plsc.subcore_barrier()
        sl = pl.ds(sid * (NPAD // NS), NPAD // NS)
        pltpu.sync_copy(acc_sh.at[sl], out_hbm.at[cid].at[sl])

    return k(table_h, se_f, zrows)


def _sc_edge_scatter_esplit(table_h, se_e, zrows):
    @functools.partial(
        pl.kernel,
        mesh=plsc.VectorSubcoreMesh(**_MESH),
        out_type=jax.ShapeDtypeStruct((NC, NPAD, LW), jnp.float32),
        scratch_types=[
            pltpu.VMEM((ES_CH, EK_E), jnp.int32),
            pltpu.VMEM((ES_CH, EK_E), jnp.int32),
            pltpu.VMEM((EK_E, LW), jnp.float32),
            pltpu.VMEM_SHARED((NPAD, LW), jnp.float32),
            pltpu.SemaphoreType.DMA,
        ],
    )
    def k(tab_hbm, se_hbm, z_hbm, out_hbm, sidx_v, didx_v, rows_v, acc_sh, sem):
        cid = lax.axis_index("c")
        sid = lax.axis_index("s")
        pltpu.sync_copy(se_hbm.at[0, cid, sid], sidx_v)
        pltpu.sync_copy(se_hbm.at[1, cid, sid], didx_v)

        @pl.when(sid == 0)
        def _():
            pltpu.sync_copy(z_hbm, acc_sh)

        plsc.subcore_barrier()

        def body(j, carry):
            pltpu.async_copy(tab_hbm.at[sidx_v.at[j]], rows_v, sem).wait()
            pltpu.sync_copy(rows_v, acc_sh.at[didx_v.at[j]], add=True)
            return carry

        lax.fori_loop(0, ES_CH, body, 0)
        plsc.subcore_barrier()
        sl = pl.ds(sid * (NPAD // NS), NPAD // NS)
        pltpu.sync_copy(acc_sh.at[sl], out_hbm.at[cid].at[sl])

    return k(table_h, se_e, zrows)


def _sc_er_gather(g_h, se_f):
    @functools.partial(
        pl.kernel,
        mesh=plsc.VectorSubcoreMesh(**_MESH),
        out_type=(
            jax.ShapeDtypeStruct((NC, E, LW), jnp.float32),
            jax.ShapeDtypeStruct((NC, E, LW), jnp.float32),
        ),
        scratch_types=[
            pltpu.VMEM((FS_CH, EK_F), jnp.int32),
            pltpu.VMEM((FS_CH, EK_F), jnp.int32),
            pltpu.VMEM((EK_F, LW), jnp.float32),
            pltpu.VMEM((EK_F, LW), jnp.float32),
            pltpu.SemaphoreType.DMA,
        ],
    )
    def k(g_hbm, se_hbm, gs_hbm, gd_hbm, sidx_v, didx_v, ra, rb, sem):
        cid = lax.axis_index("c")
        sid = lax.axis_index("s")
        pltpu.sync_copy(se_hbm.at[0, sid], sidx_v)
        pltpu.sync_copy(se_hbm.at[1, sid], didx_v)

        def body(j, carry):
            base = sid * (E // NS) + j * EK_F
            pltpu.async_copy(g_hbm.at[cid].at[sidx_v.at[j]], ra, sem).wait()
            pltpu.sync_copy(ra, gs_hbm.at[cid].at[pl.ds(base, EK_F)])
            pltpu.async_copy(g_hbm.at[cid].at[didx_v.at[j]], rb, sem).wait()
            pltpu.sync_copy(rb, gd_hbm.at[cid].at[pl.ds(base, EK_F)])
            return carry

        lax.fori_loop(0, FS_CH, body, 0)

    return k(g_h, se_f)



def _stage0_body(x_ref, dego_ref, degi_ref, xn_ref, oi_ref, ii_ref, fl_ref):
    oi = lax.rsqrt(jnp.maximum(dego_ref[...], 1.0))
    ii = lax.rsqrt(jnp.maximum(degi_ref[...], 1.0))
    xn_ref[...] = x_ref[...] * oi
    oi_ref[...] = oi
    ii_ref[...] = ii
    fl_ref[...] = jnp.where(jnp.min(degi_ref[...]) < 0.5, 1.0, 0.0).reshape(1, 1)


def _stage0(x, dego, degi):
    return pl.pallas_call(
        _stage0_body,
        out_shape=(
            jax.ShapeDtypeStruct((N, INF), jnp.float32),
            jax.ShapeDtypeStruct((N, 1), jnp.float32),
            jax.ShapeDtypeStruct((N, 1), jnp.float32),
            jax.ShapeDtypeStruct((1, 1), jnp.float32),
        ),
    )(x, dego, degi)


def _stagea_body(agg_ref, ii_ref, w1_ref, b1_ref, wq_ref, bq_ref, wk_ref,
                 bk_ref, wv_ref, bv_ref, q_ref, k_ref, v_ref):
    h = (agg_ref[0] + agg_ref[1]) * ii_ref[...]
    h1 = jax.nn.relu(jnp.dot(h, w1_ref[...], precision=HP) + b1_ref[...])
    q_ref[...] = jnp.dot(h1, wq_ref[...], precision=HP) + bq_ref[...]
    k_ref[...] = jnp.dot(h1, wk_ref[...], precision=HP) + bk_ref[...]
    v_ref[...] = jnp.dot(h1, wv_ref[...], precision=HP) + bv_ref[...]


def _stagea(agg1, degii, W1, b1, Wq, bq, Wk, bk, Wv, bv):
    R = 2000
    full = lambda i: (0, 0)
    blk = lambda i: (i, 0)
    return pl.pallas_call(
        _stagea_body,
        grid=(N // R,),
        in_specs=[
            pl.BlockSpec((NC, R, INF), lambda i: (0, i, 0)),
            pl.BlockSpec((R, 1), blk),
            pl.BlockSpec((INF, HID), full),
            pl.BlockSpec((1, HID), full),
            pl.BlockSpec((HID, HID), full),
            pl.BlockSpec((1, HID), full),
            pl.BlockSpec((HID, HID), full),
            pl.BlockSpec((1, HID), full),
            pl.BlockSpec((HID, HID), full),
            pl.BlockSpec((1, HID), full),
        ],
        out_specs=(
            pl.BlockSpec((R, HID), blk),
            pl.BlockSpec((R, HID), blk),
            pl.BlockSpec((R, HID), blk),
        ),
        out_shape=(
            jax.ShapeDtypeStruct((N, HID), jnp.float32),
            jax.ShapeDtypeStruct((N, HID), jnp.float32),
            jax.ShapeDtypeStruct((N, HID), jnp.float32),
        ),
    )(agg1, degii, W1, b1, Wq, bq, Wk, bk, Wv, bv)


def _topk_body(mv_ref, w_ref, d_ref):
    arr = mv_ref[...]
    row = lax.broadcasted_iota(jnp.int32, (80, 128), 0)
    col = lax.broadcasted_iota(jnp.int32, (80, 128), 1)
    flat = row * 128 + col
    vals, idxs = [], []
    for _ in range(TOPK):
        m = jnp.max(arr)
        idx = jnp.min(jnp.where(arr >= m, flat, jnp.int32(2 ** 30)))
        vals.append(m)
        idxs.append(idx)
        arr = jnp.where(flat == idx, -1e30, arr)
    m9 = vals[0]
    es = [jnp.exp(vv - m9) for vv in vals]
    s = es[0]
    for e in es[1:]:
        s = s + e
    lane = lax.broadcasted_iota(jnp.int32, (1, 128), 1)
    w = jnp.zeros((1, 128), jnp.float32)
    dl = jnp.zeros((1, 128), jnp.int32)
    for i in range(TOPK):
        w = jnp.where(lane == i, es[i] / s, w)
        dl = jnp.where(lane == i, idxs[i], dl)
    w_ref[...] = w
    d_ref[...] = dl


def _topk(mvp):
    return pl.pallas_call(
        _topk_body,
        out_shape=(
            jax.ShapeDtypeStruct((1, 128), jnp.float32),
            jax.ShapeDtypeStruct((1, 128), jnp.int32),
        ),
    )(mvp)


def _dagg_body(d_sref, w_sref, v2_ref, oi_ref, wo_ref, bo_ref, out_ref):
    base = pl.program_id(0) * DAG_T

    def shifted(i):
        s = base + d_sref[i]
        a = (s // 8) * 8
        r = s - a
        blk = v2_ref[pl.ds(a, DAG_T + 8), :]
        return pltpu.roll(blk, jnp.mod(-r, DAG_T + 8), 0)[:DAG_T]

    acc = w_sref[0] * shifted(0)
    for i in range(1, TOPK):
        acc = acc + w_sref[i] * shifted(i)
    h = jnp.dot(acc, wo_ref[...], precision=HP) + bo_ref[...]
    out_ref[...] = h * oi_ref[...]


def _delayagg(delays9, w9, v2, degoi, Wo, bo):
    grid_spec = pltpu.PrefetchScalarGridSpec(
        num_scalar_prefetch=2,
        grid=(N // DAG_T,),
        in_specs=[
            pl.BlockSpec((2 * N, HID), lambda i, d, w: (0, 0)),
            pl.BlockSpec((DAG_T, 1), lambda i, d, w: (i, 0)),
            pl.BlockSpec((HID, HID), lambda i, d, w: (0, 0)),
            pl.BlockSpec((1, HID), lambda i, d, w: (0, 0)),
        ],
        out_specs=pl.BlockSpec((DAG_T, HID), lambda i, d, w: (i, 0)),
    )
    return pl.pallas_call(
        _dagg_body,
        grid_spec=grid_spec,
        out_shape=jax.ShapeDtypeStruct((N, HID), jnp.float32),
    )(delays9, w9, v2, degoi, Wo, bo)


def _stageb_body(agg_ref, ii_ref, w2_ref, b2_ref, wt_ref, g_ref):
    h = agg_ref[...] * ii_ref[...]
    h3 = jax.nn.relu(jnp.dot(h, w2_ref[...], precision=HP) + b2_ref[...])
    g_ref[...] = jnp.dot(h3, wt_ref[...], precision=HP)


def _stageb(agg2, degii, W2, b2, Wt):
    R = 2000
    full = lambda i: (0, 0)
    blk = lambda i: (i, 0)
    return pl.pallas_call(
        _stageb_body,
        grid=(N // R,),
        in_specs=[
            pl.BlockSpec((R, HID), blk),
            pl.BlockSpec((R, 1), blk),
            pl.BlockSpec((HID, HID), full),
            pl.BlockSpec((1, HID), full),
            pl.BlockSpec((HID, HID), full),
        ],
        out_specs=pl.BlockSpec((R, HID), blk),
        out_shape=jax.ShapeDtypeStruct((N, HID), jnp.float32),
    )(agg2, degii, W2, b2, Wt)


_ER_NCH = E // ER_C


def _ermax_body(gs_ref, gd_ref, d_ref, bt_ref, fl_ref, out_ref):
    j = pl.program_id(0)

    @pl.when(j == 0)
    def _():
        out_ref[...] = jnp.full((NC, 128), -jnp.inf, jnp.float32)

    msg = d_ref[0] * (gs_ref[...] + gd_ref[...])
    cur = jnp.maximum(out_ref[...], jnp.max(msg, axis=1))

    @pl.when(j < _ER_NCH - 1)
    def _():
        out_ref[...] = cur

    @pl.when(j == _ER_NCH - 1)
    def _():
        mm = cur + bt_ref[...]
        out_ref[...] = jnp.where(fl_ref[0, 0] > 0.5, jnp.maximum(mm, 0.0), mm)


def _ermax(gs, gd, d4, btr, flag):
    return pl.pallas_call(
        _ermax_body,
        grid=(_ER_NCH,),
        in_specs=[
            pl.BlockSpec((NC, ER_C, INF), lambda j: (0, j, 0)),
            pl.BlockSpec((NC, ER_C, INF), lambda j: (0, j, 0)),
            pl.BlockSpec((1, ER_C, 1), lambda j: (j, 0, 0)),
            pl.BlockSpec((NC, 128), lambda j: (0, 0)),
            pl.BlockSpec((1, 1), lambda j: (0, 0)),
        ],
        out_specs=pl.BlockSpec((NC, 128), lambda j: (0, 0)),
        out_shape=jax.ShapeDtypeStruct((NC, 128), jnp.float32),
    )(gs, gd, d4, btr, flag)



def kernel(x, edge_index, edge_d, W1, b1, Wq, bq, Wk, bk, Wv, bv, Wo, bo, W2, b2, Wt, bt):
    se = jnp.stack([edge_index[0], edge_index[1]])
    se_f = se.reshape(2, NS, FS_CH, EK_F)
    se_e = se.reshape(2, NC, NS, ES_CH, EK_E)
    ones_rows = jnp.ones((EK_F, LW), jnp.float32)
    zdeg = jnp.zeros((NPAD, LW), jnp.float32)

    degs = _sc_degrees(se_f, ones_rows, zdeg)
    dego = degs[0, :N, 0].reshape(N, 1)
    degi = degs[1, :N, 0].reshape(N, 1)

    xn, degoi, degii, flag = _stage0(x, dego, degi)

    agg1h = _sc_edge_scatter_esplit(xn, se_e, zdeg)[:, :N]

    q, k, v = _stagea(agg1h, degii, W1, b1.reshape(1, HID), Wq, bq.reshape(1, HID),
                      Wk, bk.reshape(1, HID), Wv, bv.reshape(1, HID))

    mv = q[:, 0] * k[:, 0]
    mvp = jnp.concatenate([mv, jnp.full((80 * 128 - N,), -1e30, jnp.float32)]).reshape(80, 128)
    w128, d128 = _topk(mvp)

    v2 = jnp.concatenate([v, v], axis=0)
    h2n = _delayagg(d128[0, :TOPK], w128[0, :TOPK], v2, degoi, Wo, bo.reshape(1, HID))

    h2nh = h2n.reshape(N, 2, LW).transpose(1, 0, 2)
    agg2h = _sc_edge_scatter_fsplit(h2nh, se_f, zdeg)[:, :N]
    agg2 = agg2h.transpose(1, 0, 2).reshape(N, HID)

    g = _stageb(agg2, degii, W2, b2.reshape(1, HID), Wt)
    gh = g.reshape(N, 2, LW).transpose(1, 0, 2)
    gs, gd = _sc_er_gather(gh, se_f)

    d4 = edge_d.reshape(_ER_NCH, ER_C, 1)
    out2 = _ermax(gs, gd, d4, bt.reshape(2, 128), flag)
    return out2.reshape(1, HID)

# --- scband reference (transcript-rebuilt; emitter-appended) ---
"""Pipeline reference for scband-gatre-22213570855010 (READ-ONLY COPY).

The authoritative reference and input builder live on the scoring server;
editing this copy changes nothing except your own understanding.
"""

import jax, jax.numpy as jnp
import numpy as np
import math

N = 10000
E = 160000
IN_FEATS = 128
HID = 256
OUT = 256


def _lin_init(k, i, o):
    k1, k2 = jax.random.split(k)
    s = 1.0 / math.sqrt(i)
    W = jax.random.uniform(k1, (i, o), jnp.float32, -s, s)
    b = jax.random.uniform(k2, (o,), jnp.float32, -s, s)
    return W, b


def setup_inputs(seed: int = 0) -> dict:
    key = jax.random.key(seed)
    ks = jax.random.split(key, 12)
    inp = {}
    inp['x'] = jax.random.normal(ks[0], (N, IN_FEATS), dtype=jnp.float32)
    inp['edge_index'] = jax.random.randint(ks[1], (2, E), 0, N, dtype=jnp.int32)
    inp['edge_d'] = jax.random.uniform(ks[2], (E,), dtype=jnp.float32)
    inp['W1'], inp['b1'] = _lin_init(ks[3], IN_FEATS, HID)
    inp['Wq'], inp['bq'] = _lin_init(ks[4], HID, HID)
    inp['Wk'], inp['bk'] = _lin_init(ks[5], HID, HID)
    inp['Wv'], inp['bv'] = _lin_init(ks[6], HID, HID)
    inp['Wo'], inp['bo'] = _lin_init(ks[7], HID, HID)
    inp['W2'], inp['b2'] = _lin_init(ks[8], HID, HID)
    inp['Wt'], inp['bt'] = _lin_init(ks[9], HID, OUT)
    return inp


def _graph_conv(h, W, b, src, dst, act):
    # DGL GraphConv with norm='both'
    deg_out = jnp.clip(jnp.zeros((N,), jnp.float32).at[src].add(1.0), 1.0, None)
    h = h * (deg_out ** -0.5)[:, None]
    agg = jnp.zeros((N, h.shape[1]), h.dtype).at[dst].add(h[src])
    deg_in = jnp.clip(jnp.zeros((N,), jnp.float32).at[dst].add(1.0), 1.0, None)
    rst = agg * (deg_in ** -0.5)[:, None]
    rst = rst @ W + b
    if act:
        rst = jax.nn.relu(rst)
    return rst


def _auto_corr_layer(h, Wq, bq, Wk, bk, Wv, bv, Wo, bo):
    # h: [B, L, d_model], n_heads = 1 (Autoformer AutoCorrelationLayer, eval mode)
    B, L, d = h.shape
    H = 1
    q = (h @ Wq + bq).reshape(B, L, H, d)
    k = (h @ Wk + bk).reshape(B, L, H, d)
    v = (h @ Wv + bv).reshape(B, L, H, d)
    qp = jnp.transpose(q, (0, 2, 3, 1))  # [B,H,C,L]
    kp = jnp.transpose(k, (0, 2, 3, 1))
    vp = jnp.transpose(v, (0, 2, 3, 1))
    q_fft = jnp.fft.rfft(qp, axis=-1)
    k_fft = jnp.fft.rfft(kp, axis=-1)
    corr = jnp.fft.irfft(q_fft * jnp.conj(k_fft), n=L, axis=-1)  # [B,H,C,L]
    # time_delay_agg_inference, factor=1
    top_k = int(1 * math.log(L))
    mean_value = jnp.mean(jnp.mean(corr, axis=1), axis=1)  # [B, L]
    weights, delay = jax.lax.top_k(mean_value, top_k)
    tmp_corr = jax.nn.softmax(weights, axis=-1)
    tmp_values = jnp.concatenate([vp, vp], axis=-1)  # [B,H,C,2L]
    init_index = jnp.arange(L, dtype=jnp.int32)[None, None, None, :]
    delays_agg = jnp.zeros_like(vp)
    for i in range(top_k):
        idx = init_index + delay[:, i][:, None, None, None]
        idx = jnp.broadcast_to(idx, vp.shape)
        pattern = jnp.take_along_axis(tmp_values, idx, axis=-1)
        delays_agg = delays_agg + pattern * tmp_corr[:, i][:, None, None, None]
    out = jnp.transpose(delays_agg, (0, 3, 1, 2)).reshape(B, L, d)
    return out @ Wo + bo


def _er_conv(h, d, Wt, bt, src, dst):
    # message: theta((src_h + dst_h) * d); max reduce per dst node; global max readout
    msg = ((h[src] + h[dst]) * d[:, None]) @ Wt + bt  # [E, OUT]
    node_max = jax.ops.segment_max(msg, dst, num_segments=N)
    node_max = jnp.where(jnp.isneginf(node_max), 0.0, node_max)
    return jnp.max(node_max, axis=0, keepdims=True)  # [1, OUT] (dgl.max_nodes)


def _forward(x, edge_d, src, dst, W1, b1, Wq, bq, Wk, bk, Wv, bv, Wo, bo, W2, b2, Wt, bt):
    h = _graph_conv(x, W1, b1, src, dst, act=True)
    h = _auto_corr_layer(h[None], Wq, bq, Wk, bk, Wv, bv, Wo, bo)[0]
    h = _graph_conv(h, W2, b2, src, dst, act=False)
    h = jax.nn.relu(h)
    out = _er_conv(h, edge_d, Wt, bt, src, dst)
    return out  # dropout is identity in eval


def reference(x, edge_index, edge_d, W1, b1, Wq, bq, Wk, bk, Wv, bv, Wo, bo, W2, b2, Wt, bt):
    src = edge_index[0]
    dst = edge_index[1]
    return _forward(x, edge_d, src, dst, W1, b1, Wq, bq, Wk, bk, Wv, bv, Wo, bo, W2, b2, Wt, bt)

if __name__ == "__main__":
    import jax
    _d = setup_inputs()
    print(jax.jit(kernel)(*tuple(_d.values())))

</pallas_src>

<mosaic_0001>
#map = affine_map<(d0, d1) -> (0, 0, 0)>
#map1 = affine_map<(d0, d1) -> (0, 0, 0, 0)>
#map2 = affine_map<(d0, d1) -> (0, 0)>
module attributes {stable_mosaic.version = 14 : i64} {
  func.func @k(%arg0: i32, %arg1: i32, %arg2: memref<2x10000x128xf32, #tpu.memory_space<hbm>>, %arg3: memref<2x16x125x80xi32, #tpu.memory_space<hbm>>, %arg4: memref<10240x128xf32, #tpu.memory_space<hbm>>, %arg5: memref<2x10240x128xf32, #tpu.memory_space<hbm>>, %arg6: memref<125x80xi32, #tpu.memory_space<vmem>>, %arg7: memref<125x80xi32, #tpu.memory_space<vmem>>, %arg8: memref<80x128xf32, #tpu.memory_space<vmem>>, %arg9: memref<10240x128xf32, #tpu.memory_space<vmem_shared>>, %arg10: memref<!tpu.dma_semaphore, #tpu.memory_space<semaphore_mem>>) attributes {dimension_semantics = [#tpu.dimension_semantics<core_parallel>, #tpu.dimension_semantics<subcore_parallel>], iteration_bounds = array<i64: 2, 16>, scalar_prefetch = 0 : i64, scratch_operands = 5 : i64, tpu.core_type = #tpu.core_type<sc_vector_subcore>, window_params = [{transform_indices = #map}, {transform_indices = #map1}, {transform_indices = #map2}, {transform_indices = #map}]} {
    %run_scoped3A = arith.constant 0 : i32
    "tpu.region"() ({
      %run_scoped3A_10 = tpu.sem_alloc : memref<!tpu.dma_semaphore, #tpu.memory_space<semaphore_mem>>
      %dma_start3A = arith.constant 0 : i32
      %dma_start3A_11 = arith.constant 0 : i32
      %dma_start3A_12 = tpu.memref_slice %arg3[%run_scoped3A, %arg1, %dma_start3A, %dma_start3A_11] : memref<2x16x125x80xi32, #tpu.memory_space<hbm>> -> memref<1x1x125x80xi32, #tpu.memory_space<hbm>>
      %dma_start3A_13 = tpu.memref_squeeze %dma_start3A_12 : memref<1x1x125x80xi32, #tpu.memory_space<hbm>> -> memref<125x80xi32, #tpu.memory_space<hbm>>
      %dma_start3A_14 = arith.constant 0 : i32
      %dma_start3A_15 = arith.constant 0 : i32
      %dma_start3A_16 = tpu.memref_slice %arg3[%run_scoped3A, %arg1, %dma_start3A_14, %dma_start3A_15] : memref<2x16x125x80xi32, #tpu.memory_space<hbm>> -> memref<1x1x125x80xi32, #tpu.memory_space<hbm>>
      %dma_start3A_17 = tpu.memref_squeeze %dma_start3A_16 : memref<1x1x125x80xi32, #tpu.memory_space<hbm>> -> memref<125x80xi32, #tpu.memory_space<hbm>>
      tpu.enqueue_dma source(%dma_start3A_17 : memref<125x80xi32, #tpu.memory_space<hbm>>) target(%arg6 : memref<125x80xi32, #tpu.memory_space<vmem>>) target_semaphore(%run_scoped3A_10 : memref<!tpu.dma_semaphore, #tpu.memory_space<semaphore_mem>>)
      %dma_wait3A = arith.constant 0 : i32
      %dma_wait3A_18 = arith.constant 0 : i32
      %dma_wait3A_19 = tpu.memref_slice %arg3[%run_scoped3A, %arg1, %dma_wait3A, %dma_wait3A_18] : memref<2x16x125x80xi32, #tpu.memory_space<hbm>> -> memref<1x1x125x80xi32, #tpu.memory_space<hbm>>
      %dma_wait3A_20 = tpu.memref_squeeze %dma_wait3A_19 : memref<1x1x125x80xi32, #tpu.memory_space<hbm>> -> memref<125x80xi32, #tpu.memory_space<hbm>>
      %dma_wait3A_21 = arith.constant 0 : i32
      %dma_wait3A_22 = arith.constant 0 : i32
      %dma_wait3A_23 = tpu.memref_slice %arg3[%run_scoped3A, %arg1, %dma_wait3A_21, %dma_wait3A_22] : memref<2x16x125x80xi32, #tpu.memory_space<hbm>> -> memref<1x1x125x80xi32, #tpu.memory_space<hbm>>
      %dma_wait3A_24 = tpu.memref_squeeze %dma_wait3A_23 : memref<1x1x125x80xi32, #tpu.memory_space<hbm>> -> memref<125x80xi32, #tpu.memory_space<hbm>>
      tpu.wait_dma2 semaphore(%run_scoped3A_10 : memref<!tpu.dma_semaphore, #tpu.memory_space<semaphore_mem>>) src(%dma_wait3A_24 : memref<125x80xi32, #tpu.memory_space<hbm>>) dst(%arg6 : memref<125x80xi32, #tpu.memory_space<vmem>>)
      tpu.yield
    }) : () -> ()
    %run_scoped3A_0 = arith.constant 1 : i32
    "tpu.region"() ({
      %run_scoped3A_10 = tpu.sem_alloc : memref<!tpu.dma_semaphore, #tpu.memory_space<semaphore_mem>>
      %dma_start3A = arith.constant 0 : i32
      %dma_start3A_11 = arith.constant 0 : i32
      %dma_start3A_12 = tpu.memref_slice %arg3[%run_scoped3A_0, %arg1, %dma_start3A, %dma_start3A_11] : memref<2x16x125x80xi32, #tpu.memory_space<hbm>> -> memref<1x1x125x80xi32, #tpu.memory_space<hbm>>
      %dma_start3A_13 = tpu.memref_squeeze %dma_start3A_12 : memref<1x1x125x80xi32, #tpu.memory_space<hbm>> -> memref<125x80xi32, #tpu.memory_space<hbm>>
      %dma_start3A_14 = arith.constant 0 : i32
      %dma_start3A_15 = arith.constant 0 : i32
      %dma_start3A_16 = tpu.memref_slice %arg3[%run_scoped3A_0, %arg1, %dma_start3A_14, %dma_start3A_15] : memref<2x16x125x80xi32, #tpu.memory_space<hbm>> -> memref<1x1x125x80xi32, #tpu.memory_space<hbm>>
      %dma_start3A_17 = tpu.memref_squeeze %dma_start3A_16 : memref<1x1x125x80xi32, #tpu.memory_space<hbm>> -> memref<125x80xi32, #tpu.memory_space<hbm>>
      tpu.enqueue_dma source(%dma_start3A_17 : memref<125x80xi32, #tpu.memory_space<hbm>>) target(%arg7 : memref<125x80xi32, #tpu.memory_space<vmem>>) target_semaphore(%run_scoped3A_10 : memref<!tpu.dma_semaphore, #tpu.memory_space<semaphore_mem>>)
      %dma_wait3A = arith.constant 0 : i32
      %dma_wait3A_18 = arith.constant 0 : i32
      %dma_wait3A_19 = tpu.memref_slice %arg3[%run_scoped3A_0, %arg1, %dma_wait3A, %dma_wait3A_18] : memref<2x16x125x80xi32, #tpu.memory_space<hbm>> -> memref<1x1x125x80xi32, #tpu.memory_space<hbm>>
      %dma_wait3A_20 = tpu.memref_squeeze %dma_wait3A_19 : memref<1x1x125x80xi32, #tpu.memory_space<hbm>> -> memref<125x80xi32, #tpu.memory_space<hbm>>
      %dma_wait3A_21 = arith.constant 0 : i32
      %dma_wait3A_22 = arith.constant 0 : i32
      %dma_wait3A_23 = tpu.memref_slice %arg3[%run_scoped3A_0, %arg1, %dma_wait3A_21, %dma_wait3A_22] : memref<2x16x125x80xi32, #tpu.memory_space<hbm>> -> memref<1x1x125x80xi32, #tpu.memory_space<hbm>>
      %dma_wait3A_24 = tpu.memref_squeeze %dma_wait3A_23 : memref<1x1x125x80xi32, #tpu.memory_space<hbm>> -> memref<125x80xi32, #tpu.memory_space<hbm>>
      tpu.wait_dma2 semaphore(%run_scoped3A_10 : memref<!tpu.dma_semaphore, #tpu.memory_space<semaphore_mem>>) src(%dma_wait3A_24 : memref<125x80xi32, #tpu.memory_space<hbm>>) dst(%arg7 : memref<125x80xi32, #tpu.memory_space<vmem>>)
      tpu.yield
    }) : () -> ()
    %eq3A = arith.constant 0 : i32
    %eq3A_1 = arith.cmpi eq, %arg1, %eq3A : i32
    %convert_element_type3A = arith.extui %eq3A_1 : i1 to i32
    %cond3A = arith.constant 0 : i32
    %cond3A_2 = arith.cmpi ne, %convert_element_type3A, %cond3A : i32
    scf.if %cond3A_2 {
      "tpu.region"() ({
        %run_scoped3A_10 = tpu.sem_alloc : memref<!tpu.dma_semaphore, #tpu.memory_space<semaphore_mem>>
        tpu.enqueue_dma source(%arg4 : memref<10240x128xf32, #tpu.memory_space<hbm>>) target(%arg9 : memref<10240x128xf32, #tpu.memory_space<vmem_shared>>) target_semaphore(%run_scoped3A_10 : memref<!tpu.dma_semaphore, #tpu.memory_space<semaphore_mem>>)
        tpu.wait_dma2 semaphore(%run_scoped3A_10 : memref<!tpu.dma_semaphore, #tpu.memory_space<semaphore_mem>>) src(%arg4 : memref<10240x128xf32, #tpu.memory_space<hbm>>) dst(%arg9 : memref<10240x128xf32, #tpu.memory_space<vmem_shared>>)
        tpu.yield
      }) : () -> ()
    } else {
    }
    %barrier3A = arith.constant 0 : index
    tpu.barrier barrier_id(%barrier3A)
    %scan3A = arith.constant 0 : i32
    %scan3A_3 = arith.constant 0 : i32
    %scan3A_4 = arith.constant 125 : i32
    %scan3A_5 = arith.addi %scan3A_3, %scan3A_4 : i32
    %scan3A_6 = arith.constant 1 : i32
    scf.for %scan3A_10 = %scan3A_3 to %scan3A_5 step %scan3A_6  : i32 {
      %dma_start3A = arith.constant 0 : i32
      %dma_start3A_11 = tpu.memref_slice %arg6[%scan3A_10, %dma_start3A] : memref<125x80xi32, #tpu.memory_space<vmem>> -> memref<1x80xi32, #tpu.memory_space<vmem>>
      %dma_start3A_12 = tpu.memref_squeeze %dma_start3A_11 : memref<1x80xi32, #tpu.memory_space<vmem>> -> memref<80xi32, #tpu.memory_space<vmem>>
      %dma_start3A_13 = arith.constant 0 : i32
      %dma_start3A_14 = arith.constant 0 : i32
      %dma_start3A_15 = tpu.memref_slice %arg2[%arg0, %dma_start3A_13, %dma_start3A_14] : memref<2x10000x128xf32, #tpu.memory_space<hbm>> -> memref<1x10000x128xf32, #tpu.memory_space<hbm>>
      %dma_start3A_16 = tpu.memref_squeeze %dma_start3A_15 : memref<1x10000x128xf32, #tpu.memory_space<hbm>> -> memref<10000x128xf32, #tpu.memory_space<hbm>>
      %dma_start3A_17 = arith.constant 0 : i32
      %dma_start3A_18 = arith.constant 0 : i32
      %dma_start3A_19 = tpu.memref_slice %dma_start3A_16[%dma_start3A_17, %dma_start3A_18] : memref<10000x128xf32, #tpu.memory_space<hbm>> -> memref<10000x128xf32, #tpu.memory_space<hbm>>
      tpu.enqueue_indirect_dma source(%dma_start3A_19 : memref<10000x128xf32, #tpu.memory_space<hbm>>) target(%arg8 : memref<80x128xf32, #tpu.memory_space<vmem>>) offsets(%dma_start3A_12 : memref<80xi32, #tpu.memory_space<vmem>>) semaphore(%arg10 : memref<!tpu.dma_semaphore, #tpu.memory_space<semaphore_mem>>)
      %dma_wait3A = arith.constant 0 : i32
      %dma_wait3A_20 = tpu.memref_slice %arg6[%scan3A_10, %dma_wait3A] : memref<125x80xi32, #tpu.memory_space<vmem>> -> memref<1x80xi32, #tpu.memory_space<vmem>>
      %dma_wait3A_21 = tpu.memref_squeeze %dma_wait3A_20 : memref<1x80xi32, #tpu.memory_space<vmem>> -> memref<80xi32, #tpu.memory_space<vmem>>
      %dma_wait3A_22 = arith.constant 0 : i32
      %dma_wait3A_23 = arith.constant 0 : i32
      %dma_wait3A_24 = tpu.memref_slice %arg2[%arg0, %dma_wait3A_22, %dma_wait3A_23] : memref<2x10000x128xf32, #tpu.memory_space<hbm>> -> memref<1x10000x128xf32, #tpu.memory_space<hbm>>
      %dma_wait3A_25 = tpu.memref_squeeze %dma_wait3A_24 : memref<1x10000x128xf32, #tpu.memory_space<hbm>> -> memref<10000x128xf32, #tpu.memory_space<hbm>>
      %dma_wait3A_26 = arith.constant 0 : i32
      %dma_wait3A_27 = arith.constant 0 : i32
      %dma_wait3A_28 = tpu.memref_slice %dma_wait3A_25[%dma_wait3A_26, %dma_wait3A_27] : memref<10000x128xf32, #tpu.memory_space<hbm>> -> memref<10000x128xf32, #tpu.memory_space<hbm>>
      tpu.wait_indirect_dma semaphore(%arg10 : memref<!tpu.dma_semaphore, #tpu.memory_space<semaphore_mem>>) src(%dma_wait3A_28 : memref<10000x128xf32, #tpu.memory_space<hbm>>) dst(%arg8 : memref<80x128xf32, #tpu.memory_space<vmem>>)
      "tpu.region"() ({
        %run_scoped3A_29 = tpu.sem_alloc : memref<!tpu.dma_semaphore, #tpu.memory_space<semaphore_mem>>
        %dma_start3A_30 = arith.constant 0 : i32
        %dma_start3A_31 = tpu.memref_slice %arg7[%scan3A_10, %dma_start3A_30] : memref<125x80xi32, #tpu.memory_space<vmem>> -> memref<1x80xi32, #tpu.memory_space<vmem>>
        %dma_start3A_32 = tpu.memref_squeeze %dma_start3A_31 : memref<1x80xi32, #tpu.memory_space<vmem>> -> memref<80xi32, #tpu.memory_space<vmem>>
        %dma_start3A_33 = arith.constant 0 : i32
        %dma_start3A_34 = arith.constant 0 : i32
        %dma_start3A_35 = tpu.memref_slice %arg9[%dma_start3A_33, %dma_start3A_34] : memref<10240x128xf32, #tpu.memory_space<vmem_shared>> -> memref<10240x128xf32, #tpu.memory_space<vmem_shared>>
        tpu.enqueue_indirect_dma source(%arg8 : memref<80x128xf32, #tpu.memory_space<vmem>>) target(%dma_start3A_35 : memref<10240x128xf32, #tpu.memory_space<vmem_shared>>) offsets(%dma_start3A_32 : memref<80xi32, #tpu.memory_space<vmem>>) semaphore(%run_scoped3A_29 : memref<!tpu.dma_semaphore, #tpu.memory_space<semaphore_mem>>) {add = true}
        %dma_wait3A_36 = arith.constant 0 : i32
        %dma_wait3A_37 = tpu.memref_slice %arg7[%scan3A_10, %dma_wait3A_36] : memref<125x80xi32, #tpu.memory_space<vmem>> -> memref<1x80xi32, #tpu.memory_space<vmem>>
        %dma_wait3A_38 = tpu.memref_squeeze %dma_wait3A_37 : memref<1x80xi32, #tpu.memory_space<vmem>> -> memref<80xi32, #tpu.memory_space<vmem>>
        %dma_wait3A_39 = arith.constant 0 : i32
        %dma_wait3A_40 = arith.constant 0 : i32
        %dma_wait3A_41 = tpu.memref_slice %arg9[%dma_wait3A_39, %dma_wait3A_40] : memref<10240x128xf32, #tpu.memory_space<vmem_shared>> -> memref<10240x128xf32, #tpu.memory_space<vmem_shared>>
        tpu.wait_indirect_dma semaphore(%run_scoped3A_29 : memref<!tpu.dma_semaphore, #tpu.memory_space<semaphore_mem>>) src(%arg8 : memref<80x128xf32, #tpu.memory_space<vmem>>) dst(%dma_wait3A_41 : memref<10240x128xf32, #tpu.memory_space<vmem_shared>>)
        tpu.yield
      }) : () -> ()
    }
    %scan3A_7 = arith.constant 125 : i32
    %barrier3A_8 = arith.constant 0 : index
    tpu.barrier barrier_id(%barrier3A_8)
    %mul3A = arith.constant 640 : i32
    %mul3A_9 = arith.muli %arg1, %mul3A : i32
    "tpu.region"() ({
      %run_scoped3A_10 = tpu.sem_alloc : memref<!tpu.dma_semaphore, #tpu.memory_space<semaphore_mem>>
      %dma_start3A = arith.constant 0 : i32
      %dma_start3A_11 = arith.constant 0 : i32
      %dma_start3A_12 = tpu.memref_slice %arg5[%arg0, %dma_start3A, %dma_start3A_11] : memref<2x10240x128xf32, #tpu.memory_space<hbm>> -> memref<1x10240x128xf32, #tpu.memory_space<hbm>>
      %dma_start3A_13 = tpu.memref_squeeze %dma_start3A_12 : memref<1x10240x128xf32, #tpu.memory_space<hbm>> -> memref<10240x128xf32, #tpu.memory_space<hbm>>
      %dma_start3A_14 = arith.constant 0 : i32
      %dma_start3A_15 = tpu.memref_slice %dma_start3A_13[%mul3A_9, %dma_start3A_14] : memref<10240x128xf32, #tpu.memory_space<hbm>> -> memref<640x128xf32, #tpu.memory_space<hbm>>
      %dma_start3A_16 = arith.constant 0 : i32
      %dma_start3A_17 = tpu.memref_slice %arg9[%mul3A_9, %dma_start3A_16] : memref<10240x128xf32, #tpu.memory_space<vmem_shared>> -> memref<640x128xf32, #tpu.memory_space<vmem_shared>>
      tpu.enqueue_dma source(%dma_start3A_17 : memref<640x128xf32, #tpu.memory_space<vmem_shared>>) target(%dma_start3A_15 : memref<640x128xf32, #tpu.memory_space<hbm>>) target_semaphore(%run_scoped3A_10 : memref<!tpu.dma_semaphore, #tpu.memory_space<semaphore_mem>>)
      %dma_wait3A = arith.constant 0 : i32
      %dma_wait3A_18 = arith.constant 0 : i32
      %dma_wait3A_19 = tpu.memref_slice %arg5[%arg0, %dma_wait3A, %dma_wait3A_18] : memref<2x10240x128xf32, #tpu.memory_space<hbm>> -> memref<1x10240x128xf32, #tpu.memory_space<hbm>>
      %dma_wait3A_20 = tpu.memref_squeeze %dma_wait3A_19 : memref<1x10240x128xf32, #tpu.memory_space<hbm>> -> memref<10240x128xf32, #tpu.memory_space<hbm>>
      %dma_wait3A_21 = arith.constant 0 : i32
      %dma_wait3A_22 = tpu.memref_slice %dma_wait3A_20[%mul3A_9, %dma_wait3A_21] : memref<10240x128xf32, #tpu.memory_space<hbm>> -> memref<640x128xf32, #tpu.memory_space<hbm>>
      %dma_wait3A_23 = arith.constant 0 : i32
      %dma_wait3A_24 = tpu.memref_slice %arg9[%mul3A_9, %dma_wait3A_23] : memref<10240x128xf32, #tpu.memory_space<vmem_shared>> -> memref<640x128xf32, #tpu.memory_space<vmem_shared>>
      tpu.wait_dma2 semaphore(%run_scoped3A_10 : memref<!tpu.dma_semaphore, #tpu.memory_space<semaphore_mem>>) src(%dma_wait3A_24 : memref<640x128xf32, #tpu.memory_space<vmem_shared>>) dst(%dma_wait3A_22 : memref<640x128xf32, #tpu.memory_space<hbm>>)
      tpu.yield
    }) : () -> ()
    return
  }
}

#map = affine_map<(d0, d1) -> (0, 0, 0, 0)>
#map1 = affine_map<(d0, d1) -> (0, 0)>
#map2 = affine_map<(d0, d1) -> (0, 0, 0)>
module attributes {stable_mosaic.version = 14 : i64} {
  func.func @k(%arg0: i32, %arg1: i32, %arg2: memref<2x16x125x80xi32, #tpu.memory_space<hbm>>, %arg3: memref<80x128xf32, #tpu.memory_space<hbm>>, %arg4: memref<10240x128xf32, #tpu.memory_space<hbm>>, %arg5: memref<2x10240x128xf32, #tpu.memory_space<hbm>>, %arg6: memref<125x80xi32, #tpu.memory_space<vmem>>, %arg7: memref<80x128xf32, #tpu.memory_space<vmem>>, %arg8: memref<10240x128xf32, #tpu.memory_space<vmem_shared>>, %arg9: memref<!tpu.dma_semaphore, #tpu.memory_space<semaphore_mem>>) attributes {dimension_semantics = [#tpu.dimension_semantics<core_parallel>, #tpu.dimension_semantics<subcore_parallel>], iteration_bounds = array<i64: 2, 16>, scalar_prefetch = 0 : i64, scratch_operands = 4 : i64, tpu.core_type = #tpu.core_type<sc_vector_subcore>, window_params = [{transform_indices = #map}, {transform_indices = #map1}, {transform_indices = #map1}, {transform_indices = #map2}]} {
    "tpu.region"() ({
      %run_scoped3A = tpu.sem_alloc : memref<!tpu.dma_semaphore, #tpu.memory_space<semaphore_mem>>
      %dma_start3A = arith.constant 0 : i32
      %dma_start3A_9 = arith.constant 0 : i32
      %dma_start3A_10 = tpu.memref_slice %arg2[%arg0, %arg1, %dma_start3A, %dma_start3A_9] : memref<2x16x125x80xi32, #tpu.memory_space<hbm>> -> memref<1x1x125x80xi32, #tpu.memory_space<hbm>>
      %dma_start3A_11 = tpu.memref_squeeze %dma_start3A_10 : memref<1x1x125x80xi32, #tpu.memory_space<hbm>> -> memref<125x80xi32, #tpu.memory_space<hbm>>
      %dma_start3A_12 = arith.constant 0 : i32
      %dma_start3A_13 = arith.constant 0 : i32
      %dma_start3A_14 = tpu.memref_slice %arg2[%arg0, %arg1, %dma_start3A_12, %dma_start3A_13] : memref<2x16x125x80xi32, #tpu.memory_space<hbm>> -> memref<1x1x125x80xi32, #tpu.memory_space<hbm>>
      %dma_start3A_15 = tpu.memref_squeeze %dma_start3A_14 : memref<1x1x125x80xi32, #tpu.memory_space<hbm>> -> memref<125x80xi32, #tpu.memory_space<hbm>>
      tpu.enqueue_dma source(%dma_start3A_15 : memref<125x80xi32, #tpu.memory_space<hbm>>) target(%arg6 : memref<125x80xi32, #tpu.memory_space<vmem>>) target_semaphore(%run_scoped3A : memref<!tpu.dma_semaphore, #tpu.memory_space<semaphore_mem>>)
      %dma_wait3A = arith.constant 0 : i32
      %dma_wait3A_16 = arith.constant 0 : i32
      %dma_wait3A_17 = tpu.memref_slice %arg2[%arg0, %arg1, %dma_wait3A, %dma_wait3A_16] : memref<2x16x125x80xi32, #tpu.memory_space<hbm>> -> memref<1x1x125x80xi32, #tpu.memory_space<hbm>>
      %dma_wait3A_18 = tpu.memref_squeeze %dma_wait3A_17 : memref<1x1x125x80xi32, #tpu.memory_space<hbm>> -> memref<125x80xi32, #tpu.memory_space<hbm>>
      %dma_wait3A_19 = arith.constant 0 : i32
      %dma_wait3A_20 = arith.constant 0 : i32
      %dma_wait3A_21 = tpu.memref_slice %arg2[%arg0, %arg1, %dma_wait3A_19, %dma_wait3A_20] : memref<2x16x125x80xi32, #tpu.memory_space<hbm>> -> memref<1x1x125x80xi32, #tpu.memory_space<hbm>>
      %dma_wait3A_22 = tpu.memref_squeeze %dma_wait3A_21 : memref<1x1x125x80xi32, #tpu.memory_space<hbm>> -> memref<125x80xi32, #tpu.memory_space<hbm>>
      tpu.wait_dma2 semaphore(%run_scoped3A : memref<!tpu.dma_semaphore, #tpu.memory_space<semaphore_mem>>) src(%dma_wait3A_22 : memref<125x80xi32, #tpu.memory_space<hbm>>) dst(%arg6 : memref<125x80xi32, #tpu.memory_space<vmem>>)
      tpu.yield
    }) : () -> ()
    "tpu.region"() ({
      %run_scoped3A = tpu.sem_alloc : memref<!tpu.dma_semaphore, #tpu.memory_space<semaphore_mem>>
      tpu.enqueue_dma source(%arg3 : memref<80x128xf32, #tpu.memory_space<hbm>>) target(%arg7 : memref<80x128xf32, #tpu.memory_space<vmem>>) target_semaphore(%run_scoped3A : memref<!tpu.dma_semaphore, #tpu.memory_space<semaphore_mem>>)
      tpu.wait_dma2 semaphore(%run_scoped3A : memref<!tpu.dma_semaphore, #tpu.memory_space<semaphore_mem>>) src(%arg3 : memref<80x128xf32, #tpu.memory_space<hbm>>) dst(%arg7 : memref<80x128xf32, #tpu.memory_space<vmem>>)
      tpu.yield
    }) : () -> ()
    %eq3A = arith.constant 0 : i32
    %eq3A_0 = arith.cmpi eq, %arg1, %eq3A : i32
    %convert_element_type3A = arith.extui %eq3A_0 : i1 to i32
    %cond3A = arith.constant 0 : i32
    %cond3A_1 = arith.cmpi ne, %convert_element_type3A, %cond3A : i32
    scf.if %cond3A_1 {
      "tpu.region"() ({
        %run_scoped3A = tpu.sem_alloc : memref<!tpu.dma_semaphore, #tpu.memory_space<semaphore_mem>>
        tpu.enqueue_dma source(%arg4 : memref<10240x128xf32, #tpu.memory_space<hbm>>) target(%arg8 : memref<10240x128xf32, #tpu.memory_space<vmem_shared>>) target_semaphore(%run_scoped3A : memref<!tpu.dma_semaphore, #tpu.memory_space<semaphore_mem>>)
        tpu.wait_dma2 semaphore(%run_scoped3A : memref<!tpu.dma_semaphore, #tpu.memory_space<semaphore_mem>>) src(%arg4 : memref<10240x128xf32, #tpu.memory_space<hbm>>) dst(%arg8 : memref<10240x128xf32, #tpu.memory_space<vmem_shared>>)
        tpu.yield
      }) : () -> ()
    } else {
    }
    %barrier3A = arith.constant 0 : index
    tpu.barrier barrier_id(%barrier3A)
    %scan3A = arith.constant 0 : i32
    %scan3A_2 = arith.constant 0 : i32
    %scan3A_3 = arith.constant 125 : i32
    %scan3A_4 = arith.addi %scan3A_2, %scan3A_3 : i32
    %scan3A_5 = arith.constant 1 : i32
    scf.for %scan3A_9 = %scan3A_2 to %scan3A_4 step %scan3A_5  : i32 {
      "tpu.region"() ({
        %run_scoped3A = tpu.sem_alloc : memref<!tpu.dma_semaphore, #tpu.memory_space<semaphore_mem>>
        %dma_start3A = arith.constant 0 : i32
        %dma_start3A_10 = tpu.memref_slice %arg6[%scan3A_9, %dma_start3A] : memref<125x80xi32, #tpu.memory_space<vmem>> -> memref<1x80xi32, #tpu.memory_space<vmem>>
        %dma_start3A_11 = tpu.memref_squeeze %dma_start3A_10 : memref<1x80xi32, #tpu.memory_space<vmem>> -> memref<80xi32, #tpu.memory_space<vmem>>
        %dma_start3A_12 = arith.constant 0 : i32
        %dma_start3A_13 = arith.constant 0 : i32
        %dma_start3A_14 = tpu.memref_slice %arg8[%dma_start3A_12, %dma_start3A_13] : memref<10240x128xf32, #tpu.memory_space<vmem_shared>> -> memref<10240x128xf32, #tpu.memory_space<vmem_shared>>
        tpu.enqueue_indirect_dma source(%arg7 : memref<80x128xf32, #tpu.memory_space<vmem>>) target(%dma_start3A_14 : memref<10240x128xf32, #tpu.memory_space<vmem_shared>>) offsets(%dma_start3A_11 : memref<80xi32, #tpu.memory_space<vmem>>) semaphore(%run_scoped3A : memref<!tpu.dma_semaphore, #tpu.memory_space<semaphore_mem>>) {add = true}
        %dma_wait3A = arith.constant 0 : i32
        %dma_wait3A_15 = tpu.memref_slice %arg6[%scan3A_9, %dma_wait3A] : memref<125x80xi32, #tpu.memory_space<vmem>> -> memref<1x80xi32, #tpu.memory_space<vmem>>
        %dma_wait3A_16 = tpu.memref_squeeze %dma_wait3A_15 : memref<1x80xi32, #tpu.memory_space<vmem>> -> memref<80xi32, #tpu.memory_space<vmem>>
        %dma_wait3A_17 = arith.constant 0 : i32
        %dma_wait3A_18 = arith.constant 0 : i32
        %dma_wait3A_19 = tpu.memref_slice %arg8[%dma_wait3A_17, %dma_wait3A_18] : memref<10240x128xf32, #tpu.memory_space<vmem_shared>> -> memref<10240x128xf32, #tpu.memory_space<vmem_shared>>
        tpu.wait_indirect_dma semaphore(%run_scoped3A : memref<!tpu.dma_semaphore, #tpu.memory_space<semaphore_mem>>) src(%arg7 : memref<80x128xf32, #tpu.memory_space<vmem>>) dst(%dma_wait3A_19 : memref<10240x128xf32, #tpu.memory_space<vmem_shared>>)
        tpu.yield
      }) : () -> ()
    }
    %scan3A_6 = arith.constant 125 : i32
    %barrier3A_7 = arith.constant 0 : index
    tpu.barrier barrier_id(%barrier3A_7)
    %mul3A = arith.constant 640 : i32
    %mul3A_8 = arith.muli %arg1, %mul3A : i32
    "tpu.region"() ({
      %run_scoped3A = tpu.sem_alloc : memref<!tpu.dma_semaphore, #tpu.memory_space<semaphore_mem>>
      %dma_start3A = arith.constant 0 : i32
      %dma_start3A_9 = arith.constant 0 : i32
      %dma_start3A_10 = tpu.memref_slice %arg5[%arg0, %dma_start3A, %dma_start3A_9] : memref<2x10240x128xf32, #tpu.memory_space<hbm>> -> memref<1x10240x128xf32, #tpu.memory_space<hbm>>
      %dma_start3A_11 = tpu.memref_squeeze %dma_start3A_10 : memref<1x10240x128xf32, #tpu.memory_space<hbm>> -> memref<10240x128xf32, #tpu.memory_space<hbm>>
      %dma_start3A_12 = arith.constant 0 : i32
      %dma_start3A_13 = tpu.memref_slice %dma_start3A_11[%mul3A_8, %dma_start3A_12] : memref<10240x128xf32, #tpu.memory_space<hbm>> -> memref<640x128xf32, #tpu.memory_space<hbm>>
      %dma_start3A_14 = arith.constant 0 : i32
      %dma_start3A_15 = tpu.memref_slice %arg8[%mul3A_8, %dma_start3A_14] : memref<10240x128xf32, #tpu.memory_space<vmem_shared>> -> memref<640x128xf32, #tpu.memory_space<vmem_shared>>
      tpu.enqueue_dma source(%dma_start3A_15 : memref<640x128xf32, #tpu.memory_space<vmem_shared>>) target(%dma_start3A_13 : memref<640x128xf32, #tpu.memory_space<hbm>>) target_semaphore(%run_scoped3A : memref<!tpu.dma_semaphore, #tpu.memory_space<semaphore_mem>>)
      %dma_wait3A = arith.constant 0 : i32
      %dma_wait3A_16 = arith.constant 0 : i32
      %dma_wait3A_17 = tpu.memref_slice %arg5[%arg0, %dma_wait3A, %dma_wait3A_16] : memref<2x10240x128xf32, #tpu.memory_space<hbm>> -> memref<1x10240x128xf32, #tpu.memory_space<hbm>>
      %dma_wait3A_18 = tpu.memref_squeeze %dma_wait3A_17 : memref<1x10240x128xf32, #tpu.memory_space<hbm>> -> memref<10240x128xf32, #tpu.memory_space<hbm>>
      %dma_wait3A_19 = arith.constant 0 : i32
      %dma_wait3A_20 = tpu.memref_slice %dma_wait3A_18[%mul3A_8, %dma_wait3A_19] : memref<10240x128xf32, #tpu.memory_space<hbm>> -> memref<640x128xf32, #tpu.memory_space<hbm>>
      %dma_wait3A_21 = arith.constant 0 : i32
      %dma_wait3A_22 = tpu.memref_slice %arg8[%mul3A_8, %dma_wait3A_21] : memref<10240x128xf32, #tpu.memory_space<vmem_shared>> -> memref<640x128xf32, #tpu.memory_space<vmem_shared>>
      tpu.wait_dma2 semaphore(%run_scoped3A : memref<!tpu.dma_semaphore, #tpu.memory_space<semaphore_mem>>) src(%dma_wait3A_22 : memref<640x128xf32, #tpu.memory_space<vmem_shared>>) dst(%dma_wait3A_20 : memref<640x128xf32, #tpu.memory_space<hbm>>)
      tpu.yield
    }) : () -> ()
    return
  }
}

#map = affine_map<(d0, d1) -> (0, 0, 0)>
#map1 = affine_map<(d0, d1) -> (0, 0, 0, 0)>
module attributes {stable_mosaic.version = 14 : i64} {
  func.func @k(%arg0: i32, %arg1: i32, %arg2: memref<2x10000x128xf32, #tpu.memory_space<hbm>>, %arg3: memref<2x16x125x80xi32, #tpu.memory_space<hbm>>, %arg4: memref<2x160000x128xf32, #tpu.memory_space<hbm>>, %arg5: memref<2x160000x128xf32, #tpu.memory_space<hbm>>, %arg6: memref<125x80xi32, #tpu.memory_space<vmem>>, %arg7: memref<125x80xi32, #tpu.memory_space<vmem>>, %arg8: memref<80x128xf32, #tpu.memory_space<vmem>>, %arg9: memref<80x128xf32, #tpu.memory_space<vmem>>, %arg10: memref<!tpu.dma_semaphore, #tpu.memory_space<semaphore_mem>>) attributes {dimension_semantics = [#tpu.dimension_semantics<core_parallel>, #tpu.dimension_semantics<subcore_parallel>], iteration_bounds = array<i64: 2, 16>, scalar_prefetch = 0 : i64, scratch_operands = 5 : i64, tpu.core_type = #tpu.core_type<sc_vector_subcore>, window_params = [{transform_indices = #map}, {transform_indices = #map1}, {transform_indices = #map}, {transform_indices = #map}]} {
    %run_scoped3A = arith.constant 0 : i32
    "tpu.region"() ({
      %run_scoped3A_6 = tpu.sem_alloc : memref<!tpu.dma_semaphore, #tpu.memory_space<semaphore_mem>>
      %dma_start3A = arith.constant 0 : i32
      %dma_start3A_7 = arith.constant 0 : i32
      %dma_start3A_8 = tpu.memref_slice %arg3[%run_scoped3A, %arg1, %dma_start3A, %dma_start3A_7] : memref<2x16x125x80xi32, #tpu.memory_space<hbm>> -> memref<1x1x125x80xi32, #tpu.memory_space<hbm>>
      %dma_start3A_9 = tpu.memref_squeeze %dma_start3A_8 : memref<1x1x125x80xi32, #tpu.memory_space<hbm>> -> memref<125x80xi32, #tpu.memory_space<hbm>>
      %dma_start3A_10 = arith.constant 0 : i32
      %dma_start3A_11 = arith.constant 0 : i32
      %dma_start3A_12 = tpu.memref_slice %arg3[%run_scoped3A, %arg1, %dma_start3A_10, %dma_start3A_11] : memref<2x16x125x80xi32, #tpu.memory_space<hbm>> -> memref<1x1x125x80xi32, #tpu.memory_space<hbm>>
      %dma_start3A_13 = tpu.memref_squeeze %dma_start3A_12 : memref<1x1x125x80xi32, #tpu.memory_space<hbm>> -> memref<125x80xi32, #tpu.memory_space<hbm>>
      tpu.enqueue_dma source(%dma_start3A_13 : memref<125x80xi32, #tpu.memory_space<hbm>>) target(%arg6 : memref<125x80xi32, #tpu.memory_space<vmem>>) target_semaphore(%run_scoped3A_6 : memref<!tpu.dma_semaphore, #tpu.memory_space<semaphore_mem>>)
      %dma_wait3A = arith.constant 0 : i32
      %dma_wait3A_14 = arith.constant 0 : i32
      %dma_wait3A_15 = tpu.memref_slice %arg3[%run_scoped3A, %arg1, %dma_wait3A, %dma_wait3A_14] : memref<2x16x125x80xi32, #tpu.memory_space<hbm>> -> memref<1x1x125x80xi32, #tpu.memory_space<hbm>>
      %dma_wait3A_16 = tpu.memref_squeeze %dma_wait3A_15 : memref<1x1x125x80xi32, #tpu.memory_space<hbm>> -> memref<125x80xi32, #tpu.memory_space<hbm>>
      %dma_wait3A_17 = arith.constant 0 : i32
      %dma_wait3A_18 = arith.constant 0 : i32
      %dma_wait3A_19 = tpu.memref_slice %arg3[%run_scoped3A, %arg1, %dma_wait3A_17, %dma_wait3A_18] : memref<2x16x125x80xi32, #tpu.memory_space<hbm>> -> memref<1x1x125x80xi32, #tpu.memory_space<hbm>>
      %dma_wait3A_20 = tpu.memref_squeeze %dma_wait3A_19 : memref<1x1x125x80xi32, #tpu.memory_space<hbm>> -> memref<125x80xi32, #tpu.memory_space<hbm>>
      tpu.wait_dma2 semaphore(%run_scoped3A_6 : memref<!tpu.dma_semaphore, #tpu.memory_space<semaphore_mem>>) src(%dma_wait3A_20 : memref<125x80xi32, #tpu.memory_space<hbm>>) dst(%arg6 : memref<125x80xi32, #tpu.memory_space<vmem>>)
      tpu.yield
    }) : () -> ()
    %run_scoped3A_0 = arith.constant 1 : i32
    "tpu.region"() ({
      %run_scoped3A_6 = tpu.sem_alloc : memref<!tpu.dma_semaphore, #tpu.memory_space<semaphore_mem>>
      %dma_start3A = arith.constant 0 : i32
      %dma_start3A_7 = arith.constant 0 : i32
      %dma_start3A_8 = tpu.memref_slice %arg3[%run_scoped3A_0, %arg1, %dma_start3A, %dma_start3A_7] : memref<2x16x125x80xi32, #tpu.memory_space<hbm>> -> memref<1x1x125x80xi32, #tpu.memory_space<hbm>>
      %dma_start3A_9 = tpu.memref_squeeze %dma_start3A_8 : memref<1x1x125x80xi32, #tpu.memory_space<hbm>> -> memref<125x80xi32, #tpu.memory_space<hbm>>
      %dma_start3A_10 = arith.constant 0 : i32
      %dma_start3A_11 = arith.constant 0 : i32
      %dma_start3A_12 = tpu.memref_slice %arg3[%run_scoped3A_0, %arg1, %dma_start3A_10, %dma_start3A_11] : memref<2x16x125x80xi32, #tpu.memory_space<hbm>> -> memref<1x1x125x80xi32, #tpu.memory_space<hbm>>
      %dma_start3A_13 = tpu.memref_squeeze %dma_start3A_12 : memref<1x1x125x80xi32, #tpu.memory_space<hbm>> -> memref<125x80xi32, #tpu.memory_space<hbm>>
      tpu.enqueue_dma source(%dma_start3A_13 : memref<125x80xi32, #tpu.memory_space<hbm>>) target(%arg7 : memref<125x80xi32, #tpu.memory_space<vmem>>) target_semaphore(%run_scoped3A_6 : memref<!tpu.dma_semaphore, #tpu.memory_space<semaphore_mem>>)
      %dma_wait3A = arith.constant 0 : i32
      %dma_wait3A_14 = arith.constant 0 : i32
      %dma_wait3A_15 = tpu.memref_slice %arg3[%run_scoped3A_0, %arg1, %dma_wait3A, %dma_wait3A_14] : memref<2x16x125x80xi32, #tpu.memory_space<hbm>> -> memref<1x1x125x80xi32, #tpu.memory_space<hbm>>
      %dma_wait3A_16 = tpu.memref_squeeze %dma_wait3A_15 : memref<1x1x125x80xi32, #tpu.memory_space<hbm>> -> memref<125x80xi32, #tpu.memory_space<hbm>>
      %dma_wait3A_17 = arith.constant 0 : i32
      %dma_wait3A_18 = arith.constant 0 : i32
      %dma_wait3A_19 = tpu.memref_slice %arg3[%run_scoped3A_0, %arg1, %dma_wait3A_17, %dma_wait3A_18] : memref<2x16x125x80xi32, #tpu.memory_space<hbm>> -> memref<1x1x125x80xi32, #tpu.memory_space<hbm>>
      %dma_wait3A_20 = tpu.memref_squeeze %dma_wait3A_19 : memref<1x1x125x80xi32, #tpu.memory_space<hbm>> -> memref<125x80xi32, #tpu.memory_space<hbm>>
      tpu.wait_dma2 semaphore(%run_scoped3A_6 : memref<!tpu.dma_semaphore, #tpu.memory_space<semaphore_mem>>) src(%dma_wait3A_20 : memref<125x80xi32, #tpu.memory_space<hbm>>) dst(%arg7 : memref<125x80xi32, #tpu.memory_space<vmem>>)
      tpu.yield
    }) : () -> ()
    %scan3A = arith.constant 0 : i32
    %scan3A_1 = arith.constant 0 : i32
    %scan3A_2 = arith.constant 125 : i32
    %scan3A_3 = arith.addi %scan3A_1, %scan3A_2 : i32
    %scan3A_4 = arith.constant 1 : i32
    scf.for %scan3A_6 = %scan3A_1 to %scan3A_3 step %scan3A_4  : i32 {
      %mul3A = arith.constant 10000 : i32
      %mul3A_7 = arith.muli %arg1, %mul3A : i32
      %mul3A_8 = arith.constant 80 : i32
      %mul3A_9 = arith.muli %scan3A_6, %mul3A_8 : i32
      %add3A = arith.addi %mul3A_7, %mul3A_9 : i32
      %dma_start3A = arith.constant 0 : i32
      %dma_start3A_10 = tpu.memref_slice %arg6[%scan3A_6, %dma_start3A] : memref<125x80xi32, #tpu.memory_space<vmem>> -> memref<1x80xi32, #tpu.memory_space<vmem>>
      %dma_start3A_11 = tpu.memref_squeeze %dma_start3A_10 : memref<1x80xi32, #tpu.memory_space<vmem>> -> memref<80xi32, #tpu.memory_space<vmem>>
      %dma_start3A_12 = arith.constant 0 : i32
      %dma_start3A_13 = arith.constant 0 : i32
      %dma_start3A_14 = tpu.memref_slice %arg2[%arg0, %dma_start3A_12, %dma_start3A_13] : memref<2x10000x128xf32, #tpu.memory_space<hbm>> -> memref<1x10000x128xf32, #tpu.memory_space<hbm>>
      %dma_start3A_15 = tpu.memref_squeeze %dma_start3A_14 : memref<1x10000x128xf32, #tpu.memory_space<hbm>> -> memref<10000x128xf32, #tpu.memory_space<hbm>>
      %dma_start3A_16 = arith.constant 0 : i32
      %dma_start3A_17 = arith.constant 0 : i32
      %dma_start3A_18 = tpu.memref_slice %dma_start3A_15[%dma_start3A_16, %dma_start3A_17] : memref<10000x128xf32, #tpu.memory_space<hbm>> -> memref<10000x128xf32, #tpu.memory_space<hbm>>
      tpu.enqueue_indirect_dma source(%dma_start3A_18 : memref<10000x128xf32, #tpu.memory_space<hbm>>) target(%arg8 : memref<80x128xf32, #tpu.memory_space<vmem>>) offsets(%dma_start3A_11 : memref<80xi32, #tpu.memory_space<vmem>>) semaphore(%arg10 : memref<!tpu.dma_semaphore, #tpu.memory_space<semaphore_mem>>)
      %dma_wait3A = arith.constant 0 : i32
      %dma_wait3A_19 = tpu.memref_slice %arg6[%scan3A_6, %dma_wait3A] : memref<125x80xi32, #tpu.memory_space<vmem>> -> memref<1x80xi32, #tpu.memory_space<vmem>>
      %dma_wait3A_20 = tpu.memref_squeeze %dma_wait3A_19 : memref<1x80xi32, #tpu.memory_space<vmem>> -> memref<80xi32, #tpu.memory_space<vmem>>
      %dma_wait3A_21 = arith.constant 0 : i32
      %dma_wait3A_22 = arith.constant 0 : i32
      %dma_wait3A_23 = tpu.memref_slice %arg2[%arg0, %dma_wait3A_21, %dma_wait3A_22] : memref<2x10000x128xf32, #tpu.memory_space<hbm>> -> memref<1x10000x128xf32, #tpu.memory_space<hbm>>
      %dma_wait3A_24 = tpu.memref_squeeze %dma_wait3A_23 : memref<1x10000x128xf32, #tpu.memory_space<hbm>> -> memref<10000x128xf32, #tpu.memory_space<hbm>>
      %dma_wait3A_25 = arith.constant 0 : i32
      %dma_wait3A_26 = arith.constant 0 : i32
      %dma_wait3A_27 = tpu.memref_slice %dma_wait3A_24[%dma_wait3A_25, %dma_wait3A_26] : memref<10000x128xf32, #tpu.memory_space<hbm>> -> memref<10000x128xf32, #tpu.memory_space<hbm>>
      tpu.wait_indirect_dma semaphore(%arg10 : memref<!tpu.dma_semaphore, #tpu.memory_space<semaphore_mem>>) src(%dma_wait3A_27 : memref<10000x128xf32, #tpu.memory_space<hbm>>) dst(%arg8 : memref<80x128xf32, #tpu.memory_space<vmem>>)
      "tpu.region"() ({
        %run_scoped3A_48 = tpu.sem_alloc : memref<!tpu.dma_semaphore, #tpu.memory_space<semaphore_mem>>
        %dma_start3A_49 = arith.constant 0 : i32
        %dma_start3A_50 = arith.constant 0 : i32
        %dma_start3A_51 = tpu.memref_slice %arg4[%arg0, %dma_start3A_49, %dma_start3A_50] : memref<2x160000x128xf32, #tpu.memory_space<hbm>> -> memref<1x160000x128xf32, #tpu.memory_space<hbm>>
        %dma_start3A_52 = tpu.memref_squeeze %dma_start3A_51 : memref<1x160000x128xf32, #tpu.memory_space<hbm>> -> memref<160000x128xf32, #tpu.memory_space<hbm>>
        %dma_start3A_53 = arith.constant 0 : i32
        %dma_start3A_54 = tpu.memref_slice %dma_start3A_52[%add3A, %dma_start3A_53] : memref<160000x128xf32, #tpu.memory_space<hbm>> -> memref<80x128xf32, #tpu.memory_space<hbm>>
        %dma_start3A_55 = arith.constant 0 : i32
        %dma_start3A_56 = arith.constant 0 : i32
        %dma_start3A_57 = tpu.memref_slice %arg4[%arg0, %dma_start3A_55, %dma_start3A_56] : memref<2x160000x128xf32, #tpu.memory_space<hbm>> -> memref<1x160000x128xf32, #tpu.memory_space<hbm>>
        %dma_start3A_58 = tpu.memref_squeeze %dma_start3A_57 : memref<1x160000x128xf32, #tpu.memory_space<hbm>> -> memref<160000x128xf32, #tpu.memory_space<hbm>>
        %dma_start3A_59 = arith.constant 0 : i32
        %dma_start3A_60 = tpu.memref_slice %dma_start3A_58[%add3A, %dma_start3A_59] : memref<160000x128xf32, #tpu.memory_space<hbm>> -> memref<80x128xf32, #tpu.memory_space<hbm>>
        tpu.enqueue_dma source(%arg8 : memref<80x128xf32, #tpu.memory_space<vmem>>) target(%dma_start3A_60 : memref<80x128xf32, #tpu.memory_space<hbm>>) target_semaphore(%run_scoped3A_48 : memref<!tpu.dma_semaphore, #tpu.memory_space<semaphore_mem>>)
        %dma_wait3A_61 = arith.constant 0 : i32
        %dma_wait3A_62 = arith.constant 0 : i32
        %dma_wait3A_63 = tpu.memref_slice %arg4[%arg0, %dma_wait3A_61, %dma_wait3A_62] : memref<2x160000x128xf32, #tpu.memory_space<hbm>> -> memref<1x160000x128xf32, #tpu.memory_space<hbm>>
        %dma_wait3A_64 = tpu.memref_squeeze %dma_wait3A_63 : memref<1x160000x128xf32, #tpu.memory_space<hbm>> -> memref<160000x128xf32, #tpu.memory_space<hbm>>
        %dma_wait3A_65 = arith.constant 0 : i32
        %dma_wait3A_66 = tpu.memref_slice %dma_wait3A_64[%add3A, %dma_wait3A_65] : memref<160000x128xf32, #tpu.memory_space<hbm>> -> memref<80x128xf32, #tpu.memory_space<hbm>>
        %dma_wait3A_67 = arith.constant 0 : i32
        %dma_wait3A_68 = arith.constant 0 : i32
        %dma_wait3A_69 = tpu.memref_slice %arg4[%arg0, %dma_wait3A_67, %dma_wait3A_68] : memref<2x160000x128xf32, #tpu.memory_space<hbm>> -> memref<1x160000x128xf32, #tpu.memory_space<hbm>>
        %dma_wait3A_70 = tpu.memref_squeeze %dma_wait3A_69 : memref<1x160000x128xf32, #tpu.memory_space<hbm>> -> memref<160000x128xf32, #tpu.memory_space<hbm>>
        %dma_wait3A_71 = arith.constant 0 : i32
        %dma_wait3A_72 = tpu.memref_slice %dma_wait3A_70[%add3A, %dma_wait3A_71] : memref<160000x128xf32, #tpu.memory_space<hbm>> -> memref<80x128xf32, #tpu.memory_space<hbm>>
        tpu.wait_dma2 semaphore(%run_scoped3A_48 : memref<!tpu.dma_semaphore, #tpu.memory_space<semaphore_mem>>) src(%arg8 : memref<80x128xf32, #tpu.memory_space<vmem>>) dst(%dma_wait3A_72 : memref<80x128xf32, #tpu.memory_space<hbm>>)
        tpu.yield
      }) : () -> ()
      %dma_start3A_28 = arith.constant 0 : i32
      %dma_start3A_29 = tpu.memref_slice %arg7[%scan3A_6, %dma_start3A_28] : memref<125x80xi32, #tpu.memory_space<vmem>> -> memref<1x80xi32, #tpu.memory_space<vmem>>
      %dma_start3A_30 = tpu.memref_squeeze %dma_start3A_29 : memref<1x80xi32, #tpu.memory_space<vmem>> -> memref<80xi32, #tpu.memory_space<vmem>>
      %dma_start3A_31 = arith.constant 0 : i32
      %dma_start3A_32 = arith.constant 0 : i32
      %dma_start3A_33 = tpu.memref_slice %arg2[%arg0, %dma_start3A_31, %dma_start3A_32] : memref<2x10000x128xf32, #tpu.memory_space<hbm>> -> memref<1x10000x128xf32, #tpu.memory_space<hbm>>
      %dma_start3A_34 = tpu.memref_squeeze %dma_start3A_33 : memref<1x10000x128xf32, #tpu.memory_space<hbm>> -> memref<10000x128xf32, #tpu.memory_space<hbm>>
      %dma_start3A_35 = arith.constant 0 : i32
      %dma_start3A_36 = arith.constant 0 : i32
      %dma_start3A_37 = tpu.memref_slice %dma_start3A_34[%dma_start3A_35, %dma_start3A_36] : memref<10000x128xf32, #tpu.memory_space<hbm>> -> memref<10000x128xf32, #tpu.memory_space<hbm>>
      tpu.enqueue_indirect_dma source(%dma_start3A_37 : memref<10000x128xf32, #tpu.memory_space<hbm>>) target(%arg9 : memref<80x128xf32, #tpu.memory_space<vmem>>) offsets(%dma_start3A_30 : memref<80xi32, #tpu.memory_space<vmem>>) semaphore(%arg10 : memref<!tpu.dma_semaphore, #tpu.memory_space<semaphore_mem>>)
      %dma_wait3A_38 = arith.constant 0 : i32
      %dma_wait3A_39 = tpu.memref_slice %arg7[%scan3A_6, %dma_wait3A_38] : memref<125x80xi32, #tpu.memory_space<vmem>> -> memref<1x80xi32, #tpu.memory_space<vmem>>
      %dma_wait3A_40 = tpu.memref_squeeze %dma_wait3A_39 : memref<1x80xi32, #tpu.memory_space<vmem>> -> memref<80xi32, #tpu.memory_space<vmem>>
      %dma_wait3A_41 = arith.constant 0 : i32
      %dma_wait3A_42 = arith.constant 0 : i32
      %dma_wait3A_43 = tpu.memref_slice %arg2[%arg0, %dma_wait3A_41, %dma_wait3A_42] : memref<2x10000x128xf32, #tpu.memory_space<hbm>> -> memref<1x10000x128xf32, #tpu.memory_space<hbm>>
      %dma_wait3A_44 = tpu.memref_squeeze %dma_wait3A_43 : memref<1x10000x128xf32, #tpu.memory_space<hbm>> -> memref<10000x128xf32, #tpu.memory_space<hbm>>
      %dma_wait3A_45 = arith.constant 0 : i32
      %dma_wait3A_46 = arith.constant 0 : i32
      %dma_wait3A_47 = tpu.memref_slice %dma_wait3A_44[%dma_wait3A_45, %dma_wait3A_46] : memref<10000x128xf32, #tpu.memory_space<hbm>> -> memref<10000x128xf32, #tpu.memory_space<hbm>>
      tpu.wait_indirect_dma semaphore(%arg10 : memref<!tpu.dma_semaphore, #tpu.memory_space<semaphore_mem>>) src(%dma_wait3A_47 : memref<10000x128xf32, #tpu.memory_space<hbm>>) dst(%arg9 : memref<80x128xf32, #tpu.memory_space<vmem>>)
      "tpu.region"() ({
        %run_scoped3A_48 = tpu.sem_alloc : memref<!tpu.dma_semaphore, #tpu.memory_space<semaphore_mem>>
        %dma_start3A_49 = arith.constant 0 : i32
        %dma_start3A_50 = arith.constant 0 : i32
        %dma_start3A_51 = tpu.memref_slice %arg5[%arg0, %dma_start3A_49, %dma_start3A_50] : memref<2x160000x128xf32, #tpu.memory_space<hbm>> -> memref<1x160000x128xf32, #tpu.memory_space<hbm>>
        %dma_start3A_52 = tpu.memref_squeeze %dma_start3A_51 : memref<1x160000x128xf32, #tpu.memory_space<hbm>> -> memref<160000x128xf32, #tpu.memory_space<hbm>>
        %dma_start3A_53 = arith.constant 0 : i32
        %dma_start3A_54 = tpu.memref_slice %dma_start3A_52[%add3A, %dma_start3A_53] : memref<160000x128xf32, #tpu.memory_space<hbm>> -> memref<80x128xf32, #tpu.memory_space<hbm>>
        %dma_start3A_55 = arith.constant 0 : i32
        %dma_start3A_56 = arith.constant 0 : i32
        %dma_start3A_57 = tpu.memref_slice %arg5[%arg0, %dma_start3A_55, %dma_start3A_56] : memref<2x160000x128xf32, #tpu.memory_space<hbm>> -> memref<1x160000x128xf32, #tpu.memory_space<hbm>>
        %dma_start3A_58 = tpu.memref_squeeze %dma_start3A_57 : memref<1x160000x128xf32, #tpu.memory_space<hbm>> -> memref<160000x128xf32, #tpu.memory_space<hbm>>
        %dma_start3A_59 = arith.constant 0 : i32
        %dma_start3A_60 = tpu.memref_slice %dma_start3A_58[%add3A, %dma_start3A_59] : memref<160000x128xf32, #tpu.memory_space<hbm>> -> memref<80x128xf32, #tpu.memory_space<hbm>>
        tpu.enqueue_dma source(%arg9 : memref<80x128xf32, #tpu.memory_space<vmem>>) target(%dma_start3A_60 : memref<80x128xf32, #tpu.memory_space<hbm>>) target_semaphore(%run_scoped3A_48 : memref<!tpu.dma_semaphore, #tpu.memory_space<semaphore_mem>>)
        %dma_wait3A_61 = arith.constant 0 : i32
        %dma_wait3A_62 = arith.constant 0 : i32
        %dma_wait3A_63 = tpu.memref_slice %arg5[%arg0, %dma_wait3A_61, %dma_wait3A_62] : memref<2x160000x128xf32, #tpu.memory_space<hbm>> -> memref<1x160000x128xf32, #tpu.memory_space<hbm>>
        %dma_wait3A_64 = tpu.memref_squeeze %dma_wait3A_63 : memref<1x160000x128xf32, #tpu.memory_space<hbm>> -> memref<160000x128xf32, #tpu.memory_space<hbm>>
        %dma_wait3A_65 = arith.constant 0 : i32
        %dma_wait3A_66 = tpu.memref_slice %dma_wait3A_64[%add3A, %dma_wait3A_65] : memref<160000x128xf32, #tpu.memory_space<hbm>> -> memref<80x128xf32, #tpu.memory_space<hbm>>
        %dma_wait3A_67 = arith.constant 0 : i32
        %dma_wait3A_68 = arith.constant 0 : i32
        %dma_wait3A_69 = tpu.memref_slice %arg5[%arg0, %dma_wait3A_67, %dma_wait3A_68] : memref<2x160000x128xf32, #tpu.memory_space<hbm>> -> memref<1x160000x128xf32, #tpu.memory_space<hbm>>
        %dma_wait3A_70 = tpu.memref_squeeze %dma_wait3A_69 : memref<1x160000x128xf32, #tpu.memory_space<hbm>> -> memref<160000x128xf32, #tpu.memory_space<hbm>>
        %dma_wait3A_71 = arith.constant 0 : i32
        %dma_wait3A_72 = tpu.memref_slice %dma_wait3A_70[%add3A, %dma_wait3A_71] : memref<160000x128xf32, #tpu.memory_space<hbm>> -> memref<80x128xf32, #tpu.memory_space<hbm>>
        tpu.wait_dma2 semaphore(%run_scoped3A_48 : memref<!tpu.dma_semaphore, #tpu.memory_space<semaphore_mem>>) src(%arg9 : memref<80x128xf32, #tpu.memory_space<vmem>>) dst(%dma_wait3A_72 : memref<80x128xf32, #tpu.memory_space<hbm>>)
        tpu.yield
      }) : () -> ()
    }
    %scan3A_5 = arith.constant 125 : i32
    return
  }
}

#map = affine_map<(d0, d1) -> (0, 0)>
#map1 = affine_map<(d0, d1) -> (0, 0, 0, 0, 0)>
#map2 = affine_map<(d0, d1) -> (0, 0, 0)>
module attributes {stable_mosaic.version = 14 : i64} {
  func.func @k(%arg0: i32, %arg1: i32, %arg2: memref<10000x128xf32, #tpu.memory_space<hbm>>, %arg3: memref<2x2x16x125x40xi32, #tpu.memory_space<hbm>>, %arg4: memref<10240x128xf32, #tpu.memory_space<hbm>>, %arg5: memref<2x10240x128xf32, #tpu.memory_space<hbm>>, %arg6: memref<125x40xi32, #tpu.memory_space<vmem>>, %arg7: memref<125x40xi32, #tpu.memory_space<vmem>>, %arg8: memref<40x128xf32, #tpu.memory_space<vmem>>, %arg9: memref<10240x128xf32, #tpu.memory_space<vmem_shared>>, %arg10: memref<!tpu.dma_semaphore, #tpu.memory_space<semaphore_mem>>) attributes {dimension_semantics = [#tpu.dimension_semantics<core_parallel>, #tpu.dimension_semantics<subcore_parallel>], iteration_bounds = array<i64: 2, 16>, scalar_prefetch = 0 : i64, scratch_operands = 5 : i64, tpu.core_type = #tpu.core_type<sc_vector_subcore>, window_params = [{transform_indices = #map}, {transform_indices = #map1}, {transform_indices = #map}, {transform_indices = #map2}]} {
    %run_scoped3A = arith.constant 0 : i32
    "tpu.region"() ({
      %run_scoped3A_10 = tpu.sem_alloc : memref<!tpu.dma_semaphore, #tpu.memory_space<semaphore_mem>>
      %dma_start3A = arith.constant 0 : i32
      %dma_start3A_11 = arith.constant 0 : i32
      %dma_start3A_12 = tpu.memref_slice %arg3[%run_scoped3A, %arg0, %arg1, %dma_start3A, %dma_start3A_11] : memref<2x2x16x125x40xi32, #tpu.memory_space<hbm>> -> memref<1x1x1x125x40xi32, #tpu.memory_space<hbm>>
      %dma_start3A_13 = tpu.memref_squeeze %dma_start3A_12 : memref<1x1x1x125x40xi32, #tpu.memory_space<hbm>> -> memref<125x40xi32, #tpu.memory_space<hbm>>
      %dma_start3A_14 = arith.constant 0 : i32
      %dma_start3A_15 = arith.constant 0 : i32
      %dma_start3A_16 = tpu.memref_slice %arg3[%run_scoped3A, %arg0, %arg1, %dma_start3A_14, %dma_start3A_15] : memref<2x2x16x125x40xi32, #tpu.memory_space<hbm>> -> memref<1x1x1x125x40xi32, #tpu.memory_space<hbm>>
      %dma_start3A_17 = tpu.memref_squeeze %dma_start3A_16 : memref<1x1x1x125x40xi32, #tpu.memory_space<hbm>> -> memref<125x40xi32, #tpu.memory_space<hbm>>
      tpu.enqueue_dma source(%dma_start3A_17 : memref<125x40xi32, #tpu.memory_space<hbm>>) target(%arg6 : memref<125x40xi32, #tpu.memory_space<vmem>>) target_semaphore(%run_scoped3A_10 : memref<!tpu.dma_semaphore, #tpu.memory_space<semaphore_mem>>)
      %dma_wait3A = arith.constant 0 : i32
      %dma_wait3A_18 = arith.constant 0 : i32
      %dma_wait3A_19 = tpu.memref_slice %arg3[%run_scoped3A, %arg0, %arg1, %dma_wait3A, %dma_wait3A_18] : memref<2x2x16x125x40xi32, #tpu.memory_space<hbm>> -> memref<1x1x1x125x40xi32, #tpu.memory_space<hbm>>
      %dma_wait3A_20 = tpu.memref_squeeze %dma_wait3A_19 : memref<1x1x1x125x40xi32, #tpu.memory_space<hbm>> -> memref<125x40xi32, #tpu.memory_space<hbm>>
      %dma_wait3A_21 = arith.constant 0 : i32
      %dma_wait3A_22 = arith.constant 0 : i32
      %dma_wait3A_23 = tpu.memref_slice %arg3[%run_scoped3A, %arg0, %arg1, %dma_wait3A_21, %dma_wait3A_22] : memref<2x2x16x125x40xi32, #tpu.memory_space<hbm>> -> memref<1x1x1x125x40xi32, #tpu.memory_space<hbm>>
      %dma_wait3A_24 = tpu.memref_squeeze %dma_wait3A_23 : memref<1x1x1x125x40xi32, #tpu.memory_space<hbm>> -> memref<125x40xi32, #tpu.memory_space<hbm>>
      tpu.wait_dma2 semaphore(%run_scoped3A_10 : memref<!tpu.dma_semaphore, #tpu.memory_space<semaphore_mem>>) src(%dma_wait3A_24 : memref<125x40xi32, #tpu.memory_space<hbm>>) dst(%arg6 : memref<125x40xi32, #tpu.memory_space<vmem>>)
      tpu.yield
    }) : () -> ()
    %run_scoped3A_0 = arith.constant 1 : i32
    "tpu.region"() ({
      %run_scoped3A_10 = tpu.sem_alloc : memref<!tpu.dma_semaphore, #tpu.memory_space<semaphore_mem>>
      %dma_start3A = arith.constant 0 : i32
      %dma_start3A_11 = arith.constant 0 : i32
      %dma_start3A_12 = tpu.memref_slice %arg3[%run_scoped3A_0, %arg0, %arg1, %dma_start3A, %dma_start3A_11] : memref<2x2x16x125x40xi32, #tpu.memory_space<hbm>> -> memref<1x1x1x125x40xi32, #tpu.memory_space<hbm>>
      %dma_start3A_13 = tpu.memref_squeeze %dma_start3A_12 : memref<1x1x1x125x40xi32, #tpu.memory_space<hbm>> -> memref<125x40xi32, #tpu.memory_space<hbm>>
      %dma_start3A_14 = arith.constant 0 : i32
      %dma_start3A_15 = arith.constant 0 : i32
      %dma_start3A_16 = tpu.memref_slice %arg3[%run_scoped3A_0, %arg0, %arg1, %dma_start3A_14, %dma_start3A_15] : memref<2x2x16x125x40xi32, #tpu.memory_space<hbm>> -> memref<1x1x1x125x40xi32, #tpu.memory_space<hbm>>
      %dma_start3A_17 = tpu.memref_squeeze %dma_start3A_16 : memref<1x1x1x125x40xi32, #tpu.memory_space<hbm>> -> memref<125x40xi32, #tpu.memory_space<hbm>>
      tpu.enqueue_dma source(%dma_start3A_17 : memref<125x40xi32, #tpu.memory_space<hbm>>) target(%arg7 : memref<125x40xi32, #tpu.memory_space<vmem>>) target_semaphore(%run_scoped3A_10 : memref<!tpu.dma_semaphore, #tpu.memory_space<semaphore_mem>>)
      %dma_wait3A = arith.constant 0 : i32
      %dma_wait3A_18 = arith.constant 0 : i32
      %dma_wait3A_19 = tpu.memref_slice %arg3[%run_scoped3A_0, %arg0, %arg1, %dma_wait3A, %dma_wait3A_18] : memref<2x2x16x125x40xi32, #tpu.memory_space<hbm>> -> memref<1x1x1x125x40xi32, #tpu.memory_space<hbm>>
      %dma_wait3A_20 = tpu.memref_squeeze %dma_wait3A_19 : memref<1x1x1x125x40xi32, #tpu.memory_space<hbm>> -> memref<125x40xi32, #tpu.memory_space<hbm>>
      %dma_wait3A_21 = arith.constant 0 : i32
      %dma_wait3A_22 = arith.constant 0 : i32
      %dma_wait3A_23 = tpu.memref_slice %arg3[%run_scoped3A_0, %arg0, %arg1, %dma_wait3A_21, %dma_wait3A_22] : memref<2x2x16x125x40xi32, #tpu.memory_space<hbm>> -> memref<1x1x1x125x40xi32, #tpu.memory_space<hbm>>
      %dma_wait3A_24 = tpu.memref_squeeze %dma_wait3A_23 : memref<1x1x1x125x40xi32, #tpu.memory_space<hbm>> -> memref<125x40xi32, #tpu.memory_space<hbm>>
      tpu.wait_dma2 semaphore(%run_scoped3A_10 : memref<!tpu.dma_semaphore, #tpu.memory_space<semaphore_mem>>) src(%dma_wait3A_24 : memref<125x40xi32, #tpu.memory_space<hbm>>) dst(%arg7 : memref<125x40xi32, #tpu.memory_space<vmem>>)
      tpu.yield
    }) : () -> ()
    %eq3A = arith.constant 0 : i32
    %eq3A_1 = arith.cmpi eq, %arg1, %eq3A : i32
    %convert_element_type3A = arith.extui %eq3A_1 : i1 to i32
    %cond3A = arith.constant 0 : i32
    %cond3A_2 = arith.cmpi ne, %convert_element_type3A, %cond3A : i32
    scf.if %cond3A_2 {
      "tpu.region"() ({
        %run_scoped3A_10 = tpu.sem_alloc : memref<!tpu.dma_semaphore, #tpu.memory_space<semaphore_mem>>
        tpu.enqueue_dma source(%arg4 : memref<10240x128xf32, #tpu.memory_space<hbm>>) target(%arg9 : memref<10240x128xf32, #tpu.memory_space<vmem_shared>>) target_semaphore(%run_scoped3A_10 : memref<!tpu.dma_semaphore, #tpu.memory_space<semaphore_mem>>)
        tpu.wait_dma2 semaphore(%run_scoped3A_10 : memref<!tpu.dma_semaphore, #tpu.memory_space<semaphore_mem>>) src(%arg4 : memref<10240x128xf32, #tpu.memory_space<hbm>>) dst(%arg9 : memref<10240x128xf32, #tpu.memory_space<vmem_shared>>)
        tpu.yield
      }) : () -> ()
    } else {
    }
    %barrier3A = arith.constant 0 : index
    tpu.barrier barrier_id(%barrier3A)
    %scan3A = arith.constant 0 : i32
    %scan3A_3 = arith.constant 0 : i32
    %scan3A_4 = arith.constant 125 : i32
    %scan3A_5 = arith.addi %scan3A_3, %scan3A_4 : i32
    %scan3A_6 = arith.constant 1 : i32
    scf.for %scan3A_10 = %scan3A_3 to %scan3A_5 step %scan3A_6  : i32 {
      %dma_start3A = arith.constant 0 : i32
      %dma_start3A_11 = tpu.memref_slice %arg6[%scan3A_10, %dma_start3A] : memref<125x40xi32, #tpu.memory_space<vmem>> -> memref<1x40xi32, #tpu.memory_space<vmem>>
      %dma_start3A_12 = tpu.memref_squeeze %dma_start3A_11 : memref<1x40xi32, #tpu.memory_space<vmem>> -> memref<40xi32, #tpu.memory_space<vmem>>
      %dma_start3A_13 = arith.constant 0 : i32
      %dma_start3A_14 = arith.constant 0 : i32
      %dma_start3A_15 = tpu.memref_slice %arg2[%dma_start3A_13, %dma_start3A_14] : memref<10000x128xf32, #tpu.memory_space<hbm>> -> memref<10000x128xf32, #tpu.memory_space<hbm>>
      tpu.enqueue_indirect_dma source(%dma_start3A_15 : memref<10000x128xf32, #tpu.memory_space<hbm>>) target(%arg8 : memref<40x128xf32, #tpu.memory_space<vmem>>) offsets(%dma_start3A_12 : memref<40xi32, #tpu.memory_space<vmem>>) semaphore(%arg10 : memref<!tpu.dma_semaphore, #tpu.memory_space<semaphore_mem>>)
      %dma_wait3A = arith.constant 0 : i32
      %dma_wait3A_16 = tpu.memref_slice %arg6[%scan3A_10, %dma_wait3A] : memref<125x40xi32, #tpu.memory_space<vmem>> -> memref<1x40xi32, #tpu.memory_space<vmem>>
      %dma_wait3A_17 = tpu.memref_squeeze %dma_wait3A_16 : memref<1x40xi32, #tpu.memory_space<vmem>> -> memref<40xi32, #tpu.memory_space<vmem>>
      %dma_wait3A_18 = arith.constant 0 : i32
      %dma_wait3A_19 = arith.constant 0 : i32
      %dma_wait3A_20 = tpu.memref_slice %arg2[%dma_wait3A_18, %dma_wait3A_19] : memref<10000x128xf32, #tpu.memory_space<hbm>> -> memref<10000x128xf32, #tpu.memory_space<hbm>>
      tpu.wait_indirect_dma semaphore(%arg10 : memref<!tpu.dma_semaphore, #tpu.memory_space<semaphore_mem>>) src(%dma_wait3A_20 : memref<10000x128xf32, #tpu.memory_space<hbm>>) dst(%arg8 : memref<40x128xf32, #tpu.memory_space<vmem>>)
      "tpu.region"() ({
        %run_scoped3A_21 = tpu.sem_alloc : memref<!tpu.dma_semaphore, #tpu.memory_space<semaphore_mem>>
        %dma_start3A_22 = arith.constant 0 : i32
        %dma_start3A_23 = tpu.memref_slice %arg7[%scan3A_10, %dma_start3A_22] : memref<125x40xi32, #tpu.memory_space<vmem>> -> memref<1x40xi32, #tpu.memory_space<vmem>>
        %dma_start3A_24 = tpu.memref_squeeze %dma_start3A_23 : memref<1x40xi32, #tpu.memory_space<vmem>> -> memref<40xi32, #tpu.memory_space<vmem>>
        %dma_start3A_25 = arith.constant 0 : i32
        %dma_start3A_26 = arith.constant 0 : i32
        %dma_start3A_27 = tpu.memref_slice %arg9[%dma_start3A_25, %dma_start3A_26] : memref<10240x128xf32, #tpu.memory_space<vmem_shared>> -> memref<10240x128xf32, #tpu.memory_space<vmem_shared>>
        tpu.enqueue_indirect_dma source(%arg8 : memref<40x128xf32, #tpu.memory_space<vmem>>) target(%dma_start3A_27 : memref<10240x128xf32, #tpu.memory_space<vmem_shared>>) offsets(%dma_start3A_24 : memref<40xi32, #tpu.memory_space<vmem>>) semaphore(%run_scoped3A_21 : memref<!tpu.dma_semaphore, #tpu.memory_space<semaphore_mem>>) {add = true}
        %dma_wait3A_28 = arith.constant 0 : i32
        %dma_wait3A_29 = tpu.memref_slice %arg7[%scan3A_10, %dma_wait3A_28] : memref<125x40xi32, #tpu.memory_space<vmem>> -> memref<1x40xi32, #tpu.memory_space<vmem>>
        %dma_wait3A_30 = tpu.memref_squeeze %dma_wait3A_29 : memref<1x40xi32, #tpu.memory_space<vmem>> -> memref<40xi32, #tpu.memory_space<vmem>>
        %dma_wait3A_31 = arith.constant 0 : i32
        %dma_wait3A_32 = arith.constant 0 : i32
        %dma_wait3A_33 = tpu.memref_slice %arg9[%dma_wait3A_31, %dma_wait3A_32] : memref<10240x128xf32, #tpu.memory_space<vmem_shared>> -> memref<10240x128xf32, #tpu.memory_space<vmem_shared>>
        tpu.wait_indirect_dma semaphore(%run_scoped3A_21 : memref<!tpu.dma_semaphore, #tpu.memory_space<semaphore_mem>>) src(%arg8 : memref<40x128xf32, #tpu.memory_space<vmem>>) dst(%dma_wait3A_33 : memref<10240x128xf32, #tpu.memory_space<vmem_shared>>)
        tpu.yield
      }) : () -> ()
    }
    %scan3A_7 = arith.constant 125 : i32
    %barrier3A_8 = arith.constant 0 : index
    tpu.barrier barrier_id(%barrier3A_8)
    %mul3A = arith.constant 640 : i32
    %mul3A_9 = arith.muli %arg1, %mul3A : i32
    "tpu.region"() ({
      %run_scoped3A_10 = tpu.sem_alloc : memref<!tpu.dma_semaphore, #tpu.memory_space<semaphore_mem>>
      %dma_start3A = arith.constant 0 : i32
      %dma_start3A_11 = arith.constant 0 : i32
      %dma_start3A_12 = tpu.memref_slice %arg5[%arg0, %dma_start3A, %dma_start3A_11] : memref<2x10240x128xf32, #tpu.memory_space<hbm>> -> memref<1x10240x128xf32, #tpu.memory_space<hbm>>
      %dma_start3A_13 = tpu.memref_squeeze %dma_start3A_12 : memref<1x10240x128xf32, #tpu.memory_space<hbm>> -> memref<10240x128xf32, #tpu.memory_space<hbm>>
      %dma_start3A_14 = arith.constant 0 : i32
      %dma_start3A_15 = tpu.memref_slice %dma_start3A_13[%mul3A_9, %dma_start3A_14] : memref<10240x128xf32, #tpu.memory_space<hbm>> -> memref<640x128xf32, #tpu.memory_space<hbm>>
      %dma_start3A_16 = arith.constant 0 : i32
      %dma_start3A_17 = tpu.memref_slice %arg9[%mul3A_9, %dma_start3A_16] : memref<10240x128xf32, #tpu.memory_space<vmem_shared>> -> memref<640x128xf32, #tpu.memory_space<vmem_shared>>
      tpu.enqueue_dma source(%dma_start3A_17 : memref<640x128xf32, #tpu.memory_space<vmem_shared>>) target(%dma_start3A_15 : memref<640x128xf32, #tpu.memory_space<hbm>>) target_semaphore(%run_scoped3A_10 : memref<!tpu.dma_semaphore, #tpu.memory_space<semaphore_mem>>)
      %dma_wait3A = arith.constant 0 : i32
      %dma_wait3A_18 = arith.constant 0 : i32
      %dma_wait3A_19 = tpu.memref_slice %arg5[%arg0, %dma_wait3A, %dma_wait3A_18] : memref<2x10240x128xf32, #tpu.memory_space<hbm>> -> memref<1x10240x128xf32, #tpu.memory_space<hbm>>
      %dma_wait3A_20 = tpu.memref_squeeze %dma_wait3A_19 : memref<1x10240x128xf32, #tpu.memory_space<hbm>> -> memref<10240x128xf32, #tpu.memory_space<hbm>>
      %dma_wait3A_21 = arith.constant 0 : i32
      %dma_wait3A_22 = tpu.memref_slice %dma_wait3A_20[%mul3A_9, %dma_wait3A_21] : memref<10240x128xf32, #tpu.memory_space<hbm>> -> memref<640x128xf32, #tpu.memory_space<hbm>>
      %dma_wait3A_23 = arith.constant 0 : i32
      %dma_wait3A_24 = tpu.memref_slice %arg9[%mul3A_9, %dma_wait3A_23] : memref<10240x128xf32, #tpu.memory_space<vmem_shared>> -> memref<640x128xf32, #tpu.memory_space<vmem_shared>>
      tpu.wait_dma2 semaphore(%run_scoped3A_10 : memref<!tpu.dma_semaphore, #tpu.memory_space<semaphore_mem>>) src(%dma_wait3A_24 : memref<640x128xf32, #tpu.memory_space<vmem_shared>>) dst(%dma_wait3A_22 : memref<640x128xf32, #tpu.memory_space<hbm>>)
      tpu.yield
    }) : () -> ()
    return
  }
}

module attributes {stable_mosaic.version = 14 : i64} {
  func.func @_stage0_body(%arg0: memref<10000x128xf32, #tpu.memory_space<vmem>>, %arg1: memref<10000x1xf32, #tpu.memory_space<vmem>>, %arg2: memref<10000x1xf32, #tpu.memory_space<vmem>>, %arg3: memref<10000x128xf32, #tpu.memory_space<vmem>>, %arg4: memref<10000x1xf32, #tpu.memory_space<vmem>>, %arg5: memref<10000x1xf32, #tpu.memory_space<vmem>>, %arg6: memref<1x1xf32, #tpu.memory_space<vmem>>) attributes {dimension_semantics = [], scalar_prefetch = 0 : i64, scratch_operands = 0 : i64, tpu.core_type = #tpu.core_type<tc>} {
    %get3A = arith.constant 0 : index
    %get3A_0 = arith.constant 0 : index
    %get3A_1 = vector.load %arg1[%get3A, %get3A_0] : memref<10000x1xf32, #tpu.memory_space<vmem>>, vector<10000x1xf32>
    %max3A = arith.constant 1.000000e+00 : f32
    %max3A_2 = vector.broadcast %max3A : f32 to vector<10000x1xf32>
    %max3A_3 = arith.maximumf %get3A_1, %max3A_2 : vector<10000x1xf32>
    %rsqrt3A = math.rsqrt %max3A_3 : vector<10000x1xf32>
    %get3A_4 = arith.constant 0 : index
    %get3A_5 = arith.constant 0 : index
    %get3A_6 = vector.load %arg2[%get3A_4, %get3A_5] : memref<10000x1xf32, #tpu.memory_space<vmem>>, vector<10000x1xf32>
    %max3A_7 = arith.constant 1.000000e+00 : f32
    %max3A_8 = vector.broadcast %max3A_7 : f32 to vector<10000x1xf32>
    %max3A_9 = arith.maximumf %get3A_6, %max3A_8 : vector<10000x1xf32>
    %rsqrt3A_10 = math.rsqrt %max3A_9 : vector<10000x1xf32>
    %get3A_11 = arith.constant 0 : index
    %get3A_12 = arith.constant 0 : index
    %get3A_13 = vector.load %arg0[%get3A_11, %get3A_12] : memref<10000x128xf32, #tpu.memory_space<vmem>>, vector<10000x128xf32>
    %mul3A = vector.broadcast %rsqrt3A : vector<10000x1xf32> to vector<10000x128xf32>
    %mul3A_14 = arith.mulf %get3A_13, %mul3A : vector<10000x128xf32>
    %swap3A = arith.constant 0 : index
    %swap3A_15 = arith.constant 0 : index
    %swap3A_16 = vector.load %arg3[%swap3A, %swap3A_15] : memref<10000x128xf32, #tpu.memory_space<vmem>>, vector<10000x128xf32>
    tpu.vector_store %arg3[%swap3A, %swap3A_15], %mul3A_14 {strides = array<i32>} : memref<10000x128xf32, #tpu.memory_space<vmem>>, vector<10000x128xf32>,
    %swap3A_17 = arith.constant 0 : index
    %swap3A_18 = arith.constant 0 : index
    %swap3A_19 = vector.load %arg4[%swap3A_17, %swap3A_18] : memref<10000x1xf32, #tpu.memory_space<vmem>>, vector<10000x1xf32>
    tpu.vector_store %arg4[%swap3A_17, %swap3A_18], %rsqrt3A {strides = array<i32>} : memref<10000x1xf32, #tpu.memory_space<vmem>>, vector<10000x1xf32>,
    %swap3A_20 = arith.constant 0 : index
    %swap3A_21 = arith.constant 0 : index
    %swap3A_22 = vector.load %arg5[%swap3A_20, %swap3A_21] : memref<10000x1xf32, #tpu.memory_space<vmem>>, vector<10000x1xf32>
    tpu.vector_store %arg5[%swap3A_20, %swap3A_21], %rsqrt3A_10 {strides = array<i32>} : memref<10000x1xf32, #tpu.memory_space<vmem>>, vector<10000x1xf32>,
    %get3A_23 = arith.constant 0 : index
    %get3A_24 = arith.constant 0 : index
    %get3A_25 = vector.load %arg2[%get3A_23, %get3A_24] : memref<10000x1xf32, #tpu.memory_space<vmem>>, vector<10000x1xf32>
    %reduce_min3A = vector.shape_cast %get3A_25 : vector<10000x1xf32> to vector<1x10000x1xf32>
    %reduce_min3A_26 = arith.constant dense<0x7F800000> : vector<1xf32>
    %reduce_min3A_27 = vector.multi_reduction <minimumf>, %reduce_min3A, %reduce_min3A_26 [1, 2] : vector<1x10000x1xf32> to vector<1xf32>
    %reduce_min3A_28 = vector.shape_cast %reduce_min3A_27 : vector<1xf32> to vector<1x1x1xf32>
    %reduce_min3A_29 = vector.extract %reduce_min3A_28[0, 0, 0] : f32 from vector<1x1x1xf32>
    %lt3A = arith.constant 5.000000e-01 : f32
    %lt3A_30 = arith.cmpf olt, %reduce_min3A_29, %lt3A : f32
    %jit3A = arith.constant 1.000000e+00 : f32
    %jit3A_31 = arith.constant 0.000000e+00 : f32
    %select_n3A = arith.select %lt3A_30, %jit3A, %jit3A_31 : f32
    %reshape3A = vector.broadcast %select_n3A : f32 to vector<1x1xf32>
    %swap3A_32 = arith.constant 0 : index
    %swap3A_33 = arith.constant 0 : index
    %swap3A_34 = vector.load %arg6[%swap3A_32, %swap3A_33] : memref<1x1xf32, #tpu.memory_space<vmem>>, vector<1x1xf32>
    tpu.vector_store %arg6[%swap3A_32, %swap3A_33], %reshape3A {strides = array<i32>} : memref<1x1xf32, #tpu.memory_space<vmem>>, vector<1x1xf32>,
    return
  }
}

module attributes {stable_mosaic.version = 14 : i64} {
  func.func @_stagea_body(%arg0: i32, %arg1: memref<2x2000x128xf32, #tpu.memory_space<vmem>>, %arg2: memref<2000x1xf32, #tpu.memory_space<vmem>>, %arg3: memref<128x256xf32, #tpu.memory_space<vmem>>, %arg4: memref<1x256xf32, #tpu.memory_space<vmem>>, %arg5: memref<256x256xf32, #tpu.memory_space<vmem>>, %arg6: memref<1x256xf32, #tpu.memory_space<vmem>>, %arg7: memref<256x256xf32, #tpu.memory_space<vmem>>, %arg8: memref<1x256xf32, #tpu.memory_space<vmem>>, %arg9: memref<256x256xf32, #tpu.memory_space<vmem>>, %arg10: memref<1x256xf32, #tpu.memory_space<vmem>>, %arg11: memref<2000x256xf32, #tpu.memory_space<vmem>>, %arg12: memref<2000x256xf32, #tpu.memory_space<vmem>>, %arg13: memref<2000x256xf32, #tpu.memory_space<vmem>>) attributes {dimension_semantics = [#tpu.dimension_semantics<arbitrary>], iteration_bounds = array<i64: 5>, scalar_prefetch = 0 : i64, scratch_operands = 0 : i64, tpu.core_type = #tpu.core_type<tc>, window_params = [{transform_indices = @transform_0, window_bounds = array<i64: 2, 2000, 128>}, {transform_indices = @transform_1, window_bounds = array<i64: 2000, 1>}, {pipeline_mode = #tpu.pipeline_mode<synchronous>, transform_indices = @transform_2, window_bounds = array<i64: 128, 256>}, {pipeline_mode = #tpu.pipeline_mode<synchronous>, transform_indices = @transform_3, window_bounds = array<i64: 1, 256>}, {pipeline_mode = #tpu.pipeline_mode<synchronous>, transform_indices = @transform_4, window_bounds = array<i64: 256, 256>}, {pipeline_mode = #tpu.pipeline_mode<synchronous>, transform_indices = @transform_5, window_bounds = array<i64: 1, 256>}, {pipeline_mode = #tpu.pipeline_mode<synchronous>, transform_indices = @transform_6, window_bounds = array<i64: 256, 256>}, {pipeline_mode = #tpu.pipeline_mode<synchronous>, transform_indices = @transform_7, window_bounds = array<i64: 1, 256>}, {pipeline_mode = #tpu.pipeline_mode<synchronous>, transform_indices = @transform_8, window_bounds = array<i64: 256, 256>}, {pipeline_mode = #tpu.pipeline_mode<synchronous>, transform_indices = @transform_9, window_bounds = array<i64: 1, 256>}, {transform_indices = @transform_10, window_bounds = array<i64: 2000, 256>}, {transform_indices = @transform_11, window_bounds = array<i64: 2000, 256>}, {transform_indices = @transform_12, window_bounds = array<i64: 2000, 256>}]} {
    %get3A = arith.constant 0 : index
    %get3A_0 = arith.constant 0 : index
    %get3A_1 = arith.constant 0 : index
    %get3A_2 = vector.load %arg1[%get3A, %get3A_0, %get3A_1] : memref<2x2000x128xf32, #tpu.memory_space<vmem>>, vector<1x2000x128xf32>
    %get3A_3 = vector.shape_cast %get3A_2 : vector<1x2000x128xf32> to vector<2000x128xf32>
    %get3A_4 = arith.constant 1 : index
    %get3A_5 = arith.constant 0 : index
    %get3A_6 = arith.constant 0 : index
    %get3A_7 = vector.load %arg1[%get3A_4, %get3A_5, %get3A_6] : memref<2x2000x128xf32, #tpu.memory_space<vmem>>, vector<1x2000x128xf32>
    %get3A_8 = vector.shape_cast %get3A_7 : vector<1x2000x128xf32> to vector<2000x128xf32>
    %add3A = arith.addf %get3A_3, %get3A_8 : vector<2000x128xf32>
    %get3A_9 = arith.constant 0 : index
    %get3A_10 = arith.constant 0 : index
    %get3A_11 = vector.load %arg2[%get3A_9, %get3A_10] : memref<2000x1xf32, #tpu.memory_space<vmem>>, vector<2000x1xf32>
    %mul3A = vector.broadcast %get3A_11 : vector<2000x1xf32> to vector<2000x128xf32>
    %mul3A_12 = arith.mulf %add3A, %mul3A : vector<2000x128xf32>
    %get3A_13 = arith.constant 0 : index
    %get3A_14 = arith.constant 0 : index
    %get3A_15 = vector.load %arg3[%get3A_13, %get3A_14] : memref<128x256xf32, #tpu.memory_space<vmem>>, vector<128x256xf32>
    %dot_general3A = arith.constant dense<0.000000e+00> : vector<2000x256xf32>
    %dot_general3A_16 = tpu.matmul %mul3A_12, %get3A_15, %dot_general3A {dimension_numbers = #tpu.dot_dimension_numbers<[1], [0], [0], [1], [0, 0, 1, 1], [], []>, precision = #tpu.contract_precision<fp32>, transpose_lhs_hint = false} : vector<2000x128xf32>, vector<128x256xf32>, vector<2000x256xf32> -> vector<2000x256xf32>
    %get3A_17 = arith.constant 0 : index
    %get3A_18 = arith.constant 0 : index
    %get3A_19 = vector.load %arg4[%get3A_17, %get3A_18] : memref<1x256xf32, #tpu.memory_space<vmem>>, vector<1x256xf32>
    %add3A_20 = vector.broadcast %get3A_19 : vector<1x256xf32> to vector<2000x256xf32>
    %add3A_21 = arith.addf %dot_general3A_16, %add3A_20 : vector<2000x256xf32>
    %max3A = arith.constant 0.000000e+00 : f32
    %max3A_22 = vector.broadcast %max3A : f32 to vector<2000x256xf32>
    %max3A_23 = arith.maximumf %add3A_21, %max3A_22 : vector<2000x256xf32>
    %get3A_24 = arith.constant 0 : index
    %get3A_25 = arith.constant 0 : index
    %get3A_26 = vector.load %arg5[%get3A_24, %get3A_25] : memref<256x256xf32, #tpu.memory_space<vmem>>, vector<256x256xf32>
    %dot_general3A_27 = arith.constant dense<0.000000e+00> : vector<2000x256xf32>
    %dot_general3A_28 = tpu.matmul %max3A_23, %get3A_26, %dot_general3A_27 {dimension_numbers = #tpu.dot_dimension_numbers<[1], [0], [0], [1], [0, 0, 1, 1], [], []>, precision = #tpu.contract_precision<fp32>, transpose_lhs_hint = false} : vector<2000x256xf32>, vector<256x256xf32>, vector<2000x256xf32> -> vector<2000x256xf32>
    %get3A_29 = arith.constant 0 : index
    %get3A_30 = arith.constant 0 : index
    %get3A_31 = vector.load %arg6[%get3A_29, %get3A_30] : memref<1x256xf32, #tpu.memory_space<vmem>>, vector<1x256xf32>
    %add3A_32 = vector.broadcast %get3A_31 : vector<1x256xf32> to vector<2000x256xf32>
    %add3A_33 = arith.addf %dot_general3A_28, %add3A_32 : vector<2000x256xf32>
    %swap3A = arith.constant 0 : index
    %swap3A_34 = arith.constant 0 : index
    %swap3A_35 = vector.load %arg11[%swap3A, %swap3A_34] : memref<2000x256xf32, #tpu.memory_space<vmem>>, vector<2000x256xf32>
    tpu.vector_store %arg11[%swap3A, %swap3A_34], %add3A_33 {strides = array<i32>} : memref<2000x256xf32, #tpu.memory_space<vmem>>, vector<2000x256xf32>,
    %get3A_36 = arith.constant 0 : index
    %get3A_37 = arith.constant 0 : index
    %get3A_38 = vector.load %arg7[%get3A_36, %get3A_37] : memref<256x256xf32, #tpu.memory_space<vmem>>, vector<256x256xf32>
    %dot_general3A_39 = arith.constant dense<0.000000e+00> : vector<2000x256xf32>
    %dot_general3A_40 = tpu.matmul %max3A_23, %get3A_38, %dot_general3A_39 {dimension_numbers = #tpu.dot_dimension_numbers<[1], [0], [0], [1], [0, 0, 1, 1], [], []>, precision = #tpu.contract_precision<fp32>, transpose_lhs_hint = false} : vector<2000x256xf32>, vector<256x256xf32>, vector<2000x256xf32> -> vector<2000x256xf32>
    %get3A_41 = arith.constant 0 : index
    %get3A_42 = arith.constant 0 : index
    %get3A_43 = vector.load %arg8[%get3A_41, %get3A_42] : memref<1x256xf32, #tpu.memory_space<vmem>>, vector<1x256xf32>
    %add3A_44 = vector.broadcast %get3A_43 : vector<1x256xf32> to vector<2000x256xf32>
    %add3A_45 = arith.addf %dot_general3A_40, %add3A_44 : vector<2000x256xf32>
    %swap3A_46 = arith.constant 0 : index
    %swap3A_47 = arith.constant 0 : index
    %swap3A_48 = vector.load %arg12[%swap3A_46, %swap3A_47] : memref<2000x256xf32, #tpu.memory_space<vmem>>, vector<2000x256xf32>
    tpu.vector_store %arg12[%swap3A_46, %swap3A_47], %add3A_45 {strides = array<i32>} : memref<2000x256xf32, #tpu.memory_space<vmem>>, vector<2000x256xf32>,
    %get3A_49 = arith.constant 0 : index
    %get3A_50 = arith.constant 0 : index
    %get3A_51 = vector.load %arg9[%get3A_49, %get3A_50] : memref<256x256xf32, #tpu.memory_space<vmem>>, vector<256x256xf32>
    %dot_general3A_52 = arith.constant dense<0.000000e+00> : vector<2000x256xf32>
    %dot_general3A_53 = tpu.matmul %max3A_23, %get3A_51, %dot_general3A_52 {dimension_numbers = #tpu.dot_dimension_numbers<[1], [0], [0], [1], [0, 0, 1, 1], [], []>, precision = #tpu.contract_precision<fp32>, transpose_lhs_hint = false} : vector<2000x256xf32>, vector<256x256xf32>, vector<2000x256xf32> -> vector<2000x256xf32>
    %get3A_54 = arith.constant 0 : index
    %get3A_55 = arith.constant 0 : index
    %get3A_56 = vector.load %arg10[%get3A_54, %get3A_55] : memref<1x256xf32, #tpu.memory_space<vmem>>, vector<1x256xf32>
    %add3A_57 = vector.broadcast %get3A_56 : vector<1x256xf32> to vector<2000x256xf32>
    %add3A_58 = arith.addf %dot_general3A_53, %add3A_57 : vector<2000x256xf32>
    %swap3A_59 = arith.constant 0 : index
    %swap3A_60 = arith.constant 0 : index
    %swap3A_61 = vector.load %arg13[%swap3A_59, %swap3A_60] : memref<2000x256xf32, #tpu.memory_space<vmem>>, vector<2000x256xf32>
    tpu.vector_store %arg13[%swap3A_59, %swap3A_60], %add3A_58 {strides = array<i32>} : memref<2000x256xf32, #tpu.memory_space<vmem>>, vector<2000x256xf32>,
    return
  }
  func.func @transform_0(%arg0: i32) -> (i32, i32, i32) {
    %c0_i32 = arith.constant 0 : i32
    %c0_i32_0 = arith.constant 0 : i32
    %c0_i32_1 = arith.constant 0 : i32
    return %c0_i32, %arg0, %c0_i32_0 : i32, i32, i32
  }
  func.func @transform_1(%arg0: i32) -> (i32, i32) {
    %c0_i32 = arith.constant 0 : i32
    %c0_i32_0 = arith.constant 0 : i32
    return %arg0, %c0_i32 : i32, i32
  }
  func.func @transform_2(%arg0: i32) -> (i32, i32) {
    %c0_i32 = arith.constant 0 : i32
    %c0_i32_0 = arith.constant 0 : i32
    %c0_i32_1 = arith.constant 0 : i32
    return %c0_i32, %c0_i32_0 : i32, i32
  }
  func.func @transform_3(%arg0: i32) -> (i32, i32) {
    %c0_i32 = arith.constant 0 : i32
    %c0_i32_0 = arith.constant 0 : i32
    %c0_i32_1 = arith.constant 0 : i32
    return %c0_i32, %c0_i32_0 : i32, i32
  }
  func.func @transform_4(%arg0: i32) -> (i32, i32) {
    %c0_i32 = arith.constant 0 : i32
    %c0_i32_0 = arith.constant 0 : i32
    %c0_i32_1 = arith.constant 0 : i32
    return %c0_i32, %c0_i32_0 : i32, i32
  }
  func.func @transform_5(%arg0: i32) -> (i32, i32) {
    %c0_i32 = arith.constant 0 : i32
    %c0_i32_0 = arith.constant 0 : i32
    %c0_i32_1 = arith.constant 0 : i32
    return %c0_i32, %c0_i32_0 : i32, i32
  }
  func.func @transform_6(%arg0: i32) -> (i32, i32) {
    %c0_i32 = arith.constant 0 : i32
    %c0_i32_0 = arith.constant 0 : i32
    %c0_i32_1 = arith.constant 0 : i32
    return %c0_i32, %c0_i32_0 : i32, i32
  }
  func.func @transform_7(%arg0: i32) -> (i32, i32) {
    %c0_i32 = arith.constant 0 : i32
    %c0_i32_0 = arith.constant 0 : i32
    %c0_i32_1 = arith.constant 0 : i32
    return %c0_i32, %c0_i32_0 : i32, i32
  }
  func.func @transform_8(%arg0: i32) -> (i32, i32) {
    %c0_i32 = arith.constant 0 : i32
    %c0_i32_0 = arith.constant 0 : i32
    %c0_i32_1 = arith.constant 0 : i32
    return %c0_i32, %c0_i32_0 : i32, i32
  }
  func.func @transform_9(%arg0: i32) -> (i32, i32) {
    %c0_i32 = arith.constant 0 : i32
    %c0_i32_0 = arith.constant 0 : i32
    %c0_i32_1 = arith.constant 0 : i32
    return %c0_i32, %c0_i32_0 : i32, i32
  }
  func.func @transform_10(%arg0: i32) -> (i32, i32) {
    %c0_i32 = arith.constant 0 : i32
    %c0_i32_0 = arith.constant 0 : i32
    return %arg0, %c0_i32 : i32, i32
  }
  func.func @transform_11(%arg0: i32) -> (i32, i32) {
    %c0_i32 = arith.constant 0 : i32
    %c0_i32_0 = arith.constant 0 : i32
    return %arg0, %c0_i32 : i32, i32
  }
  func.func @transform_12(%arg0: i32) -> (i32, i32) {
    %c0_i32 = arith.constant 0 : i32
    %c0_i32_0 = arith.constant 0 : i32
    return %arg0, %c0_i32 : i32, i32
  }
}

module attributes {stable_mosaic.version = 14 : i64} {
  func.func @_topk_body(%arg0: memref<80x128xf32, #tpu.memory_space<vmem>>, %arg1: memref<1x128xf32, #tpu.memory_space<vmem>>, %arg2: memref<1x128xi32, #tpu.memory_space<vmem>>) attributes {dimension_semantics = [], scalar_prefetch = 0 : i64, scratch_operands = 0 : i64, tpu.core_type = #tpu.core_type<tc>} {
    %get3A = arith.constant 0 : index
    %get3A_0 = arith.constant 0 : index
    %get3A_1 = vector.load %arg0[%get3A, %get3A_0] : memref<80x128xf32, #tpu.memory_space<vmem>>, vector<80x128xf32>
    %iota3A = tpu.iota {dimensions = array<i32: 0>} : vector<80x128xi32>
    %iota3A_2 = tpu.iota {dimensions = array<i32: 1>} : vector<80x128xi32>
    %mul3A = arith.constant 128 : i32
    %mul3A_3 = vector.broadcast %mul3A : i32 to vector<80x128xi32>
    %mul3A_4 = arith.muli %iota3A, %mul3A_3 : vector<80x128xi32>
    %add3A = arith.addi %mul3A_4, %iota3A_2 : vector<80x128xi32>
    %reduce_max3A = vector.shape_cast %get3A_1 : vector<80x128xf32> to vector<1x80x128xf32>
    %reduce_max3A_5 = arith.constant dense<0xFF800000> : vector<1xf32>
    %reduce_max3A_6 = vector.multi_reduction <maximumf>, %reduce_max3A, %reduce_max3A_5 [1, 2] : vector<1x80x128xf32> to vector<1xf32>
    %reduce_max3A_7 = vector.shape_cast %reduce_max3A_6 : vector<1xf32> to vector<1x1x1xf32>
    %reduce_max3A_8 = vector.extract %reduce_max3A_7[0, 0, 0] : f32 from vector<1x1x1xf32>
    %ge3A = vector.broadcast %reduce_max3A_8 : f32 to vector<80x128xf32>
    %ge3A_9 = arith.cmpf oge, %get3A_1, %ge3A : vector<80x128xf32>
    %jit3A = arith.constant 1073741824 : i32
    %broadcast_in_dim3A = vector.broadcast %jit3A : i32 to vector<80x128xi32>
    %select_n3A = arith.select %ge3A_9, %add3A, %broadcast_in_dim3A : vector<80x128xi1>, vector<80x128xi32>
    %reduce_min3A = vector.shape_cast %select_n3A : vector<80x128xi32> to vector<1x80x128xi32>
    %reduce_min3A_10 = arith.constant dense<2147483647> : vector<1xi32>
    %reduce_min3A_11 = vector.multi_reduction <minsi>, %reduce_min3A, %reduce_min3A_10 [1, 2] : vector<1x80x128xi32> to vector<1xi32>
    %reduce_min3A_12 = vector.shape_cast %reduce_min3A_11 : vector<1xi32> to vector<1x1x1xi32>
    %reduce_min3A_13 = vector.extract %reduce_min3A_12[0, 0, 0] : i32 from vector<1x1x1xi32>
    %eq3A = vector.broadcast %reduce_min3A_13 : i32 to vector<80x128xi32>
    %eq3A_14 = arith.cmpi eq, %add3A, %eq3A : vector<80x128xi32>
    %jit3A_15 = arith.constant -1.000000e+30 : f32
    %broadcast_in_dim3A_16 = vector.broadcast %jit3A_15 : f32 to vector<80x128xf32>
    %select_n3A_17 = arith.select %eq3A_14, %broadcast_in_dim3A_16, %get3A_1 : vector<80x128xi1>, vector<80x128xf32>
    %reduce_max3A_18 = vector.shape_cast %select_n3A_17 : vector<80x128xf32> to vector<1x80x128xf32>
    %reduce_max3A_19 = arith.constant dense<0xFF800000> : vector<1xf32>
    %reduce_max3A_20 = vector.multi_reduction <maximumf>, %reduce_max3A_18, %reduce_max3A_19 [1, 2] : vector<1x80x128xf32> to vector<1xf32>
    %reduce_max3A_21 = vector.shape_cast %reduce_max3A_20 : vector<1xf32> to vector<1x1x1xf32>
    %reduce_max3A_22 = vector.extract %reduce_max3A_21[0, 0, 0] : f32 from vector<1x1x1xf32>
    %ge3A_23 = vector.broadcast %reduce_max3A_22 : f32 to vector<80x128xf32>
    %ge3A_24 = arith.cmpf oge, %select_n3A_17, %ge3A_23 : vector<80x128xf32>
    %jit3A_25 = arith.constant 1073741824 : i32
    %broadcast_in_dim3A_26 = vector.broadcast %jit3A_25 : i32 to vector<80x128xi32>
    %select_n3A_27 = arith.select %ge3A_24, %add3A, %broadcast_in_dim3A_26 : vector<80x128xi1>, vector<80x128xi32>
    %reduce_min3A_28 = vector.shape_cast %select_n3A_27 : vector<80x128xi32> to vector<1x80x128xi32>
    %reduce_min3A_29 = arith.constant dense<2147483647> : vector<1xi32>
    %reduce_min3A_30 = vector.multi_reduction <minsi>, %reduce_min3A_28, %reduce_min3A_29 [1, 2] : vector<1x80x128xi32> to vector<1xi32>
    %reduce_min3A_31 = vector.shape_cast %reduce_min3A_30 : vector<1xi32> to vector<1x1x1xi32>
    %reduce_min3A_32 = vector.extract %reduce_min3A_31[0, 0, 0] : i32 from vector<1x1x1xi32>
    %eq3A_33 = vector.broadcast %reduce_min3A_32 : i32 to vector<80x128xi32>
    %eq3A_34 = arith.cmpi eq, %add3A, %eq3A_33 : vector<80x128xi32>
    %jit3A_35 = arith.constant -1.000000e+30 : f32
    %broadcast_in_dim3A_36 = vector.broadcast %jit3A_35 : f32 to vector<80x128xf32>
    %select_n3A_37 = arith.select %eq3A_34, %broadcast_in_dim3A_36, %select_n3A_17 : vector<80x128xi1>, vector<80x128xf32>
    %reduce_max3A_38 = vector.shape_cast %select_n3A_37 : vector<80x128xf32> to vector<1x80x128xf32>
    %reduce_max3A_39 = arith.constant dense<0xFF800000> : vector<1xf32>
    %reduce_max3A_40 = vector.multi_reduction <maximumf>, %reduce_max3A_38, %reduce_max3A_39 [1, 2] : vector<1x80x128xf32> to vector<1xf32>
    %reduce_max3A_41 = vector.shape_cast %reduce_max3A_40 : vector<1xf32> to vector<1x1x1xf32>
    %reduce_max3A_42 = vector.extract %reduce_max3A_41[0, 0, 0] : f32 from vector<1x1x1xf32>
    %ge3A_43 = vector.broadcast %reduce_max3A_42 : f32 to vector<80x128xf32>
    %ge3A_44 = arith.cmpf oge, %select_n3A_37, %ge3A_43 : vector<80x128xf32>
    %jit3A_45 = arith.constant 1073741824 : i32
    %broadcast_in_dim3A_46 = vector.broadcast %jit3A_45 : i32 to vector<80x128xi32>
    %select_n3A_47 = arith.select %ge3A_44, %add3A, %broadcast_in_dim3A_46 : vector<80x128xi1>, vector<80x128xi32>
    %reduce_min3A_48 = vector.shape_cast %select_n3A_47 : vector<80x128xi32> to vector<1x80x128xi32>
    %reduce_min3A_49 = arith.constant dense<2147483647> : vector<1xi32>
    %reduce_min3A_50 = vector.multi_reduction <minsi>, %reduce_min3A_48, %reduce_min3A_49 [1, 2] : vector<1x80x128xi32> to vector<1xi32>
    %reduce_min3A_51 = vector.shape_cast %reduce_min3A_50 : vector<1xi32> to vector<1x1x1xi32>
    %reduce_min3A_52 = vector.extract %reduce_min3A_51[0, 0, 0] : i32 from vector<1x1x1xi32>
    %eq3A_53 = vector.broadcast %reduce_min3A_52 : i32 to vector<80x128xi32>
    %eq3A_54 = arith.cmpi eq, %add3A, %eq3A_53 : vector<80x128xi32>
    %jit3A_55 = arith.constant -1.000000e+30 : f32
    %broadcast_in_dim3A_56 = vector.broadcast %jit3A_55 : f32 to vector<80x128xf32>
    %select_n3A_57 = arith.select %eq3A_54, %broadcast_in_dim3A_56, %select_n3A_37 : vector<80x128xi1>, vector<80x128xf32>
    %reduce_max3A_58 = vector.shape_cast %select_n3A_57 : vector<80x128xf32> to vector<1x80x128xf32>
    %reduce_max3A_59 = arith.constant dense<0xFF800000> : vector<1xf32>
    %reduce_max3A_60 = vector.multi_reduction <maximumf>, %reduce_max3A_58, %reduce_max3A_59 [1, 2] : vector<1x80x128xf32> to vector<1xf32>
    %reduce_max3A_61 = vector.shape_cast %reduce_max3A_60 : vector<1xf32> to vector<1x1x1xf32>
    %reduce_max3A_62 = vector.extract %reduce_max3A_61[0, 0, 0] : f32 from vector<1x1x1xf32>
    %ge3A_63 = vector.broadcast %reduce_max3A_62 : f32 to vector<80x128xf32>
    %ge3A_64 = arith.cmpf oge, %select_n3A_57, %ge3A_63 : vector<80x128xf32>
    %jit3A_65 = arith.constant 1073741824 : i32
    %broadcast_in_dim3A_66 = vector.broadcast %jit3A_65 : i32 to vector<80x128xi32>
    %select_n3A_67 = arith.select %ge3A_64, %add3A, %broadcast_in_dim3A_66 : vector<80x128xi1>, vector<80x128xi32>
    %reduce_min3A_68 = vector.shape_cast %select_n3A_67 : vector<80x128xi32> to vector<1x80x128xi32>
    %reduce_min3A_69 = arith.constant dense<2147483647> : vector<1xi32>
    %reduce_min3A_70 = vector.multi_reduction <minsi>, %reduce_min3A_68, %reduce_min3A_69 [1, 2] : vector<1x80x128xi32> to vector<1xi32>
    %reduce_min3A_71 = vector.shape_cast %reduce_min3A_70 : vector<1xi32> to vector<1x1x1xi32>
    %reduce_min3A_72 = vector.extract %reduce_min3A_71[0, 0, 0] : i32 from vector<1x1x1xi32>
    %eq3A_73 = vector.broadcast %reduce_min3A_72 : i32 to vector<80x128xi32>
    %eq3A_74 = arith.cmpi eq, %add3A, %eq3A_73 : vector<80x128xi32>
    %jit3A_75 = arith.constant -1.000000e+30 : f32
    %broadcast_in_dim3A_76 = vector.broadcast %jit3A_75 : f32 to vector<80x128xf32>
    %select_n3A_77 = arith.select %eq3A_74, %broadcast_in_dim3A_76, %select_n3A_57 : vector<80x128xi1>, vector<80x128xf32>
    %reduce_max3A_78 = vector.shape_cast %select_n3A_77 : vector<80x128xf32> to vector<1x80x128xf32>
    %reduce_max3A_79 = arith.constant dense<0xFF800000> : vector<1xf32>
    %reduce_max3A_80 = vector.multi_reduction <maximumf>, %reduce_max3A_78, %reduce_max3A_79 [1, 2] : vector<1x80x128xf32> to vector<1xf32>
    %reduce_max3A_81 = vector.shape_cast %reduce_max3A_80 : vector<1xf32> to vector<1x1x1xf32>
    %reduce_max3A_82 = vector.extract %reduce_max3A_81[0, 0, 0] : f32 from vector<1x1x1xf32>
    %ge3A_83 = vector.broadcast %reduce_max3A_82 : f32 to vector<80x128xf32>
    %ge3A_84 = arith.cmpf oge, %select_n3A_77, %ge3A_83 : vector<80x128xf32>
    %jit3A_85 = arith.constant 1073741824 : i32
    %broadcast_in_dim3A_86 = vector.broadcast %jit3A_85 : i32 to vector<80x128xi32>
    %select_n3A_87 = arith.select %ge3A_84, %add3A, %broadcast_in_dim3A_86 : vector<80x128xi1>, vector<80x128xi32>
    %reduce_min3A_88 = vector.shape_cast %select_n3A_87 : vector<80x128xi32> to vector<1x80x128xi32>
    %reduce_min3A_89 = arith.constant dense<2147483647> : vector<1xi32>
    %reduce_min3A_90 = vector.multi_reduction <minsi>, %reduce_min3A_88, %reduce_min3A_89 [1, 2] : vector<1x80x128xi32> to vector<1xi32>
    %reduce_min3A_91 = vector.shape_cast %reduce_min3A_90 : vector<1xi32> to vector<1x1x1xi32>
    %reduce_min3A_92 = vector.extract %reduce_min3A_91[0, 0, 0] : i32 from vector<1x1x1xi32>
    %eq3A_93 = vector.broadcast %reduce_min3A_92 : i32 to vector<80x128xi32>
    %eq3A_94 = arith.cmpi eq, %add3A, %eq3A_93 : vector<80x128xi32>
    %jit3A_95 = arith.constant -1.000000e+30 : f32
    %broadcast_in_dim3A_96 = vector.broadcast %jit3A_95 : f32 to vector<80x128xf32>
    %select_n3A_97 = arith.select %eq3A_94, %broadcast_in_dim3A_96, %select_n3A_77 : vector<80x128xi1>, vector<80x128xf32>
    %reduce_max3A_98 = vector.shape_cast %select_n3A_97 : vector<80x128xf32> to vector<1x80x128xf32>
    %reduce_max3A_99 = arith.constant dense<0xFF800000> : vector<1xf32>
    %reduce_max3A_100 = vector.multi_reduction <maximumf>, %reduce_max3A_98, %reduce_max3A_99 [1, 2] : vector<1x80x128xf32> to vector<1xf32>
    %reduce_max3A_101 = vector.shape_cast %reduce_max3A_100 : vector<1xf32> to vector<1x1x1xf32>
    %reduce_max3A_102 = vector.extract %reduce_max3A_101[0, 0, 0] : f32 from vector<1x1x1xf32>
    %ge3A_103 = vector.broadcast %reduce_max3A_102 : f32 to vector<80x128xf32>
    %ge3A_104 = arith.cmpf oge, %select_n3A_97, %ge3A_103 : vector<80x128xf32>
    %jit3A_105 = arith.constant 1073741824 : i32
    %broadcast_in_dim3A_106 = vector.broadcast %jit3A_105 : i32 to vector<80x128xi32>
    %select_n3A_107 = arith.select %ge3A_104, %add3A, %broadcast_in_dim3A_106 : vector<80x128xi1>, vector<80x128xi32>
    %reduce_min3A_108 = vector.shape_cast %select_n3A_107 : vector<80x128xi32> to vector<1x80x128xi32>
    %reduce_min3A_109 = arith.constant dense<2147483647> : vector<1xi32>
    %reduce_min3A_110 = vector.multi_reduction <minsi>, %reduce_min3A_108, %reduce_min3A_109 [1, 2] : vector<1x80x128xi32> to vector<1xi32>
    %reduce_min3A_111 = vector.shape_cast %reduce_min3A_110 : vector<1xi32> to vector<1x1x1xi32>
    %reduce_min3A_112 = vector.extract %reduce_min3A_111[0, 0, 0] : i32 from vector<1x1x1xi32>
    %eq3A_113 = vector.broadcast %reduce_min3A_112 : i32 to vector<80x128xi32>
    %eq3A_114 = arith.cmpi eq, %add3A, %eq3A_113 : vector<80x128xi32>
    %jit3A_115 = arith.constant -1.000000e+30 : f32
    %broadcast_in_dim3A_116 = vector.broadcast %jit3A_115 : f32 to vector<80x128xf32>
    %select_n3A_117 = arith.select %eq3A_114, %broadcast_in_dim3A_116, %select_n3A_97 : vector<80x128xi1>, vector<80x128xf32>
    %reduce_max3A_118 = vector.shape_cast %select_n3A_117 : vector<80x128xf32> to vector<1x80x128xf32>
    %reduce_max3A_119 = arith.constant dense<0xFF800000> : vector<1xf32>
    %reduce_max3A_120 = vector.multi_reduction <maximumf>, %reduce_max3A_118, %reduce_max3A_119 [1, 2] : vector<1x80x128xf32> to vector<1xf32>
    %reduce_max3A_121 = vector.shape_cast %reduce_max3A_120 : vector<1xf32> to vector<1x1x1xf32>
    %reduce_max3A_122 = vector.extract %reduce_max3A_121[0, 0, 0] : f32 from vector<1x1x1xf32>
    %ge3A_123 = vector.broadcast %reduce_max3A_122 : f32 to vector<80x128xf32>
    %ge3A_124 = arith.cmpf oge, %select_n3A_117, %ge3A_123 : vector<80x128xf32>
    %jit3A_125 = arith.constant 1073741824 : i32
    %broadcast_in_dim3A_126 = vector.broadcast %jit3A_125 : i32 to vector<80x128xi32>
    %select_n3A_127 = arith.select %ge3A_124, %add3A, %broadcast_in_dim3A_126 : vector<80x128xi1>, vector<80x128xi32>
    %reduce_min3A_128 = vector.shape_cast %select_n3A_127 : vector<80x128xi32> to vector<1x80x128xi32>
    %reduce_min3A_129 = arith.constant dense<2147483647> : vector<1xi32>
    %reduce_min3A_130 = vector.multi_reduction <minsi>, %reduce_min3A_128, %reduce_min3A_129 [1, 2] : vector<1x80x128xi32> to vector<1xi32>
    %reduce_min3A_131 = vector.shape_cast %reduce_min3A_130 : vector<1xi32> to vector<1x1x1xi32>
    %reduce_min3A_132 = vector.extract %reduce_min3A_131[0, 0, 0] : i32 from vector<1x1x1xi32>
    %eq3A_133 = vector.broadcast %reduce_min3A_132 : i32 to vector<80x128xi32>
    %eq3A_134 = arith.cmpi eq, %add3A, %eq3A_133 : vector<80x128xi32>
    %jit3A_135 = arith.constant -1.000000e+30 : f32
    %broadcast_in_dim3A_136 = vector.broadcast %jit3A_135 : f32 to vector<80x128xf32>
    %select_n3A_137 = arith.select %eq3A_134, %broadcast_in_dim3A_136, %select_n3A_117 : vector<80x128xi1>, vector<80x128xf32>
    %reduce_max3A_138 = vector.shape_cast %select_n3A_137 : vector<80x128xf32> to vector<1x80x128xf32>
    %reduce_max3A_139 = arith.constant dense<0xFF800000> : vector<1xf32>
    %reduce_max3A_140 = vector.multi_reduction <maximumf>, %reduce_max3A_138, %reduce_max3A_139 [1, 2] : vector<1x80x128xf32> to vector<1xf32>
    %reduce_max3A_141 = vector.shape_cast %reduce_max3A_140 : vector<1xf32> to vector<1x1x1xf32>
    %reduce_max3A_142 = vector.extract %reduce_max3A_141[0, 0, 0] : f32 from vector<1x1x1xf32>
    %ge3A_143 = vector.broadcast %reduce_max3A_142 : f32 to vector<80x128xf32>
    %ge3A_144 = arith.cmpf oge, %select_n3A_137, %ge3A_143 : vector<80x128xf32>
    %jit3A_145 = arith.constant 1073741824 : i32
    %broadcast_in_dim3A_146 = vector.broadcast %jit3A_145 : i32 to vector<80x128xi32>
    %select_n3A_147 = arith.select %ge3A_144, %add3A, %broadcast_in_dim3A_146 : vector<80x128xi1>, vector<80x128xi32>
    %reduce_min3A_148 = vector.shape_cast %select_n3A_147 : vector<80x128xi32> to vector<1x80x128xi32>
    %reduce_min3A_149 = arith.constant dense<2147483647> : vector<1xi32>
    %reduce_min3A_150 = vector.multi_reduction <minsi>, %reduce_min3A_148, %reduce_min3A_149 [1, 2] : vector<1x80x128xi32> to vector<1xi32>
    %reduce_min3A_151 = vector.shape_cast %reduce_min3A_150 : vector<1xi32> to vector<1x1x1xi32>
    %reduce_min3A_152 = vector.extract %reduce_min3A_151[0, 0, 0] : i32 from vector<1x1x1xi32>
    %eq3A_153 = vector.broadcast %reduce_min3A_152 : i32 to vector<80x128xi32>
    %eq3A_154 = arith.cmpi eq, %add3A, %eq3A_153 : vector<80x128xi32>
    %jit3A_155 = arith.constant -1.000000e+30 : f32
    %broadcast_in_dim3A_156 = vector.broadcast %jit3A_155 : f32 to vector<80x128xf32>
    %select_n3A_157 = arith.select %eq3A_154, %broadcast_in_dim3A_156, %select_n3A_137 : vector<80x128xi1>, vector<80x128xf32>
    %reduce_max3A_158 = vector.shape_cast %select_n3A_157 : vector<80x128xf32> to vector<1x80x128xf32>
    %reduce_max3A_159 = arith.constant dense<0xFF800000> : vector<1xf32>
    %reduce_max3A_160 = vector.multi_reduction <maximumf>, %reduce_max3A_158, %reduce_max3A_159 [1, 2] : vector<1x80x128xf32> to vector<1xf32>
    %reduce_max3A_161 = vector.shape_cast %reduce_max3A_160 : vector<1xf32> to vector<1x1x1xf32>
    %reduce_max3A_162 = vector.extract %reduce_max3A_161[0, 0, 0] : f32 from vector<1x1x1xf32>
    %ge3A_163 = vector.broadcast %reduce_max3A_162 : f32 to vector<80x128xf32>
    %ge3A_164 = arith.cmpf oge, %select_n3A_157, %ge3A_163 : vector<80x128xf32>
    %jit3A_165 = arith.constant 1073741824 : i32
    %broadcast_in_dim3A_166 = vector.broadcast %jit3A_165 : i32 to vector<80x128xi32>
    %select_n3A_167 = arith.select %ge3A_164, %add3A, %broadcast_in_dim3A_166 : vector<80x128xi1>, vector<80x128xi32>
    %reduce_min3A_168 = vector.shape_cast %select_n3A_167 : vector<80x128xi32> to vector<1x80x128xi32>
    %reduce_min3A_169 = arith.constant dense<2147483647> : vector<1xi32>
    %reduce_min3A_170 = vector.multi_reduction <minsi>, %reduce_min3A_168, %reduce_min3A_169 [1, 2] : vector<1x80x128xi32> to vector<1xi32>
    %reduce_min3A_171 = vector.shape_cast %reduce_min3A_170 : vector<1xi32> to vector<1x1x1xi32>
    %reduce_min3A_172 = vector.extract %reduce_min3A_171[0, 0, 0] : i32 from vector<1x1x1xi32>
    %sub3A = arith.subf %reduce_max3A_8, %reduce_max3A_8 : f32
    %exp3A = math.exp %sub3A : f32
    %sub3A_173 = arith.subf %reduce_max3A_22, %reduce_max3A_8 : f32
    %exp3A_174 = math.exp %sub3A_173 : f32
    %sub3A_175 = arith.subf %reduce_max3A_42, %reduce_max3A_8 : f32
    %exp3A_176 = math.exp %sub3A_175 : f32
    %sub3A_177 = arith.subf %reduce_max3A_62, %reduce_max3A_8 : f32
    %exp3A_178 = math.exp %sub3A_177 : f32
    %sub3A_179 = arith.subf %reduce_max3A_82, %reduce_max3A_8 : f32
    %exp3A_180 = math.exp %sub3A_179 : f32
    %sub3A_181 = arith.subf %reduce_max3A_102, %reduce_max3A_8 : f32
    %exp3A_182 = math.exp %sub3A_181 : f32
    %sub3A_183 = arith.subf %reduce_max3A_122, %reduce_max3A_8 : f32
    %exp3A_184 = math.exp %sub3A_183 : f32
    %sub3A_185 = arith.subf %reduce_max3A_142, %reduce_max3A_8 : f32
    %exp3A_186 = math.exp %sub3A_185 : f32
    %sub3A_187 = arith.subf %reduce_max3A_162, %reduce_max3A_8 : f32
    %exp3A_188 = math.exp %sub3A_187 : f32
    %add3A_189 = arith.addf %exp3A, %exp3A_174 : f32
    %add3A_190 = arith.addf %add3A_189, %exp3A_176 : f32
    %add3A_191 = arith.addf %add3A_190, %exp3A_178 : f32
    %add3A_192 = arith.addf %add3A_191, %exp3A_180 : f32
    %add3A_193 = arith.addf %add3A_192, %exp3A_182 : f32
    %add3A_194 = arith.addf %add3A_193, %exp3A_184 : f32
    %add3A_195 = arith.addf %add3A_194, %exp3A_186 : f32
    %add3A_196 = arith.addf %add3A_195, %exp3A_188 : f32
    %iota3A_197 = tpu.iota {dimensions = array<i32: 1>} : vector<1x128xi32>
    %broadcast_in_dim3A_198 = arith.constant 0.000000e+00 : f32
    %broadcast_in_dim3A_199 = vector.broadcast %broadcast_in_dim3A_198 : f32 to vector<1x128xf32>
    %broadcast_in_dim3A_200 = arith.constant 0 : i32
    %broadcast_in_dim3A_201 = vector.broadcast %broadcast_in_dim3A_200 : i32 to vector<1x128xi32>
    %eq3A_202 = arith.constant 0 : i32
    %eq3A_203 = vector.broadcast %eq3A_202 : i32 to vector<1x128xi32>
    %eq3A_204 = arith.cmpi eq, %iota3A_197, %eq3A_203 : vector<1x128xi32>
    %div3A = arith.divf %exp3A, %add3A_196 : f32
    %broadcast_in_dim3A_205 = vector.broadcast %div3A : f32 to vector<1x128xf32>
    %select_n3A_206 = arith.select %eq3A_204, %broadcast_in_dim3A_205, %broadcast_in_dim3A_199 : vector<1x128xi1>, vector<1x128xf32>
    %eq3A_207 = arith.constant 0 : i32
    %eq3A_208 = vector.broadcast %eq3A_207 : i32 to vector<1x128xi32>
    %eq3A_209 = arith.cmpi eq, %iota3A_197, %eq3A_208 : vector<1x128xi32>
    %broadcast_in_dim3A_210 = vector.broadcast %reduce_min3A_13 : i32 to vector<1x128xi32>
    %select_n3A_211 = arith.select %eq3A_209, %broadcast_in_dim3A_210, %broadcast_in_dim3A_201 : vector<1x128xi1>, vector<1x128xi32>
    %eq3A_212 = arith.constant 1 : i32
    %eq3A_213 = vector.broadcast %eq3A_212 : i32 to vector<1x128xi32>
    %eq3A_214 = arith.cmpi eq, %iota3A_197, %eq3A_213 : vector<1x128xi32>
    %div3A_215 = arith.divf %exp3A_174, %add3A_196 : f32
    %broadcast_in_dim3A_216 = vector.broadcast %div3A_215 : f32 to vector<1x128xf32>
    %select_n3A_217 = arith.select %eq3A_214, %broadcast_in_dim3A_216, %select_n3A_206 : vector<1x128xi1>, vector<1x128xf32>
    %eq3A_218 = arith.constant 1 : i32
    %eq3A_219 = vector.broadcast %eq3A_218 : i32 to vector<1x128xi32>
    %eq3A_220 = arith.cmpi eq, %iota3A_197, %eq3A_219 : vector<1x128xi32>
    %broadcast_in_dim3A_221 = vector.broadcast %reduce_min3A_32 : i32 to vector<1x128xi32>
    %select_n3A_222 = arith.select %eq3A_220, %broadcast_in_dim3A_221, %select_n3A_211 : vector<1x128xi1>, vector<1x128xi32>
    %eq3A_223 = arith.constant 2 : i32
    %eq3A_224 = vector.broadcast %eq3A_223 : i32 to vector<1x128xi32>
    %eq3A_225 = arith.cmpi eq, %iota3A_197, %eq3A_224 : vector<1x128xi32>
    %div3A_226 = arith.divf %exp3A_176, %add3A_196 : f32
    %broadcast_in_dim3A_227 = vector.broadcast %div3A_226 : f32 to vector<1x128xf32>
    %select_n3A_228 = arith.select %eq3A_225, %broadcast_in_dim3A_227, %select_n3A_217 : vector<1x128xi1>, vector<1x128xf32>
    %eq3A_229 = arith.constant 2 : i32
    %eq3A_230 = vector.broadcast %eq3A_229 : i32 to vector<1x128xi32>
    %eq3A_231 = arith.cmpi eq, %iota3A_197, %eq3A_230 : vector<1x128xi32>
    %broadcast_in_dim3A_232 = vector.broadcast %reduce_min3A_52 : i32 to vector<1x128xi32>
    %select_n3A_233 = arith.select %eq3A_231, %broadcast_in_dim3A_232, %select_n3A_222 : vector<1x128xi1>, vector<1x128xi32>
    %eq3A_234 = arith.constant 3 : i32
    %eq3A_235 = vector.broadcast %eq3A_234 : i32 to vector<1x128xi32>
    %eq3A_236 = arith.cmpi eq, %iota3A_197, %eq3A_235 : vector<1x128xi32>
    %div3A_237 = arith.divf %exp3A_178, %add3A_196 : f32
    %broadcast_in_dim3A_238 = vector.broadcast %div3A_237 : f32 to vector<1x128xf32>
    %select_n3A_239 = arith.select %eq3A_236, %broadcast_in_dim3A_238, %select_n3A_228 : vector<1x128xi1>, vector<1x128xf32>
    %eq3A_240 = arith.constant 3 : i32
    %eq3A_241 = vector.broadcast %eq3A_240 : i32 to vector<1x128xi32>
    %eq3A_242 = arith.cmpi eq, %iota3A_197, %eq3A_241 : vector<1x128xi32>
    %broadcast_in_dim3A_243 = vector.broadcast %reduce_min3A_72 : i32 to vector<1x128xi32>
    %select_n3A_244 = arith.select %eq3A_242, %broadcast_in_dim3A_243, %select_n3A_233 : vector<1x128xi1>, vector<1x128xi32>
    %eq3A_245 = arith.constant 4 : i32
    %eq3A_246 = vector.broadcast %eq3A_245 : i32 to vector<1x128xi32>
    %eq3A_247 = arith.cmpi eq, %iota3A_197, %eq3A_246 : vector<1x128xi32>
    %div3A_248 = arith.divf %exp3A_180, %add3A_196 : f32
    %broadcast_in_dim3A_249 = vector.broadcast %div3A_248 : f32 to vector<1x128xf32>
    %select_n3A_250 = arith.select %eq3A_247, %broadcast_in_dim3A_249, %select_n3A_239 : vector<1x128xi1>, vector<1x128xf32>
    %eq3A_251 = arith.constant 4 : i32
    %eq3A_252 = vector.broadcast %eq3A_251 : i32 to vector<1x128xi32>
    %eq3A_253 = arith.cmpi eq, %iota3A_197, %eq3A_252 : vector<1x128xi32>
    %broadcast_in_dim3A_254 = vector.broadcast %reduce_min3A_92 : i32 to vector<1x128xi32>
    %select_n3A_255 = arith.select %eq3A_253, %broadcast_in_dim3A_254, %select_n3A_244 : vector<1x128xi1>, vector<1x128xi32>
    %eq3A_256 = arith.constant 5 : i32
    %eq3A_257 = vector.broadcast %eq3A_256 : i32 to vector<1x128xi32>
    %eq3A_258 = arith.cmpi eq, %iota3A_197, %eq3A_257 : vector<1x128xi32>
    %div3A_259 = arith.divf %exp3A_182, %add3A_196 : f32
    %broadcast_in_dim3A_260 = vector.broadcast %div3A_259 : f32 to vector<1x128xf32>
    %select_n3A_261 = arith.select %eq3A_258, %broadcast_in_dim3A_260, %select_n3A_250 : vector<1x128xi1>, vector<1x128xf32>
    %eq3A_262 = arith.constant 5 : i32
    %eq3A_263 = vector.broadcast %eq3A_262 : i32 to vector<1x128xi32>
    %eq3A_264 = arith.cmpi eq, %iota3A_197, %eq3A_263 : vector<1x128xi32>
    %broadcast_in_dim3A_265 = vector.broadcast %reduce_min3A_112 : i32 to vector<1x128xi32>
    %select_n3A_266 = arith.select %eq3A_264, %broadcast_in_dim3A_265, %select_n3A_255 : vector<1x128xi1>, vector<1x128xi32>
    %eq3A_267 = arith.constant 6 : i32
    %eq3A_268 = vector.broadcast %eq3A_267 : i32 to vector<1x128xi32>
    %eq3A_269 = arith.cmpi eq, %iota3A_197, %eq3A_268 : vector<1x128xi32>
    %div3A_270 = arith.divf %exp3A_184, %add3A_196 : f32
    %broadcast_in_dim3A_271 = vector.broadcast %div3A_270 : f32 to vector<1x128xf32>
    %select_n3A_272 = arith.select %eq3A_269, %broadcast_in_dim3A_271, %select_n3A_261 : vector<1x128xi1>, vector<1x128xf32>
    %eq3A_273 = arith.constant 6 : i32
    %eq3A_274 = vector.broadcast %eq3A_273 : i32 to vector<1x128xi32>
    %eq3A_275 = arith.cmpi eq, %iota3A_197, %eq3A_274 : vector<1x128xi32>
    %broadcast_in_dim3A_276 = vector.broadcast %reduce_min3A_132 : i32 to vector<1x128xi32>
    %select_n3A_277 = arith.select %eq3A_275, %broadcast_in_dim3A_276, %select_n3A_266 : vector<1x128xi1>, vector<1x128xi32>
    %eq3A_278 = arith.constant 7 : i32
    %eq3A_279 = vector.broadcast %eq3A_278 : i32 to vector<1x128xi32>
    %eq3A_280 = arith.cmpi eq, %iota3A_197, %eq3A_279 : vector<1x128xi32>
    %div3A_281 = arith.divf %exp3A_186, %add3A_196 : f32
    %broadcast_in_dim3A_282 = vector.broadcast %div3A_281 : f32 to vector<1x128xf32>
    %select_n3A_283 = arith.select %eq3A_280, %broadcast_in_dim3A_282, %select_n3A_272 : vector<1x128xi1>, vector<1x128xf32>
    %eq3A_284 = arith.constant 7 : i32
    %eq3A_285 = vector.broadcast %eq3A_284 : i32 to vector<1x128xi32>
    %eq3A_286 = arith.cmpi eq, %iota3A_197, %eq3A_285 : vector<1x128xi32>
    %broadcast_in_dim3A_287 = vector.broadcast %reduce_min3A_152 : i32 to vector<1x128xi32>
    %select_n3A_288 = arith.select %eq3A_286, %broadcast_in_dim3A_287, %select_n3A_277 : vector<1x128xi1>, vector<1x128xi32>
    %eq3A_289 = arith.constant 8 : i32
    %eq3A_290 = vector.broadcast %eq3A_289 : i32 to vector<1x128xi32>
    %eq3A_291 = arith.cmpi eq, %iota3A_197, %eq3A_290 : vector<1x128xi32>
    %div3A_292 = arith.divf %exp3A_188, %add3A_196 : f32
    %broadcast_in_dim3A_293 = vector.broadcast %div3A_292 : f32 to vector<1x128xf32>
    %select_n3A_294 = arith.select %eq3A_291, %broadcast_in_dim3A_293, %select_n3A_283 : vector<1x128xi1>, vector<1x128xf32>
    %eq3A_295 = arith.constant 8 : i32
    %eq3A_296 = vector.broadcast %eq3A_295 : i32 to vector<1x128xi32>
    %eq3A_297 = arith.cmpi eq, %iota3A_197, %eq3A_296 : vector<1x128xi32>
    %broadcast_in_dim3A_298 = vector.broadcast %reduce_min3A_172 : i32 to vector<1x128xi32>
    %select_n3A_299 = arith.select %eq3A_297, %broadcast_in_dim3A_298, %select_n3A_288 : vector<1x128xi1>, vector<1x128xi32>
    %swap3A = arith.constant 0 : index
    %swap3A_300 = arith.constant 0 : index
    %swap3A_301 = vector.load %arg1[%swap3A, %swap3A_300] : memref<1x128xf32, #tpu.memory_space<vmem>>, vector<1x128xf32>
    tpu.vector_store %arg1[%swap3A, %swap3A_300], %select_n3A_294 {strides = array<i32>} : memref<1x128xf32, #tpu.memory_space<vmem>>, vector<1x128xf32>,
    %swap3A_302 = arith.constant 0 : index
    %swap3A_303 = arith.constant 0 : index
    %swap3A_304 = vector.load %arg2[%swap3A_302, %swap3A_303] : memref<1x128xi32, #tpu.memory_space<vmem>>, vector<1x128xi32>
    tpu.vector_store %arg2[%swap3A_302, %swap3A_303], %select_n3A_299 {strides = array<i32>} : memref<1x128xi32, #tpu.memory_space<vmem>>, vector<1x128xi32>,
    return
  }
}

module attributes {stable_mosaic.version = 14 : i64} {
  func.func @_dagg_body(%arg0: i32, %arg1: memref<9xi32, #tpu.memory_space<smem>>, %arg2: memref<9xf32, #tpu.memory_space<smem>>, %arg3: memref<20000x256xf32, #tpu.memory_space<vmem>>, %arg4: memref<400x1xf32, #tpu.memory_space<vmem>>, %arg5: memref<256x256xf32, #tpu.memory_space<vmem>>, %arg6: memref<1x256xf32, #tpu.memory_space<vmem>>, %arg7: memref<400x256xf32, #tpu.memory_space<vmem>>) attributes {dimension_semantics = [#tpu.dimension_semantics<arbitrary>], iteration_bounds = array<i64: 25>, scalar_prefetch = 2 : i64, scratch_operands = 0 : i64, tpu.core_type = #tpu.core_type<tc>, window_params = [{pipeline_mode = #tpu.pipeline_mode<synchronous>, transform_indices = @transform_0, window_bounds = array<i64: 20000, 256>}, {transform_indices = @transform_1, window_bounds = array<i64: 400, 1>}, {pipeline_mode = #tpu.pipeline_mode<synchronous>, transform_indices = @transform_2, window_bounds = array<i64: 256, 256>}, {pipeline_mode = #tpu.pipeline_mode<synchronous>, transform_indices = @transform_3, window_bounds = array<i64: 1, 256>}, {transform_indices = @transform_4, window_bounds = array<i64: 400, 256>}]} {
    %mul3A = arith.constant 400 : i32
    %mul3A_0 = arith.muli %arg0, %mul3A : i32
    %get3A = arith.constant 0 : index
    %get3A_1 = memref.load %arg2[%get3A] : memref<9xf32, #tpu.memory_space<smem>>
    %get3A_2 = arith.constant 0 : index
    %get3A_3 = memref.load %arg1[%get3A_2] : memref<9xi32, #tpu.memory_space<smem>>
    %add3A = arith.addi %mul3A_0, %get3A_3 : i32
    %jit3A = arith.constant 8 : i32
    %div3A = arith.divsi %add3A, %jit3A : i32
    %sign3A = arith.constant 0 : i32
    %sign3A_4 = arith.cmpi sgt, %add3A, %sign3A : i32
    %sign3A_5 = arith.extui %sign3A_4 : i1 to i32
    %sign3A_6 = arith.constant 0 : i32
    %sign3A_7 = arith.cmpi slt, %add3A, %sign3A_6 : i32
    %sign3A_8 = arith.extui %sign3A_7 : i1 to i32
    %sign3A_9 = arith.subi %sign3A_5, %sign3A_8 : i32
    %sign3A_10 = arith.constant 0 : i32
    %sign3A_11 = arith.cmpi sgt, %jit3A, %sign3A_10 : i32
    %sign3A_12 = arith.extui %sign3A_11 : i1 to i32
    %sign3A_13 = arith.constant 0 : i32
    %sign3A_14 = arith.cmpi slt, %jit3A, %sign3A_13 : i32
    %sign3A_15 = arith.extui %sign3A_14 : i1 to i32
    %sign3A_16 = arith.subi %sign3A_12, %sign3A_15 : i32
    %ne3A = arith.cmpi ne, %sign3A_9, %sign3A_16 : i32
    %rem3A = arith.remsi %add3A, %jit3A : i32
    %ne3A_17 = arith.constant 0 : i32
    %ne3A_18 = arith.cmpi ne, %rem3A, %ne3A_17 : i32
    %and3A = arith.andi %ne3A, %ne3A_18 : i1
    %sub3A = arith.constant 1 : i32
    %sub3A_19 = arith.subi %div3A, %sub3A : i32
    %select_n3A = arith.select %and3A, %sub3A_19, %div3A : i32
    %mul3A_20 = arith.constant 8 : i32
    %mul3A_21 = arith.muli %select_n3A, %mul3A_20 : i32
    %sub3A_22 = arith.subi %add3A, %mul3A_21 : i32
    %get3A_23 = arith.index_cast %mul3A_21 : i32 to index
    %get3A_24 = arith.constant 0 : index
    %get3A_25 = vector.load %arg3[%get3A_23, %get3A_24] : memref<20000x256xf32, #tpu.memory_space<vmem>>, vector<408x256xf32>
    %neg3A = arith.constant 0 : i32
    %neg3A_26 = arith.subi %neg3A, %sub3A_22 : i32
    %jit3A_27 = arith.constant 408 : i32
    %eq3A = arith.constant 0 : i32
    %eq3A_28 = arith.cmpi eq, %jit3A_27, %eq3A : i32
    %jit3A_29 = arith.constant 1 : i32
    %select_n3A_30 = arith.select %eq3A_28, %jit3A_29, %jit3A_27 : i32
    %rem3A_31 = arith.remsi %neg3A_26, %select_n3A_30 : i32
    %ne3A_32 = arith.constant 0 : i32
    %ne3A_33 = arith.cmpi ne, %rem3A_31, %ne3A_32 : i32
    %lt3A = arith.constant 0 : i32
    %lt3A_34 = arith.cmpi slt, %rem3A_31, %lt3A : i32
    %lt3A_35 = arith.constant 0 : i32
    %lt3A_36 = arith.cmpi slt, %select_n3A_30, %lt3A_35 : i32
    %ne3A_37 = arith.xori %lt3A_34, %lt3A_36 : i1
    %and3A_38 = arith.andi %ne3A_37, %ne3A_33 : i1
    %add3A_39 = arith.addi %rem3A_31, %select_n3A_30 : i32
    %select_n3A_40 = arith.select %and3A_38, %add3A_39, %rem3A_31 : i32
    %roll3A = tpu.dynamic_rotate %get3A_25 by %select_n3A_40 dim 0 : vector<408x256xf32>, i32 -> vector<408x256xf32>
    %slice3A = vector.extract_strided_slice %roll3A {offsets = [0, 0], sizes = [400, 256], strides = [1, 1]} : vector<408x256xf32> to vector<400x256xf32>
    %mul3A_41 = vector.broadcast %get3A_1 : f32 to vector<400x256xf32>
    %mul3A_42 = arith.mulf %mul3A_41, %slice3A : vector<400x256xf32>
    %get3A_43 = arith.constant 1 : index
    %get3A_44 = memref.load %arg2[%get3A_43] : memref<9xf32, #tpu.memory_space<smem>>
    %get3A_45 = arith.constant 1 : index
    %get3A_46 = memref.load %arg1[%get3A_45] : memref<9xi32, #tpu.memory_space<smem>>
    %add3A_47 = arith.addi %mul3A_0, %get3A_46 : i32
    %jit3A_48 = arith.constant 8 : i32
    %div3A_49 = arith.divsi %add3A_47, %jit3A_48 : i32
    %sign3A_50 = arith.constant 0 : i32
    %sign3A_51 = arith.cmpi sgt, %add3A_47, %sign3A_50 : i32
    %sign3A_52 = arith.extui %sign3A_51 : i1 to i32
    %sign3A_53 = arith.constant 0 : i32
    %sign3A_54 = arith.cmpi slt, %add3A_47, %sign3A_53 : i32
    %sign3A_55 = arith.extui %sign3A_54 : i1 to i32
    %sign3A_56 = arith.subi %sign3A_52, %sign3A_55 : i32
    %sign3A_57 = arith.constant 0 : i32
    %sign3A_58 = arith.cmpi sgt, %jit3A_48, %sign3A_57 : i32
    %sign3A_59 = arith.extui %sign3A_58 : i1 to i32
    %sign3A_60 = arith.constant 0 : i32
    %sign3A_61 = arith.cmpi slt, %jit3A_48, %sign3A_60 : i32
    %sign3A_62 = arith.extui %sign3A_61 : i1 to i32
    %sign3A_63 = arith.subi %sign3A_59, %sign3A_62 : i32
    %ne3A_64 = arith.cmpi ne, %sign3A_56, %sign3A_63 : i32
    %rem3A_65 = arith.remsi %add3A_47, %jit3A_48 : i32
    %ne3A_66 = arith.constant 0 : i32
    %ne3A_67 = arith.cmpi ne, %rem3A_65, %ne3A_66 : i32
    %and3A_68 = arith.andi %ne3A_64, %ne3A_67 : i1
    %sub3A_69 = arith.constant 1 : i32
    %sub3A_70 = arith.subi %div3A_49, %sub3A_69 : i32
    %select_n3A_71 = arith.select %and3A_68, %sub3A_70, %div3A_49 : i32
    %mul3A_72 = arith.constant 8 : i32
    %mul3A_73 = arith.muli %select_n3A_71, %mul3A_72 : i32
    %sub3A_74 = arith.subi %add3A_47, %mul3A_73 : i32
    %get3A_75 = arith.index_cast %mul3A_73 : i32 to index
    %get3A_76 = arith.constant 0 : index
    %get3A_77 = vector.load %arg3[%get3A_75, %get3A_76] : memref<20000x256xf32, #tpu.memory_space<vmem>>, vector<408x256xf32>
    %neg3A_78 = arith.constant 0 : i32
    %neg3A_79 = arith.subi %neg3A_78, %sub3A_74 : i32
    %jit3A_80 = arith.constant 408 : i32
    %eq3A_81 = arith.constant 0 : i32
    %eq3A_82 = arith.cmpi eq, %jit3A_80, %eq3A_81 : i32
    %jit3A_83 = arith.constant 1 : i32
    %select_n3A_84 = arith.select %eq3A_82, %jit3A_83, %jit3A_80 : i32
    %rem3A_85 = arith.remsi %neg3A_79, %select_n3A_84 : i32
    %ne3A_86 = arith.constant 0 : i32
    %ne3A_87 = arith.cmpi ne, %rem3A_85, %ne3A_86 : i32
    %lt3A_88 = arith.constant 0 : i32
    %lt3A_89 = arith.cmpi slt, %rem3A_85, %lt3A_88 : i32
    %lt3A_90 = arith.constant 0 : i32
    %lt3A_91 = arith.cmpi slt, %select_n3A_84, %lt3A_90 : i32
    %ne3A_92 = arith.xori %lt3A_89, %lt3A_91 : i1
    %and3A_93 = arith.andi %ne3A_92, %ne3A_87 : i1
    %add3A_94 = arith.addi %rem3A_85, %select_n3A_84 : i32
    %select_n3A_95 = arith.select %and3A_93, %add3A_94, %rem3A_85 : i32
    %roll3A_96 = tpu.dynamic_rotate %get3A_77 by %select_n3A_95 dim 0 : vector<408x256xf32>, i32 -> vector<408x256xf32>
    %slice3A_97 = vector.extract_strided_slice %roll3A_96 {offsets = [0, 0], sizes = [400, 256], strides = [1, 1]} : vector<408x256xf32> to vector<400x256xf32>
    %mul3A_98 = vector.broadcast %get3A_44 : f32 to vector<400x256xf32>
    %mul3A_99 = arith.mulf %mul3A_98, %slice3A_97 : vector<400x256xf32>
    %add3A_100 = arith.addf %mul3A_42, %mul3A_99 : vector<400x256xf32>
    %get3A_101 = arith.constant 2 : index
    %get3A_102 = memref.load %arg2[%get3A_101] : memref<9xf32, #tpu.memory_space<smem>>
    %get3A_103 = arith.constant 2 : index
    %get3A_104 = memref.load %arg1[%get3A_103] : memref<9xi32, #tpu.memory_space<smem>>
    %add3A_105 = arith.addi %mul3A_0, %get3A_104 : i32
    %jit3A_106 = arith.constant 8 : i32
    %div3A_107 = arith.divsi %add3A_105, %jit3A_106 : i32
    %sign3A_108 = arith.constant 0 : i32
    %sign3A_109 = arith.cmpi sgt, %add3A_105, %sign3A_108 : i32
    %sign3A_110 = arith.extui %sign3A_109 : i1 to i32
    %sign3A_111 = arith.constant 0 : i32
    %sign3A_112 = arith.cmpi slt, %add3A_105, %sign3A_111 : i32
    %sign3A_113 = arith.extui %sign3A_112 : i1 to i32
    %sign3A_114 = arith.subi %sign3A_110, %sign3A_113 : i32
    %sign3A_115 = arith.constant 0 : i32
    %sign3A_116 = arith.cmpi sgt, %jit3A_106, %sign3A_115 : i32
    %sign3A_117 = arith.extui %sign3A_116 : i1 to i32
    %sign3A_118 = arith.constant 0 : i32
    %sign3A_119 = arith.cmpi slt, %jit3A_106, %sign3A_118 : i32
    %sign3A_120 = arith.extui %sign3A_119 : i1 to i32
    %sign3A_121 = arith.subi %sign3A_117, %sign3A_120 : i32
    %ne3A_122 = arith.cmpi ne, %sign3A_114, %sign3A_121 : i32
    %rem3A_123 = arith.remsi %add3A_105, %jit3A_106 : i32
    %ne3A_124 = arith.constant 0 : i32
    %ne3A_125 = arith.cmpi ne, %rem3A_123, %ne3A_124 : i32
    %and3A_126 = arith.andi %ne3A_122, %ne3A_125 : i1
    %sub3A_127 = arith.constant 1 : i32
    %sub3A_128 = arith.subi %div3A_107, %sub3A_127 : i32
    %select_n3A_129 = arith.select %and3A_126, %sub3A_128, %div3A_107 : i32
    %mul3A_130 = arith.constant 8 : i32
    %mul3A_131 = arith.muli %select_n3A_129, %mul3A_130 : i32
    %sub3A_132 = arith.subi %add3A_105, %mul3A_131 : i32
    %get3A_133 = arith.index_cast %mul3A_131 : i32 to index
    %get3A_134 = arith.constant 0 : index
    %get3A_135 = vector.load %arg3[%get3A_133, %get3A_134] : memref<20000x256xf32, #tpu.memory_space<vmem>>, vector<408x256xf32>
    %neg3A_136 = arith.constant 0 : i32
    %neg3A_137 = arith.subi %neg3A_136, %sub3A_132 : i32
    %jit3A_138 = arith.constant 408 : i32
    %eq3A_139 = arith.constant 0 : i32
    %eq3A_140 = arith.cmpi eq, %jit3A_138, %eq3A_139 : i32
    %jit3A_141 = arith.constant 1 : i32
    %select_n3A_142 = arith.select %eq3A_140, %jit3A_141, %jit3A_138 : i32
    %rem3A_143 = arith.remsi %neg3A_137, %select_n3A_142 : i32
    %ne3A_144 = arith.constant 0 : i32
    %ne3A_145 = arith.cmpi ne, %rem3A_143, %ne3A_144 : i32
    %lt3A_146 = arith.constant 0 : i32
    %lt3A_147 = arith.cmpi slt, %rem3A_143, %lt3A_146 : i32
    %lt3A_148 = arith.constant 0 : i32
    %lt3A_149 = arith.cmpi slt, %select_n3A_142, %lt3A_148 : i32
    %ne3A_150 = arith.xori %lt3A_147, %lt3A_149 : i1
    %and3A_151 = arith.andi %ne3A_150, %ne3A_145 : i1
    %add3A_152 = arith.addi %rem3A_143, %select_n3A_142 : i32
    %select_n3A_153 = arith.select %and3A_151, %add3A_152, %rem3A_143 : i32
    %roll3A_154 = tpu.dynamic_rotate %get3A_135 by %select_n3A_153 dim 0 : vector<408x256xf32>, i32 -> vector<408x256xf32>
    %slice3A_155 = vector.extract_strided_slice %roll3A_154 {offsets = [0, 0], sizes = [400, 256], strides = [1, 1]} : vector<408x256xf32> to vector<400x256xf32>
    %mul3A_156 = vector.broadcast %get3A_102 : f32 to vector<400x256xf32>
    %mul3A_157 = arith.mulf %mul3A_156, %slice3A_155 : vector<400x256xf32>
    %add3A_158 = arith.addf %add3A_100, %mul3A_157 : vector<400x256xf32>
    %get3A_159 = arith.constant 3 : index
    %get3A_160 = memref.load %arg2[%get3A_159] : memref<9xf32, #tpu.memory_space<smem>>
    %get3A_161 = arith.constant 3 : index
    %get3A_162 = memref.load %arg1[%get3A_161] : memref<9xi32, #tpu.memory_space<smem>>
    %add3A_163 = arith.addi %mul3A_0, %get3A_162 : i32
    %jit3A_164 = arith.constant 8 : i32
    %div3A_165 = arith.divsi %add3A_163, %jit3A_164 : i32
    %sign3A_166 = arith.constant 0 : i32
    %sign3A_167 = arith.cmpi sgt, %add3A_163, %sign3A_166 : i32
    %sign3A_168 = arith.extui %sign3A_167 : i1 to i32
    %sign3A_169 = arith.constant 0 : i32
    %sign3A_170 = arith.cmpi slt, %add3A_163, %sign3A_169 : i32
    %sign3A_171 = arith.extui %sign3A_170 : i1 to i32
    %sign3A_172 = arith.subi %sign3A_168, %sign3A_171 : i32
    %sign3A_173 = arith.constant 0 : i32
    %sign3A_174 = arith.cmpi sgt, %jit3A_164, %sign3A_173 : i32
    %sign3A_175 = arith.extui %sign3A_174 : i1 to i32
    %sign3A_176 = arith.constant 0 : i32
    %sign3A_177 = arith.cmpi slt, %jit3A_164, %sign3A_176 : i32
    %sign3A_178 = arith.extui %sign3A_177 : i1 to i32
    %sign3A_179 = arith.subi %sign3A_175, %sign3A_178 : i32
    %ne3A_180 = arith.cmpi ne, %sign3A_172, %sign3A_179 : i32
    %rem3A_181 = arith.remsi %add3A_163, %jit3A_164 : i32
    %ne3A_182 = arith.constant 0 : i32
    %ne3A_183 = arith.cmpi ne, %rem3A_181, %ne3A_182 : i32
    %and3A_184 = arith.andi %ne3A_180, %ne3A_183 : i1
    %sub3A_185 = arith.constant 1 : i32
    %sub3A_186 = arith.subi %div3A_165, %sub3A_185 : i32
    %select_n3A_187 = arith.select %and3A_184, %sub3A_186, %div3A_165 : i32
    %mul3A_188 = arith.constant 8 : i32
    %mul3A_189 = arith.muli %select_n3A_187, %mul3A_188 : i32
    %sub3A_190 = arith.subi %add3A_163, %mul3A_189 : i32
    %get3A_191 = arith.index_cast %mul3A_189 : i32 to index
    %get3A_192 = arith.constant 0 : index
    %get3A_193 = vector.load %arg3[%get3A_191, %get3A_192] : memref<20000x256xf32, #tpu.memory_space<vmem>>, vector<408x256xf32>
    %neg3A_194 = arith.constant 0 : i32
    %neg3A_195 = arith.subi %neg3A_194, %sub3A_190 : i32
    %jit3A_196 = arith.constant 408 : i32
    %eq3A_197 = arith.constant 0 : i32
    %eq3A_198 = arith.cmpi eq, %jit3A_196, %eq3A_197 : i32
    %jit3A_199 = arith.constant 1 : i32
    %select_n3A_200 = arith.select %eq3A_198, %jit3A_199, %jit3A_196 : i32
    %rem3A_201 = arith.remsi %neg3A_195, %select_n3A_200 : i32
    %ne3A_202 = arith.constant 0 : i32
    %ne3A_203 = arith.cmpi ne, %rem3A_201, %ne3A_202 : i32
    %lt3A_204 = arith.constant 0 : i32
    %lt3A_205 = arith.cmpi slt, %rem3A_201, %lt3A_204 : i32
    %lt3A_206 = arith.constant 0 : i32
    %lt3A_207 = arith.cmpi slt, %select_n3A_200, %lt3A_206 : i32
    %ne3A_208 = arith.xori %lt3A_205, %lt3A_207 : i1
    %and3A_209 = arith.andi %ne3A_208, %ne3A_203 : i1
    %add3A_210 = arith.addi %rem3A_201, %select_n3A_200 : i32
    %select_n3A_211 = arith.select %and3A_209, %add3A_210, %rem3A_201 : i32
    %roll3A_212 = tpu.dynamic_rotate %get3A_193 by %select_n3A_211 dim 0 : vector<408x256xf32>, i32 -> vector<408x256xf32>
    %slice3A_213 = vector.extract_strided_slice %roll3A_212 {offsets = [0, 0], sizes = [400, 256], strides = [1, 1]} : vector<408x256xf32> to vector<400x256xf32>
    %mul3A_214 = vector.broadcast %get3A_160 : f32 to vector<400x256xf32>
    %mul3A_215 = arith.mulf %mul3A_214, %slice3A_213 : vector<400x256xf32>
    %add3A_216 = arith.addf %add3A_158, %mul3A_215 : vector<400x256xf32>
    %get3A_217 = arith.constant 4 : index
    %get3A_218 = memref.load %arg2[%get3A_217] : memref<9xf32, #tpu.memory_space<smem>>
    %get3A_219 = arith.constant 4 : index
    %get3A_220 = memref.load %arg1[%get3A_219] : memref<9xi32, #tpu.memory_space<smem>>
    %add3A_221 = arith.addi %mul3A_0, %get3A_220 : i32
    %jit3A_222 = arith.constant 8 : i32
    %div3A_223 = arith.divsi %add3A_221, %jit3A_222 : i32
    %sign3A_224 = arith.constant 0 : i32
    %sign3A_225 = arith.cmpi sgt, %add3A_221, %sign3A_224 : i32
    %sign3A_226 = arith.extui %sign3A_225 : i1 to i32
    %sign3A_227 = arith.constant 0 : i32
    %sign3A_228 = arith.cmpi slt, %add3A_221, %sign3A_227 : i32
    %sign3A_229 = arith.extui %sign3A_228 : i1 to i32
    %sign3A_230 = arith.subi %sign3A_226, %sign3A_229 : i32
    %sign3A_231 = arith.constant 0 : i32
    %sign3A_232 = arith.cmpi sgt, %jit3A_222, %sign3A_231 : i32
    %sign3A_233 = arith.extui %sign3A_232 : i1 to i32
    %sign3A_234 = arith.constant 0 : i32
    %sign3A_235 = arith.cmpi slt, %jit3A_222, %sign3A_234 : i32
    %sign3A_236 = arith.extui %sign3A_235 : i1 to i32
    %sign3A_237 = arith.subi %sign3A_233, %sign3A_236 : i32
    %ne3A_238 = arith.cmpi ne, %sign3A_230, %sign3A_237 : i32
    %rem3A_239 = arith.remsi %add3A_221, %jit3A_222 : i32
    %ne3A_240 = arith.constant 0 : i32
    %ne3A_241 = arith.cmpi ne, %rem3A_239, %ne3A_240 : i32
    %and3A_242 = arith.andi %ne3A_238, %ne3A_241 : i1
    %sub3A_243 = arith.constant 1 : i32
    %sub3A_244 = arith.subi %div3A_223, %sub3A_243 : i32
    %select_n3A_245 = arith.select %and3A_242, %sub3A_244, %div3A_223 : i32
    %mul3A_246 = arith.constant 8 : i32
    %mul3A_247 = arith.muli %select_n3A_245, %mul3A_246 : i32
    %sub3A_248 = arith.subi %add3A_221, %mul3A_247 : i32
    %get3A_249 = arith.index_cast %mul3A_247 : i32 to index
    %get3A_250 = arith.constant 0 : index
    %get3A_251 = vector.load %arg3[%get3A_249, %get3A_250] : memref<20000x256xf32, #tpu.memory_space<vmem>>, vector<408x256xf32>
    %neg3A_252 = arith.constant 0 : i32
    %neg3A_253 = arith.subi %neg3A_252, %sub3A_248 : i32
    %jit3A_254 = arith.constant 408 : i32
    %eq3A_255 = arith.constant 0 : i32
    %eq3A_256 = arith.cmpi eq, %jit3A_254, %eq3A_255 : i32
    %jit3A_257 = arith.constant 1 : i32
    %select_n3A_258 = arith.select %eq3A_256, %jit3A_257, %jit3A_254 : i32
    %rem3A_259 = arith.remsi %neg3A_253, %select_n3A_258 : i32
    %ne3A_260 = arith.constant 0 : i32
    %ne3A_261 = arith.cmpi ne, %rem3A_259, %ne3A_260 : i32
    %lt3A_262 = arith.constant 0 : i32
    %lt3A_263 = arith.cmpi slt, %rem3A_259, %lt3A_262 : i32
    %lt3A_264 = arith.constant 0 : i32
    %lt3A_265 = arith.cmpi slt, %select_n3A_258, %lt3A_264 : i32
    %ne3A_266 = arith.xori %lt3A_263, %lt3A_265 : i1
    %and3A_267 = arith.andi %ne3A_266, %ne3A_261 : i1
    %add3A_268 = arith.addi %rem3A_259, %select_n3A_258 : i32
    %select_n3A_269 = arith.select %and3A_267, %add3A_268, %rem3A_259 : i32
    %roll3A_270 = tpu.dynamic_rotate %get3A_251 by %select_n3A_269 dim 0 : vector<408x256xf32>, i32 -> vector<408x256xf32>
    %slice3A_271 = vector.extract_strided_slice %roll3A_270 {offsets = [0, 0], sizes = [400, 256], strides = [1, 1]} : vector<408x256xf32> to vector<400x256xf32>
    %mul3A_272 = vector.broadcast %get3A_218 : f32 to vector<400x256xf32>
    %mul3A_273 = arith.mulf %mul3A_272, %slice3A_271 : vector<400x256xf32>
    %add3A_274 = arith.addf %add3A_216, %mul3A_273 : vector<400x256xf32>
    %get3A_275 = arith.constant 5 : index
    %get3A_276 = memref.load %arg2[%get3A_275] : memref<9xf32, #tpu.memory_space<smem>>
    %get3A_277 = arith.constant 5 : index
    %get3A_278 = memref.load %arg1[%get3A_277] : memref<9xi32, #tpu.memory_space<smem>>
    %add3A_279 = arith.addi %mul3A_0, %get3A_278 : i32
    %jit3A_280 = arith.constant 8 : i32
    %div3A_281 = arith.divsi %add3A_279, %jit3A_280 : i32
    %sign3A_282 = arith.constant 0 : i32
    %sign3A_283 = arith.cmpi sgt, %add3A_279, %sign3A_282 : i32
    %sign3A_284 = arith.extui %sign3A_283 : i1 to i32
    %sign3A_285 = arith.constant 0 : i32
    %sign3A_286 = arith.cmpi slt, %add3A_279, %sign3A_285 : i32
    %sign3A_287 = arith.extui %sign3A_286 : i1 to i32
    %sign3A_288 = arith.subi %sign3A_284, %sign3A_287 : i32
    %sign3A_289 = arith.constant 0 : i32
    %sign3A_290 = arith.cmpi sgt, %jit3A_280, %sign3A_289 : i32
    %sign3A_291 = arith.extui %sign3A_290 : i1 to i32
    %sign3A_292 = arith.constant 0 : i32
    %sign3A_293 = arith.cmpi slt, %jit3A_280, %sign3A_292 : i32
    %sign3A_294 = arith.extui %sign3A_293 : i1 to i32
    %sign3A_295 = arith.subi %sign3A_291, %sign3A_294 : i32
    %ne3A_296 = arith.cmpi ne, %sign3A_288, %sign3A_295 : i32
    %rem3A_297 = arith.remsi %add3A_279, %jit3A_280 : i32
    %ne3A_298 = arith.constant 0 : i32
    %ne3A_299 = arith.cmpi ne, %rem3A_297, %ne3A_298 : i32
    %and3A_300 = arith.andi %ne3A_296, %ne3A_299 : i1
    %sub3A_301 = arith.constant 1 : i32
    %sub3A_302 = arith.subi %div3A_281, %sub3A_301 : i32
    %select_n3A_303 = arith.select %and3A_300, %sub3A_302, %div3A_281 : i32
    %mul3A_304 = arith.constant 8 : i32
    %mul3A_305 = arith.muli %select_n3A_303, %mul3A_304 : i32
    %sub3A_306 = arith.subi %add3A_279, %mul3A_305 : i32
    %get3A_307 = arith.index_cast %mul3A_305 : i32 to index
    %get3A_308 = arith.constant 0 : index
    %get3A_309 = vector.load %arg3[%get3A_307, %get3A_308] : memref<20000x256xf32, #tpu.memory_space<vmem>>, vector<408x256xf32>
    %neg3A_310 = arith.constant 0 : i32
    %neg3A_311 = arith.subi %neg3A_310, %sub3A_306 : i32
    %jit3A_312 = arith.constant 408 : i32
    %eq3A_313 = arith.constant 0 : i32
    %eq3A_314 = arith.cmpi eq, %jit3A_312, %eq3A_313 : i32
    %jit3A_315 = arith.constant 1 : i32
    %select_n3A_316 = arith.select %eq3A_314, %jit3A_315, %jit3A_312 : i32
    %rem3A_317 = arith.remsi %neg3A_311, %select_n3A_316 : i32
    %ne3A_318 = arith.constant 0 : i32
    %ne3A_319 = arith.cmpi ne, %rem3A_317, %ne3A_318 : i32
    %lt3A_320 = arith.constant 0 : i32
    %lt3A_321 = arith.cmpi slt, %rem3A_317, %lt3A_320 : i32
    %lt3A_322 = arith.constant 0 : i32
    %lt3A_323 = arith.cmpi slt, %select_n3A_316, %lt3A_322 : i32
    %ne3A_324 = arith.xori %lt3A_321, %lt3A_323 : i1
    %and3A_325 = arith.andi %ne3A_324, %ne3A_319 : i1
    %add3A_326 = arith.addi %rem3A_317, %select_n3A_316 : i32
    %select_n3A_327 = arith.select %and3A_325, %add3A_326, %rem3A_317 : i32
    %roll3A_328 = tpu.dynamic_rotate %get3A_309 by %select_n3A_327 dim 0 : vector<408x256xf32>, i32 -> vector<408x256xf32>
    %slice3A_329 = vector.extract_strided_slice %roll3A_328 {offsets = [0, 0], sizes = [400, 256], strides = [1, 1]} : vector<408x256xf32> to vector<400x256xf32>
    %mul3A_330 = vector.broadcast %get3A_276 : f32 to vector<400x256xf32>
    %mul3A_331 = arith.mulf %mul3A_330, %slice3A_329 : vector<400x256xf32>
    %add3A_332 = arith.addf %add3A_274, %mul3A_331 : vector<400x256xf32>
    %get3A_333 = arith.constant 6 : index
    %get3A_334 = memref.load %arg2[%get3A_333] : memref<9xf32, #tpu.memory_space<smem>>
    %get3A_335 = arith.constant 6 : index
    %get3A_336 = memref.load %arg1[%get3A_335] : memref<9xi32, #tpu.memory_space<smem>>
    %add3A_337 = arith.addi %mul3A_0, %get3A_336 : i32
    %jit3A_338 = arith.constant 8 : i32
    %div3A_339 = arith.divsi %add3A_337, %jit3A_338 : i32
    %sign3A_340 = arith.constant 0 : i32
    %sign3A_341 = arith.cmpi sgt, %add3A_337, %sign3A_340 : i32
    %sign3A_342 = arith.extui %sign3A_341 : i1 to i32
    %sign3A_343 = arith.constant 0 : i32
    %sign3A_344 = arith.cmpi slt, %add3A_337, %sign3A_343 : i32
    %sign3A_345 = arith.extui %sign3A_344 : i1 to i32
    %sign3A_346 = arith.subi %sign3A_342, %sign3A_345 : i32
    %sign3A_347 = arith.constant 0 : i32
    %sign3A_348 = arith.cmpi sgt, %jit3A_338, %sign3A_347 : i32
    %sign3A_349 = arith.extui %sign3A_348 : i1 to i32
    %sign3A_350 = arith.constant 0 : i32
    %sign3A_351 = arith.cmpi slt, %jit3A_338, %sign3A_350 : i32
    %sign3A_352 = arith.extui %sign3A_351 : i1 to i32
    %sign3A_353 = arith.subi %sign3A_349, %sign3A_352 : i32
    %ne3A_354 = arith.cmpi ne, %sign3A_346, %sign3A_353 : i32
    %rem3A_355 = arith.remsi %add3A_337, %jit3A_338 : i32
    %ne3A_356 = arith.constant 0 : i32
    %ne3A_357 = arith.cmpi ne, %rem3A_355, %ne3A_356 : i32
    %and3A_358 = arith.andi %ne3A_354, %ne3A_357 : i1
    %sub3A_359 = arith.constant 1 : i32
    %sub3A_360 = arith.subi %div3A_339, %sub3A_359 : i32
    %select_n3A_361 = arith.select %and3A_358, %sub3A_360, %div3A_339 : i32
    %mul3A_362 = arith.constant 8 : i32
    %mul3A_363 = arith.muli %select_n3A_361, %mul3A_362 : i32
    %sub3A_364 = arith.subi %add3A_337, %mul3A_363 : i32
    %get3A_365 = arith.index_cast %mul3A_363 : i32 to index
    %get3A_366 = arith.constant 0 : index
    %get3A_367 = vector.load %arg3[%get3A_365, %get3A_366] : memref<20000x256xf32, #tpu.memory_space<vmem>>, vector<408x256xf32>
    %neg3A_368 = arith.constant 0 : i32
    %neg3A_369 = arith.subi %neg3A_368, %sub3A_364 : i32
    %jit3A_370 = arith.constant 408 : i32
    %eq3A_371 = arith.constant 0 : i32
    %eq3A_372 = arith.cmpi eq, %jit3A_370, %eq3A_371 : i32
    %jit3A_373 = arith.constant 1 : i32
    %select_n3A_374 = arith.select %eq3A_372, %jit3A_373, %jit3A_370 : i32
    %rem3A_375 = arith.remsi %neg3A_369, %select_n3A_374 : i32
    %ne3A_376 = arith.constant 0 : i32
    %ne3A_377 = arith.cmpi ne, %rem3A_375, %ne3A_376 : i32
    %lt3A_378 = arith.constant 0 : i32
    %lt3A_379 = arith.cmpi slt, %rem3A_375, %lt3A_378 : i32
    %lt3A_380 = arith.constant 0 : i32
    %lt3A_381 = arith.cmpi slt, %select_n3A_374, %lt3A_380 : i32
    %ne3A_382 = arith.xori %lt3A_379, %lt3A_381 : i1
    %and3A_383 = arith.andi %ne3A_382, %ne3A_377 : i1
    %add3A_384 = arith.addi %rem3A_375, %select_n3A_374 : i32
    %select_n3A_385 = arith.select %and3A_383, %add3A_384, %rem3A_375 : i32
    %roll3A_386 = tpu.dynamic_rotate %get3A_367 by %select_n3A_385 dim 0 : vector<408x256xf32>, i32 -> vector<408x256xf32>
    %slice3A_387 = vector.extract_strided_slice %roll3A_386 {offsets = [0, 0], sizes = [400, 256], strides = [1, 1]} : vector<408x256xf32> to vector<400x256xf32>
    %mul3A_388 = vector.broadcast %get3A_334 : f32 to vector<400x256xf32>
    %mul3A_389 = arith.mulf %mul3A_388, %slice3A_387 : vector<400x256xf32>
    %add3A_390 = arith.addf %add3A_332, %mul3A_389 : vector<400x256xf32>
    %get3A_391 = arith.constant 7 : index
    %get3A_392 = memref.load %arg2[%get3A_391] : memref<9xf32, #tpu.memory_space<smem>>
    %get3A_393 = arith.constant 7 : index
    %get3A_394 = memref.load %arg1[%get3A_393] : memref<9xi32, #tpu.memory_space<smem>>
    %add3A_395 = arith.addi %mul3A_0, %get3A_394 : i32
    %jit3A_396 = arith.constant 8 : i32
    %div3A_397 = arith.divsi %add3A_395, %jit3A_396 : i32
    %sign3A_398 = arith.constant 0 : i32
    %sign3A_399 = arith.cmpi sgt, %add3A_395, %sign3A_398 : i32
    %sign3A_400 = arith.extui %sign3A_399 : i1 to i32
    %sign3A_401 = arith.constant 0 : i32
    %sign3A_402 = arith.cmpi slt, %add3A_395, %sign3A_401 : i32
    %sign3A_403 = arith.extui %sign3A_402 : i1 to i32
    %sign3A_404 = arith.subi %sign3A_400, %sign3A_403 : i32
    %sign3A_405 = arith.constant 0 : i32
    %sign3A_406 = arith.cmpi sgt, %jit3A_396, %sign3A_405 : i32
    %sign3A_407 = arith.extui %sign3A_406 : i1 to i32
    %sign3A_408 = arith.constant 0 : i32
    %sign3A_409 = arith.cmpi slt, %jit3A_396, %sign3A_408 : i32
    %sign3A_410 = arith.extui %sign3A_409 : i1 to i32
    %sign3A_411 = arith.subi %sign3A_407, %sign3A_410 : i32
    %ne3A_412 = arith.cmpi ne, %sign3A_404, %sign3A_411 : i32
    %rem3A_413 = arith.remsi %add3A_395, %jit3A_396 : i32
    %ne3A_414 = arith.constant 0 : i32
    %ne3A_415 = arith.cmpi ne, %rem3A_413, %ne3A_414 : i32
    %and3A_416 = arith.andi %ne3A_412, %ne3A_415 : i1
    %sub3A_417 = arith.constant 1 : i32
    %sub3A_418 = arith.subi %div3A_397, %sub3A_417 : i32
    %select_n3A_419 = arith.select %and3A_416, %sub3A_418, %div3A_397 : i32
    %mul3A_420 = arith.constant 8 : i32
    %mul3A_421 = arith.muli %select_n3A_419, %mul3A_420 : i32
    %sub3A_422 = arith.subi %add3A_395, %mul3A_421 : i32
    %get3A_423 = arith.index_cast %mul3A_421 : i32 to index
    %get3A_424 = arith.constant 0 : index
    %get3A_425 = vector.load %arg3[%get3A_423, %get3A_424] : memref<20000x256xf32, #tpu.memory_space<vmem>>, vector<408x256xf32>
    %neg3A_426 = arith.constant 0 : i32
    %neg3A_427 = arith.subi %neg3A_426, %sub3A_422 : i32
    %jit3A_428 = arith.constant 408 : i32
    %eq3A_429 = arith.constant 0 : i32
    %eq3A_430 = arith.cmpi eq, %jit3A_428, %eq3A_429 : i32
    %jit3A_431 = arith.constant 1 : i32
    %select_n3A_432 = arith.select %eq3A_430, %jit3A_431, %jit3A_428 : i32
    %rem3A_433 = arith.remsi %neg3A_427, %select_n3A_432 : i32
    %ne3A_434 = arith.constant 0 : i32
    %ne3A_435 = arith.cmpi ne, %rem3A_433, %ne3A_434 : i32
    %lt3A_436 = arith.constant 0 : i32
    %lt3A_437 = arith.cmpi slt, %rem3A_433, %lt3A_436 : i32
    %lt3A_438 = arith.constant 0 : i32
    %lt3A_439 = arith.cmpi slt, %select_n3A_432, %lt3A_438 : i32
    %ne3A_440 = arith.xori %lt3A_437, %lt3A_439 : i1
    %and3A_441 = arith.andi %ne3A_440, %ne3A_435 : i1
    %add3A_442 = arith.addi %rem3A_433, %select_n3A_432 : i32
    %select_n3A_443 = arith.select %and3A_441, %add3A_442, %rem3A_433 : i32
    %roll3A_444 = tpu.dynamic_rotate %get3A_425 by %select_n3A_443 dim 0 : vector<408x256xf32>, i32 -> vector<408x256xf32>
    %slice3A_445 = vector.extract_strided_slice %roll3A_444 {offsets = [0, 0], sizes = [400, 256], strides = [1, 1]} : vector<408x256xf32> to vector<400x256xf32>
    %mul3A_446 = vector.broadcast %get3A_392 : f32 to vector<400x256xf32>
    %mul3A_447 = arith.mulf %mul3A_446, %slice3A_445 : vector<400x256xf32>
    %add3A_448 = arith.addf %add3A_390, %mul3A_447 : vector<400x256xf32>
    %get3A_449 = arith.constant 8 : index
    %get3A_450 = memref.load %arg2[%get3A_449] : memref<9xf32, #tpu.memory_space<smem>>
    %get3A_451 = arith.constant 8 : index
    %get3A_452 = memref.load %arg1[%get3A_451] : memref<9xi32, #tpu.memory_space<smem>>
    %add3A_453 = arith.addi %mul3A_0, %get3A_452 : i32
    %jit3A_454 = arith.constant 8 : i32
    %div3A_455 = arith.divsi %add3A_453, %jit3A_454 : i32
    %sign3A_456 = arith.constant 0 : i32
    %sign3A_457 = arith.cmpi sgt, %add3A_453, %sign3A_456 : i32
    %sign3A_458 = arith.extui %sign3A_457 : i1 to i32
    %sign3A_459 = arith.constant 0 : i32
    %sign3A_460 = arith.cmpi slt, %add3A_453, %sign3A_459 : i32
    %sign3A_461 = arith.extui %sign3A_460 : i1 to i32
    %sign3A_462 = arith.subi %sign3A_458, %sign3A_461 : i32
    %sign3A_463 = arith.constant 0 : i32
    %sign3A_464 = arith.cmpi sgt, %jit3A_454, %sign3A_463 : i32
    %sign3A_465 = arith.extui %sign3A_464 : i1 to i32
    %sign3A_466 = arith.constant 0 : i32
    %sign3A_467 = arith.cmpi slt, %jit3A_454, %sign3A_466 : i32
    %sign3A_468 = arith.extui %sign3A_467 : i1 to i32
    %sign3A_469 = arith.subi %sign3A_465, %sign3A_468 : i32
    %ne3A_470 = arith.cmpi ne, %sign3A_462, %sign3A_469 : i32
    %rem3A_471 = arith.remsi %add3A_453, %jit3A_454 : i32
    %ne3A_472 = arith.constant 0 : i32
    %ne3A_473 = arith.cmpi ne, %rem3A_471, %ne3A_472 : i32
    %and3A_474 = arith.andi %ne3A_470, %ne3A_473 : i1
    %sub3A_475 = arith.constant 1 : i32
    %sub3A_476 = arith.subi %div3A_455, %sub3A_475 : i32
    %select_n3A_477 = arith.select %and3A_474, %sub3A_476, %div3A_455 : i32
    %mul3A_478 = arith.constant 8 : i32
    %mul3A_479 = arith.muli %select_n3A_477, %mul3A_478 : i32
    %sub3A_480 = arith.subi %add3A_453, %mul3A_479 : i32
    %get3A_481 = arith.index_cast %mul3A_479 : i32 to index
    %get3A_482 = arith.constant 0 : index
    %get3A_483 = vector.load %arg3[%get3A_481, %get3A_482] : memref<20000x256xf32, #tpu.memory_space<vmem>>, vector<408x256xf32>
    %neg3A_484 = arith.constant 0 : i32
    %neg3A_485 = arith.subi %neg3A_484, %sub3A_480 : i32
    %jit3A_486 = arith.constant 408 : i32
    %eq3A_487 = arith.constant 0 : i32
    %eq3A_488 = arith.cmpi eq, %jit3A_486, %eq3A_487 : i32
    %jit3A_489 = arith.constant 1 : i32
    %select_n3A_490 = arith.select %eq3A_488, %jit3A_489, %jit3A_486 : i32
    %rem3A_491 = arith.remsi %neg3A_485, %select_n3A_490 : i32
    %ne3A_492 = arith.constant 0 : i32
    %ne3A_493 = arith.cmpi ne, %rem3A_491, %ne3A_492 : i32
    %lt3A_494 = arith.constant 0 : i32
    %lt3A_495 = arith.cmpi slt, %rem3A_491, %lt3A_494 : i32
    %lt3A_496 = arith.constant 0 : i32
    %lt3A_497 = arith.cmpi slt, %select_n3A_490, %lt3A_496 : i32
    %ne3A_498 = arith.xori %lt3A_495, %lt3A_497 : i1
    %and3A_499 = arith.andi %ne3A_498, %ne3A_493 : i1
    %add3A_500 = arith.addi %rem3A_491, %select_n3A_490 : i32
    %select_n3A_501 = arith.select %and3A_499, %add3A_500, %rem3A_491 : i32
    %roll3A_502 = tpu.dynamic_rotate %get3A_483 by %select_n3A_501 dim 0 : vector<408x256xf32>, i32 -> vector<408x256xf32>
    %slice3A_503 = vector.extract_strided_slice %roll3A_502 {offsets = [0, 0], sizes = [400, 256], strides = [1, 1]} : vector<408x256xf32> to vector<400x256xf32>
    %mul3A_504 = vector.broadcast %get3A_450 : f32 to vector<400x256xf32>
    %mul3A_505 = arith.mulf %mul3A_504, %slice3A_503 : vector<400x256xf32>
    %add3A_506 = arith.addf %add3A_448, %mul3A_505 : vector<400x256xf32>
    %get3A_507 = arith.constant 0 : index
    %get3A_508 = arith.constant 0 : index
    %get3A_509 = vector.load %arg5[%get3A_507, %get3A_508] : memref<256x256xf32, #tpu.memory_space<vmem>>, vector<256x256xf32>
    %dot_general3A = arith.constant dense<0.000000e+00> : vector<400x256xf32>
    %dot_general3A_510 = tpu.matmul %add3A_506, %get3A_509, %dot_general3A {dimension_numbers = #tpu.dot_dimension_numbers<[1], [0], [0], [1], [0, 0, 1, 1], [], []>, precision = #tpu.contract_precision<fp32>, transpose_lhs_hint = false} : vector<400x256xf32>, vector<256x256xf32>, vector<400x256xf32> -> vector<400x256xf32>
    %get3A_511 = arith.constant 0 : index
    %get3A_512 = arith.constant 0 : index
    %get3A_513 = vector.load %arg6[%get3A_511, %get3A_512] : memref<1x256xf32, #tpu.memory_space<vmem>>, vector<1x256xf32>
    %add3A_514 = vector.broadcast %get3A_513 : vector<1x256xf32> to vector<400x256xf32>
    %add3A_515 = arith.addf %dot_general3A_510, %add3A_514 : vector<400x256xf32>
    %get3A_516 = arith.constant 0 : index
    %get3A_517 = arith.constant 0 : index
    %get3A_518 = vector.load %arg4[%get3A_516, %get3A_517] : memref<400x1xf32, #tpu.memory_space<vmem>>, vector<400x1xf32>
    %mul3A_519 = vector.broadcast %get3A_518 : vector<400x1xf32> to vector<400x256xf32>
    %mul3A_520 = arith.mulf %add3A_515, %mul3A_519 : vector<400x256xf32>
    %swap3A = arith.constant 0 : index
    %swap3A_521 = arith.constant 0 : index
    %swap3A_522 = vector.load %arg7[%swap3A, %swap3A_521] : memref<400x256xf32, #tpu.memory_space<vmem>>, vector<400x256xf32>
    tpu.vector_store %arg7[%swap3A, %swap3A_521], %mul3A_520 {strides = array<i32>} : memref<400x256xf32, #tpu.memory_space<vmem>>, vector<400x256xf32>,
    return
  }
  func.func @transform_0(%arg0: i32, %arg1: memref<9xi32, #tpu.memory_space<smem>>, %arg2: memref<9xf32, #tpu.memory_space<smem>>) -> (i32, i32) {
    %c0_i32 = arith.constant 0 : i32
    %c0_i32_0 = arith.constant 0 : i32
    %c0_i32_1 = arith.constant 0 : i32
    return %c0_i32, %c0_i32_0 : i32, i32
  }
  func.func @transform_1(%arg0: i32, %arg1: memref<9xi32, #tpu.memory_space<smem>>, %arg2: memref<9xf32, #tpu.memory_space<smem>>) -> (i32, i32) {
    %c0_i32 = arith.constant 0 : i32
    %c0_i32_0 = arith.constant 0 : i32
    return %arg0, %c0_i32 : i32, i32
  }
  func.func @transform_2(%arg0: i32, %arg1: memref<9xi32, #tpu.memory_space<smem>>, %arg2: memref<9xf32, #tpu.memory_space<smem>>) -> (i32, i32) {
    %c0_i32 = arith.constant 0 : i32
    %c0_i32_0 = arith.constant 0 : i32
    %c0_i32_1 = arith.constant 0 : i32
    return %c0_i32, %c0_i32_0 : i32, i32
  }
  func.func @transform_3(%arg0: i32, %arg1: memref<9xi32, #tpu.memory_space<smem>>, %arg2: memref<9xf32, #tpu.memory_space<smem>>) -> (i32, i32) {
    %c0_i32 = arith.constant 0 : i32
    %c0_i32_0 = arith.constant 0 : i32
    %c0_i32_1 = arith.constant 0 : i32
    return %c0_i32, %c0_i32_0 : i32, i32
  }
  func.func @transform_4(%arg0: i32, %arg1: memref<9xi32, #tpu.memory_space<smem>>, %arg2: memref<9xf32, #tpu.memory_space<smem>>) -> (i32, i32) {
    %c0_i32 = arith.constant 0 : i32
    %c0_i32_0 = arith.constant 0 : i32
    return %arg0, %c0_i32 : i32, i32
  }
}

module attributes {stable_mosaic.version = 14 : i64} {
  func.func @_stageb_body(%arg0: i32, %arg1: memref<2000x256xf32, #tpu.memory_space<vmem>>, %arg2: memref<2000x1xf32, #tpu.memory_space<vmem>>, %arg3: memref<256x256xf32, #tpu.memory_space<vmem>>, %arg4: memref<1x256xf32, #tpu.memory_space<vmem>>, %arg5: memref<256x256xf32, #tpu.memory_space<vmem>>, %arg6: memref<2000x256xf32, #tpu.memory_space<vmem>>) attributes {dimension_semantics = [#tpu.dimension_semantics<arbitrary>], iteration_bounds = array<i64: 5>, scalar_prefetch = 0 : i64, scratch_operands = 0 : i64, tpu.core_type = #tpu.core_type<tc>, window_params = [{transform_indices = @transform_0, window_bounds = array<i64: 2000, 256>}, {transform_indices = @transform_1, window_bounds = array<i64: 2000, 1>}, {pipeline_mode = #tpu.pipeline_mode<synchronous>, transform_indices = @transform_2, window_bounds = array<i64: 256, 256>}, {pipeline_mode = #tpu.pipeline_mode<synchronous>, transform_indices = @transform_3, window_bounds = array<i64: 1, 256>}, {pipeline_mode = #tpu.pipeline_mode<synchronous>, transform_indices = @transform_4, window_bounds = array<i64: 256, 256>}, {transform_indices = @transform_5, window_bounds = array<i64: 2000, 256>}]} {
    %get3A = arith.constant 0 : index
    %get3A_0 = arith.constant 0 : index
    %get3A_1 = vector.load %arg1[%get3A, %get3A_0] : memref<2000x256xf32, #tpu.memory_space<vmem>>, vector<2000x256xf32>
    %get3A_2 = arith.constant 0 : index
    %get3A_3 = arith.constant 0 : index
    %get3A_4 = vector.load %arg2[%get3A_2, %get3A_3] : memref<2000x1xf32, #tpu.memory_space<vmem>>, vector<2000x1xf32>
    %mul3A = vector.broadcast %get3A_4 : vector<2000x1xf32> to vector<2000x256xf32>
    %mul3A_5 = arith.mulf %get3A_1, %mul3A : vector<2000x256xf32>
    %get3A_6 = arith.constant 0 : index
    %get3A_7 = arith.constant 0 : index
    %get3A_8 = vector.load %arg3[%get3A_6, %get3A_7] : memref<256x256xf32, #tpu.memory_space<vmem>>, vector<256x256xf32>
    %dot_general3A = arith.constant dense<0.000000e+00> : vector<2000x256xf32>
    %dot_general3A_9 = tpu.matmul %mul3A_5, %get3A_8, %dot_general3A {dimension_numbers = #tpu.dot_dimension_numbers<[1], [0], [0], [1], [0, 0, 1, 1], [], []>, precision = #tpu.contract_precision<fp32>, transpose_lhs_hint = false} : vector<2000x256xf32>, vector<256x256xf32>, vector<2000x256xf32> -> vector<2000x256xf32>
    %get3A_10 = arith.constant 0 : index
    %get3A_11 = arith.constant 0 : index
    %get3A_12 = vector.load %arg4[%get3A_10, %get3A_11] : memref<1x256xf32, #tpu.memory_space<vmem>>, vector<1x256xf32>
    %add3A = vector.broadcast %get3A_12 : vector<1x256xf32> to vector<2000x256xf32>
    %add3A_13 = arith.addf %dot_general3A_9, %add3A : vector<2000x256xf32>
    %max3A = arith.constant 0.000000e+00 : f32
    %max3A_14 = vector.broadcast %max3A : f32 to vector<2000x256xf32>
    %max3A_15 = arith.maximumf %add3A_13, %max3A_14 : vector<2000x256xf32>
    %get3A_16 = arith.constant 0 : index
    %get3A_17 = arith.constant 0 : index
    %get3A_18 = vector.load %arg5[%get3A_16, %get3A_17] : memref<256x256xf32, #tpu.memory_space<vmem>>, vector<256x256xf32>
    %dot_general3A_19 = arith.constant dense<0.000000e+00> : vector<2000x256xf32>
    %dot_general3A_20 = tpu.matmul %max3A_15, %get3A_18, %dot_general3A_19 {dimension_numbers = #tpu.dot_dimension_numbers<[1], [0], [0], [1], [0, 0, 1, 1], [], []>, precision = #tpu.contract_precision<fp32>, transpose_lhs_hint = false} : vector<2000x256xf32>, vector<256x256xf32>, vector<2000x256xf32> -> vector<2000x256xf32>
    %swap3A = arith.constant 0 : index
    %swap3A_21 = arith.constant 0 : index
    %swap3A_22 = vector.load %arg6[%swap3A, %swap3A_21] : memref<2000x256xf32, #tpu.memory_space<vmem>>, vector<2000x256xf32>
    tpu.vector_store %arg6[%swap3A, %swap3A_21], %dot_general3A_20 {strides = array<i32>} : memref<2000x256xf32, #tpu.memory_space<vmem>>, vector<2000x256xf32>,
    return
  }
  func.func @transform_0(%arg0: i32) -> (i32, i32) {
    %c0_i32 = arith.constant 0 : i32
    %c0_i32_0 = arith.constant 0 : i32
    return %arg0, %c0_i32 : i32, i32
  }
  func.func @transform_1(%arg0: i32) -> (i32, i32) {
    %c0_i32 = arith.constant 0 : i32
    %c0_i32_0 = arith.constant 0 : i32
    return %arg0, %c0_i32 : i32, i32
  }
  func.func @transform_2(%arg0: i32) -> (i32, i32) {
    %c0_i32 = arith.constant 0 : i32
    %c0_i32_0 = arith.constant 0 : i32
    %c0_i32_1 = arith.constant 0 : i32
    return %c0_i32, %c0_i32_0 : i32, i32
  }
  func.func @transform_3(%arg0: i32) -> (i32, i32) {
    %c0_i32 = arith.constant 0 : i32
    %c0_i32_0 = arith.constant 0 : i32
    %c0_i32_1 = arith.constant 0 : i32
    return %c0_i32, %c0_i32_0 : i32, i32
  }
  func.func @transform_4(%arg0: i32) -> (i32, i32) {
    %c0_i32 = arith.constant 0 : i32
    %c0_i32_0 = arith.constant 0 : i32
    %c0_i32_1 = arith.constant 0 : i32
    return %c0_i32, %c0_i32_0 : i32, i32
  }
  func.func @transform_5(%arg0: i32) -> (i32, i32) {
    %c0_i32 = arith.constant 0 : i32
    %c0_i32_0 = arith.constant 0 : i32
    return %arg0, %c0_i32 : i32, i32
  }
}

module attributes {stable_mosaic.version = 14 : i64} {
  func.func @_ermax_body(%arg0: i32, %arg1: memref<2x2000x128xf32, #tpu.memory_space<vmem>>, %arg2: memref<2x2000x128xf32, #tpu.memory_space<vmem>>, %arg3: memref<1x2000x1xf32, #tpu.memory_space<vmem>>, %arg4: memref<2x128xf32, #tpu.memory_space<vmem>>, %arg5: memref<1x1xf32, #tpu.memory_space<vmem>>, %arg6: memref<2x128xf32, #tpu.memory_space<vmem>>) attributes {dimension_semantics = [#tpu.dimension_semantics<arbitrary>], iteration_bounds = array<i64: 80>, scalar_prefetch = 0 : i64, scratch_operands = 0 : i64, tpu.core_type = #tpu.core_type<tc>, window_params = [{transform_indices = @transform_0, window_bounds = array<i64: 2, 2000, 128>}, {transform_indices = @transform_1, window_bounds = array<i64: 2, 2000, 128>}, {transform_indices = @transform_2, window_bounds = array<i64: 1, 2000, 1>}, {pipeline_mode = #tpu.pipeline_mode<synchronous>, transform_indices = @transform_3, window_bounds = array<i64: 2, 128>}, {pipeline_mode = #tpu.pipeline_mode<synchronous>, transform_indices = @transform_4, window_bounds = array<i64: 1, 1>}, {pipeline_mode = #tpu.pipeline_mode<synchronous>, transform_indices = @transform_5, window_bounds = array<i64: 2, 128>}]} {
    %eq3A = arith.constant 0 : i32
    %eq3A_0 = arith.cmpi eq, %arg0, %eq3A : i32
    %convert_element_type3A = arith.extui %eq3A_0 : i1 to i32
    %cond3A = arith.constant 0 : i32
    %cond3A_1 = arith.cmpi ne, %convert_element_type3A, %cond3A : i32
    scf.if %cond3A_1 {
      %broadcast_in_dim3A_28 = arith.constant 0xFF800000 : f32
      %broadcast_in_dim3A_29 = vector.broadcast %broadcast_in_dim3A_28 : f32 to vector<2x128xf32>
      %swap3A = arith.constant 0 : index
      %swap3A_30 = arith.constant 0 : index
      %swap3A_31 = vector.load %arg6[%swap3A, %swap3A_30] : memref<2x128xf32, #tpu.memory_space<vmem>>, vector<2x128xf32>
      tpu.vector_store %arg6[%swap3A, %swap3A_30], %broadcast_in_dim3A_29 {strides = array<i32>} : memref<2x128xf32, #tpu.memory_space<vmem>>, vector<2x128xf32>,
    } else {
    }
    %get3A = arith.constant 0 : index
    %get3A_2 = arith.constant 0 : index
    %get3A_3 = arith.constant 0 : index
    %get3A_4 = vector.load %arg3[%get3A, %get3A_2, %get3A_3] : memref<1x2000x1xf32, #tpu.memory_space<vmem>>, vector<1x2000x1xf32>
    %get3A_5 = vector.shape_cast %get3A_4 : vector<1x2000x1xf32> to vector<2000x1xf32>
    %get3A_6 = arith.constant 0 : index
    %get3A_7 = arith.constant 0 : index
    %get3A_8 = arith.constant 0 : index
    %get3A_9 = vector.load %arg1[%get3A_6, %get3A_7, %get3A_8] : memref<2x2000x128xf32, #tpu.memory_space<vmem>>, vector<2x2000x128xf32>
    %get3A_10 = arith.constant 0 : index
    %get3A_11 = arith.constant 0 : index
    %get3A_12 = arith.constant 0 : index
    %get3A_13 = vector.load %arg2[%get3A_10, %get3A_11, %get3A_12] : memref<2x2000x128xf32, #tpu.memory_space<vmem>>, vector<2x2000x128xf32>
    %add3A = arith.addf %get3A_9, %get3A_13 : vector<2x2000x128xf32>
    %broadcast_in_dim3A = vector.shape_cast %get3A_5 : vector<2000x1xf32> to vector<1x2000x1xf32>
    %mul3A = vector.broadcast %broadcast_in_dim3A : vector<1x2000x1xf32> to vector<2x2000x128xf32>
    %mul3A_14 = arith.mulf %mul3A, %add3A : vector<2x2000x128xf32>
    %get3A_15 = arith.constant 0 : index
    %get3A_16 = arith.constant 0 : index
    %get3A_17 = vector.load %arg6[%get3A_15, %get3A_16] : memref<2x128xf32, #tpu.memory_space<vmem>>, vector<2x128xf32>
    %reduce_max3A = arith.constant dense<0xFF800000> : vector<2x128xf32>
    %reduce_max3A_18 = vector.multi_reduction <maximumf>, %mul3A_14, %reduce_max3A [1] : vector<2x2000x128xf32> to vector<2x128xf32>
    %max3A = arith.maximumf %get3A_17, %reduce_max3A_18 : vector<2x128xf32>
    %lt3A = arith.constant 79 : i32
    %lt3A_19 = arith.cmpi slt, %arg0, %lt3A : i32
    %convert_element_type3A_20 = arith.extui %lt3A_19 : i1 to i32
    %cond3A_21 = arith.constant 0 : i32
    %cond3A_22 = arith.cmpi ne, %convert_element_type3A_20, %cond3A_21 : i32
    scf.if %cond3A_22 {
      %swap3A = arith.constant 0 : index
      %swap3A_28 = arith.constant 0 : index
      %swap3A_29 = vector.load %arg6[%swap3A, %swap3A_28] : memref<2x128xf32, #tpu.memory_space<vmem>>, vector<2x128xf32>
      tpu.vector_store %arg6[%swap3A, %swap3A_28], %max3A {strides = array<i32>} : memref<2x128xf32, #tpu.memory_space<vmem>>, vector<2x128xf32>,
    } else {
    }
    %eq3A_23 = arith.constant 79 : i32
    %eq3A_24 = arith.cmpi eq, %arg0, %eq3A_23 : i32
    %convert_element_type3A_25 = arith.extui %eq3A_24 : i1 to i32
    %cond3A_26 = arith.constant 0 : i32
    %cond3A_27 = arith.cmpi ne, %convert_element_type3A_25, %cond3A_26 : i32
    scf.if %cond3A_27 {
      %get3A_28 = arith.constant 0 : index
      %get3A_29 = arith.constant 0 : index
      %get3A_30 = vector.load %arg4[%get3A_28, %get3A_29] : memref<2x128xf32, #tpu.memory_space<vmem>>, vector<2x128xf32>
      %add3A_31 = arith.addf %max3A, %get3A_30 : vector<2x128xf32>
      %get3A_32 = arith.constant 0 : index
      %get3A_33 = arith.constant 0 : index
      %get3A_34 = vector.load %arg5[%get3A_32, %get3A_33] : memref<1x1xf32, #tpu.memory_space<vmem>>, vector<1x1xf32>
      %get3A_35 = vector.extract %get3A_34[0, 0] : f32 from vector<1x1xf32>
      %gt3A = arith.constant 5.000000e-01 : f32
      %gt3A_36 = arith.cmpf ogt, %get3A_35, %gt3A : f32
      %max3A_37 = arith.constant 0.000000e+00 : f32
      %max3A_38 = vector.broadcast %max3A_37 : f32 to vector<2x128xf32>
      %max3A_39 = arith.maximumf %add3A_31, %max3A_38 : vector<2x128xf32>
      %select_n3A = arith.select %gt3A_36, %max3A_39, %add3A_31 : vector<2x128xf32>
      %swap3A = arith.constant 0 : index
      %swap3A_40 = arith.constant 0 : index
      %swap3A_41 = vector.load %arg6[%swap3A, %swap3A_40] : memref<2x128xf32, #tpu.memory_space<vmem>>, vector<2x128xf32>
      tpu.vector_store %arg6[%swap3A, %swap3A_40], %select_n3A {strides = array<i32>} : memref<2x128xf32, #tpu.memory_space<vmem>>, vector<2x128xf32>,
    } else {
    }
    return
  }
  func.func @transform_0(%arg0: i32) -> (i32, i32, i32) {
    %c0_i32 = arith.constant 0 : i32
    %c0_i32_0 = arith.constant 0 : i32
    %c0_i32_1 = arith.constant 0 : i32
    return %c0_i32, %arg0, %c0_i32_0 : i32, i32, i32
  }
  func.func @transform_1(%arg0: i32) -> (i32, i32, i32) {
    %c0_i32 = arith.constant 0 : i32
    %c0_i32_0 = arith.constant 0 : i32
    %c0_i32_1 = arith.constant 0 : i32
    return %c0_i32, %arg0, %c0_i32_0 : i32, i32, i32
  }
  func.func @transform_2(%arg0: i32) -> (i32, i32, i32) {
    %c0_i32 = arith.constant 0 : i32
    %c0_i32_0 = arith.constant 0 : i32
    %c0_i32_1 = arith.constant 0 : i32
    return %arg0, %c0_i32, %c0_i32_0 : i32, i32, i32
  }
  func.func @transform_3(%arg0: i32) -> (i32, i32) {
    %c0_i32 = arith.constant 0 : i32
    %c0_i32_0 = arith.constant 0 : i32
    %c0_i32_1 = arith.constant 0 : i32
    return %c0_i32, %c0_i32_0 : i32, i32
  }
  func.func @transform_4(%arg0: i32) -> (i32, i32) {
    %c0_i32 = arith.constant 0 : i32
    %c0_i32_0 = arith.constant 0 : i32
    %c0_i32_1 = arith.constant 0 : i32
    return %c0_i32, %c0_i32_0 : i32, i32
  }
  func.func @transform_5(%arg0: i32) -> (i32, i32) {
    %c0_i32 = arith.constant 0 : i32
    %c0_i32_0 = arith.constant 0 : i32
    %c0_i32_1 = arith.constant 0 : i32
    return %c0_i32, %c0_i32_0 : i32, i32
  }
}

</mosaic_0001>

<sc_bundles>
// kernel: kernel.12.cloned.1.call-start
scs
__scs_entry_jumppad:
0x0: {  	(pc) =	sbr.rel $0x88, $3  }
0x1: {  	(tag) =	ssettag $0x0;
	lr =	simm.s32 $0x1  }
0x2: {  	[smem:$0x3F90] =	sst lr;
	_ =	strace $0xD0000000  }
0x3: {  	_ = 	snop  }
0x4: {  	_ = 	snop  }
0x5: {  	_ = 	snop  }
0x6: {  	_ = 	snop  }
0x7: {  	_ = 	snop  }
__scs_overlays_trampoline_lowered:
0x8: {  	[smem:$0x3F9F] =	sst s0  }
0x9: {  	[smem:$0x3FA0] =	sst s1  }
0xa: {  	[smem:$0x3FA1] =	sst s2  }
0xb: {  	[smem:$0x3FA2] =	sst s3  }
0xc: {  	[smem:$0x3FA3] =	sst s4  }
0xd: {  	[smem:$0x3FA4] =	sst s5  }
0xe: {  	[smem:$0x3FA5] =	sst s6  }
0xf: {  	[smem:$0x3FA6] =	sst s7  }
0x10: {  	[smem:$0x3FA7] =	sst s8  }
0x11: {  	[smem:$0x3FA8] =	sst s9;
	s0 =	simm.s32 @!p0 $0x0  }
0x12: {  	s1 =	sld [smem:$0x3F8E];
	s0 =	simm.s32 @p0 $0x1  }
0x13: {  	[smem:$0x3FA9] =	sst s0;
	s0 =	simm.s32 @!p1 $0x0  }
0x14: {  	s2 =	sld [smem:$0x3F8D];
	s0 =	simm.s32 @p1 $0x1  }
0x15: {  	[smem:$0x3FAA] =	sst s0;
	s0 =	simm.s32 @!p2 $0x0  }
0x16: {  	s3 =	sld [smem:$0x3FDB];
	s0 =	simm.s32 @p2 $0x1  }
0x17: {  	s4 =	simm.s32 $0x1BF5;
	[smem:$0x3FAC] =	sst s0  }
0x18: {  	s0 =	sld [smem:$0x3F8F];
	_ =	swait.ge [sflag:s4], $0x0  }
0x19: {  	s7 =	sld [smem:$0x3F90]  }
0x1a: {  	s8 =	sadd.s32 $0xFFFFE003, lr  }
0x1b: {  	s9 =	sadd.s32 $0xFFFFFEF7, lr;
	s5 =	simm.s32 $0xFFFFFFFF;
	p2 =	slt.u32 s8, $0xFFFFF086  }
0x1c: {  	p1 =	slt.u32 s9, $0xF7A;
	s5 =	simm.s32 @!p2 $0x0  }
0x1d: {  	s5 =	simm.s32 @p1 $0x1;
	p0 =	seq.s32 s7, s2  }
0x1e: {  	s7 =	smul.u32 @!p0 $0xF7A, s2;
	p2 =	seq.s32 @!p0 s5, $0x0  }
0x1f: {  	s9 =	smul.u32 $0xF7A, s1;
	s8 =	simm.s32 @!p0 $0x1BF5;
	p2 =	por !p2, p0  }
0x20: {  	[sflag:s8] =	ssyncset.s32 @!p0 $0xFFFFF086;
	s6 =	sadd.s32 @!p0 s3, s7;
	s7 =	simm.s32 @!p0 $0x108  }
0x21: {  	s3 =	sadd.s32 s3, s9;
	s6 =	sadd.s32 @!p0 $0x88, s6;
	s7 =	simm.s32 @p2 $0x1082  }
0x22: {  	[simem:s7], [sflag:s8] =	dma.local @!p0 [hbm:s6], $0xF7A  }
0x23: {  	s9 =	sor.u32 $0xD0000000, s2;
	s6 =	simm.s32 $0x108;
	_ =	swait.ge @!p0 [sflag:s8], $0x0  }
0x24: {  	s3 =	sadd.s32 $0x88, s3;
	s6 =	simm.s32 @!p1 $0x1082;
	[sflag:s4] =	ssyncset.s32 $0xFFFFF086  }
0x25: {  	[simem:s6], [sflag:s4] =	dma.local [hbm:s3], $0xF7A  }
0x26: {  	[smem:$0x3F90] =	sst s1;
	(tag) =	ssettag s2;
	_ =	strace s9  }
0x27: {  	s1 =	sld [smem:$0x3FA0]  }
0x28: {  	s2 =	sld [smem:$0x3FA1]  }
0x29: {  	s4 =	sld [smem:$0x3FA3]  }
0x2a: {  	p0 =	seq.s32 s5, $0x0;
	s5 =	sld [smem:$0x3FA4]  }
0x2b: {  	s6 =	sld [smem:$0x3FA5]  }
0x2c: {  	s7 =	sld [smem:$0x3FA6]  }
0x2d: {  	s3 =	simm.s32 $0x108;
	s8 =	sld [smem:$0x3FA7]  }
0x2e: {  	s3 =	simm.s32 @!p0 $0x1082;
	s9 =	sld [smem:$0x3FA8]  }
0x2f: {  	lr =	sadd.s32 s0, s3;
	s0 =	sld [smem:$0x3F9F]  }
0x30: {  	s3 =	sld [smem:$0x3FA2]  }
0x31: {  	[smem:$0x3FAB] =	sst s10  }
0x32: {  	s10 =	sld [smem:$0x3FA9];
	_ =	sdelay $0x3  }
0x33: {  	p0 =	seq.s32 s10, $0x1;
	s10 =	sld [smem:$0x3FAB];
	_ =	sdelay $0x3  }
0x34: {  	[smem:$0x3FAB] =	sst s10  }
0x35: {  	s10 =	sld [smem:$0x3FAA];
	_ =	sdelay $0x3  }
0x36: {  	p1 =	seq.s32 s10, $0x1;
	s10 =	sld [smem:$0x3FAB];
	_ =	sdelay $0x3  }
0x37: {  	[smem:$0x3FAB] =	sst s10  }
0x38: {  	s10 =	sld [smem:$0x3FAC]  }
0x39: {  	_ = 	snop;
	(pc) =	sbr.ind lr, $3  }
0x3a: {  	_ = 	snop  }
0x3b: {  	_ = 	snop  }
0x3c: {  	p2 =	seq.s32 s10, $0x1;
	s10 =	sld [smem:$0x3FAB]  }
0x3d: {  	_ =	shalt  }
0x3e: {  	_ =	shalt  }
0x3f: {  	_ =	shalt  }
0x40: {  	_ =	shalt  }
0x41: {  	_ =	shalt  }
0x42: {  	_ =	shalt  }
0x43: {  	_ =	shalt  }
0x44: {  	_ =	shalt  }
0x45: {  	_ =	shalt  }
0x46: {  	_ =	shalt  }
0x47: {  	_ =	shalt  }
0x48: {  	_ =	shalt  }
0x49: {  	_ =	shalt  }
0x4a: {  	_ =	shalt  }
0x4b: {  	_ =	shalt  }
0x4c: {  	_ =	shalt  }
0x4d: {  	_ =	shalt  }
0x4e: {  	_ =	shalt  }
0x4f: {  	_ =	shalt  }
0x50: {  	_ =	shalt  }
0x51: {  	_ =	shalt  }
0x52: {  	_ =	shalt  }
0x53: {  	_ =	shalt  }
0x54: {  	_ =	shalt  }
0x55: {  	_ =	shalt  }
0x56: {  	_ =	shalt  }
0x57: {  	_ =	shalt  }
0x58: {  	_ =	shalt  }
0x59: {  	_ =	shalt  }
0x5a: {  	_ =	shalt  }
0x5b: {  	_ =	shalt  }
0x5c: {  	_ =	shalt  }
0x5d: {  	_ =	shalt  }
0x5e: {  	_ =	shalt  }
0x5f: {  	_ =	shalt  }
0x60: {  	_ =	shalt  }
0x61: {  	_ =	shalt  }
0x62: {  	_ =	shalt  }
0x63: {  	_ =	shalt  }
0x64: {  	_ =	shalt  }
0x65: {  	_ =	shalt  }
0x66: {  	_ =	shalt  }
0x67: {  	_ =	shalt  }
0x68: {  	_ =	shalt  }
0x69: {  	_ =	shalt  }
0x6a: {  	_ =	shalt  }
0x6b: {  	_ =	shalt  }
0x6c: {  	_ =	shalt  }
0x6d: {  	_ =	shalt  }
0x6e: {  	_ =	shalt  }
0x6f: {  	_ =	shalt  }
0x70: {  	_ =	shalt  }
0x71: {  	_ =	shalt  }
0x72: {  	_ =	shalt  }
0x73: {  	_ =	shalt  }
0x74: {  	_ =	shalt  }
0x75: {  	_ =	shalt  }
0x76: {  	_ =	shalt  }
0x77: {  	_ =	shalt  }
0x78: {  	_ =	shalt  }
0x79: {  	_ =	shalt  }
0x7a: {  	_ =	shalt  }
0x7b: {  	_ =	shalt  }
0x7c: {  	_ =	shalt  }
0x7d: {  	_ =	shalt  }
0x7e: {  	_ =	shalt  }
0x7f: {  	_ =	shalt  }
0x80: {  	_ =	shalt  }
0x81: {  	_ =	shalt  }
0x82: {  	_ =	shalt  }
0x83: {  	_ =	shalt  }
0x84: {  	_ =	shalt  }
0x85: {  	_ =	shalt  }
0x86: {  	_ =	shalt  }
0x87: {  	_ =	shalt  }
.Lfunc_end0:
.L_simem_size_0:
called_computation_lowered:
.L_overlay_start_0:
0x88: {  	s2 =	sld [smem:$0x3FD9]  }
0x89: {  	s3 =	sld [smem:$0x3FFE];
	_ =	sdelay $0x1  }
0x8a: {  	s1 =	srdreg.scid  }
0x8b: {  	s0 =	sand.u32 $0x1, s1  }
0x8c: {  	s16 =	sshll.u32 s0, $0xA;
	s2 =	sadd.s32 s3, s2  }
0x8d: {  	s2 =	sadd.s32 s2, s16  }
0x8e: {  	[smem:$0x3FB7] =	sst s2  }
0x8f: {  	_ = 	snop  }
0x90: {  	(tm) =	ssettm $0x1  }
0x91: {  	s17 =	sld [smem:$0x3FFB];
	_ =	sdelay $0x3  }
0x92: {  	_ =	strace s17  }
0x93: {  	s2 =	sld [smem:$0x3FFC];
	_ =	sdelay $0x3  }
0x94: {  	_ =	strace s2  }
0x95: {  	s2 =	sld [smem:$0x3FFD];
	_ =	sdelay $0x3  }
0x96: {  	_ =	strace s2  }
0x97: {  	_ =	strace $0x8FFFFFFF  }
0x98: {  	s18 =	sld [smem:$0x3FDB];
	_ =	sdelay $0x1  }
0x99: {  	s19 =	simm.s32 $_scs_section_size  }
0x9a: {  	s4 =	simm.s32 $_size__tile_overlayer_lowered;
	s5 =	simm.s32 $_tile_overlayer_lowered  }
0x9b: {  	s22 =	simm.s32 $0x1BFF;
	s21 =	sshll.u32 s5, $0x1;
	s2 =	sadd.s32 s19, s18  }
0x9c: {  	s6 =	simm.s32 $0x0;
	s20 =	sshll.u32 s4, $0x1;
	s4 =	sadd.s32 s21, s2  }
0x9d: {  	[timem:s6], [sflag:s22] =	dma.local [hbm:s4], s20  }
0x9e: {  	_ =	swait.ge [sflag:s22], s20  }
0x9f: {  	s3 =	ssub.s32 $0x0, s20;
	[sflag:s22] =	ssyncset.done $0x0  }
0xa0: {  	[sflag:s22] =	ssyncadd.s32 s3;
	_ =	sdelay $0x1  }
0xa1: {  	s23 =	simm.s32 $0x1B8B  }
0xa2: {  	_ =	swait.ge [sflag:s23], $0x1  }
0xa3: {  	[sflag:s23] =	ssyncset.done $0x0  }
0xa4: {  	s25 =	simm.s32 $0x1B8E;
	s24 =	sld [smem:$0x3FFE];
	[sflag:s23] =	ssyncadd.s32 $0xFFFFFFFF  }
0xa5: {  	s26 =	simm.s32 $execute0_lowered;
	[smem:$0x3FD2] =	sst s25  }
0xa6: {  	s4 =	sshll.u32 s26, $0x1;
	_ =	strace $0x80000046;
	[dreg:$0x1] =	wrdreg $0xFFFFFFFF  }
0xa7: {  	s28 =	simm.s32 $_size_execute0_lowered;
	s2 =	sadd.s32 s2, s4;
	[dreg:$0x0] =	wrdreg $0x0  }
0xa8: {  	s4 =	sshll.u32 s28, $0x1;
	[dreg:$0x2] =	wrdreg s2  }
0xa9: {  	[dreg:$0x3] =	wrdreg s4  }
0xaa: {  	[dreg:$0x4] =	wrdreg $0xC0  }
0xab: {  	_ =	task [dreg:s6], $0x5FFFF  }
0xac: {  	[dreg:$0x1] =	wrdreg $0xFFFFFFFF  }
0xad: {  	[dreg:$0x0] =	wrdreg $0x60  }
0xae: {  	[dreg:$0x2] =	wrdreg s24  }
0xaf: {  	[dreg:$0x3] =	wrdreg $0x68000  }
0xb0: {  	[dreg:$0x4] =	wrdreg $0x9  }
0xb1: {  	_ =	task.clear_ibuf [dreg:s6], $0x5FFFF;
	_ =	strace $0x90000046  }
0xb2: {  	s29 =	simm.s32 $0x9;
	_ =	strace $0x80000048  }
0xb3: {  	_ =	swait.ge [sflag:s29], $0x1  }
0xb4: {  	[sflag:s29] =	ssyncadd.s32 $0xFFFFFFFF  }
0xb5: {  	_ =	strace $0x90000048  }
0xb6: {  	_ =	sfence  }
0xb7: {  	s30 =	sld [smem:$0x0];
	_ =	sdelay $0x2  }
0xb8: {  	s31 =	sshll.u32 s1, $0xD;
	s1 =	sshrl.u32 s1, $0x2  }
0xb9: {  	s3 =	sand.u32 $0x4000, s31;
	s1 =	sadd.s32 s1, s30  }
0xba: {  	s0 =	sor.u32 s3, s0;
	s1 =	sshll.u32 s1, $0x11  }
0xbb: {  	s0 =	sor.u32 s1, s0  }
0xbc: {  	s0 =	sadd.s32 $0x8F2B, s0  }
0xbd: {  	[sflag:s0] =	ssyncadd.remote.s32 $0x1  }
0xbe: {  	_ =	sfence.sel $0xFFFF  }
0xbf: {  	[dreg:$0x0] =	wrdreg $0xFFFFFFFF;
	(pc) =	sbr.abs _section_cstart, $3  }
0xc0: {  	[dreg:$0x1] =	wrdreg $0xFFFFFFFF  }
0xc1: {  	_ =	task.clear_ibuf [dreg:s6], $0x2FFFF;
	_ =	strace $0x9FFFFFFF  }
0xc2: {  	(tm) =	ssettm $0x7FFFFFFF  }
0xc3: {  	_ =	shalt  }
tec
execute0_lowered:
.L_overlay_start_1:
0x0: {  	(tag) =	ssettag $0x1  }
0x1: {  	s5 =	rddreg [dreg:$0x0]  }
0x2: {  	s1 =	rddreg [dreg:$0x1]  }
0x3: {  	s0 =	rddreg [dreg:$0x2];
	s2 =	simm.s32 $0x0;
	s12 =	stileid.u32  }
0x4: {  	s3 =	srdreg.scid;
	[smem:$0x7FF] =	sst s2  }
0x5: {  	s4 =	sshll.u32 s12, $0xB;
	s6 =	sand.u32 $0x1, s3;
	s10 =	smul.u32 $0x50000, s12  }
0x6: {  	s3 =	sadd.s32 $0x3C400, s5;
	s14 =	smul.u32 $0x2800, s12;
	p0 =	sne.s32 s12, $0x0  }
0x7: {  	s12 =	sshll.u32 s12, $0x6;
	_ =	strace $0x80000047;
	s7 =	sadd.s32 s4, s5  }
0x8: {  	s8 =	smul.u32 $0x28000, s6;
	s4 =	sadd.s32 $0x14400, s5;
	s9 =	ssub.s32 $0x2, s6  }
0x9: {  	s6 =	sshll.u32 s6, $0xF;
	s12 =	sor.u32 $0x1C01, s12;
	s29 =	sshrl.u32 s9, $0x1  }
0xa: {  	s30 =	sadd.s32 s6, s7;
	s31 =	sshrl.u32 s10, $0x2;
	s7 =	simm.s32 $0x1  }
0xb: {  	s10 =	simm.s32 $0x50;
	s8 =	sadd.s32 s8, s5;
	s9 =	ssub.s32 s9, s29  }
0xc: {  	s5 =	sadd.s32 $0x4400, s30;
	s13 =	sadd.s32 s31, s1;
	s11 =	sadd.s32 $0x3CA00, s8  }
0xd: {  	s6 =	smax.u32 s9, $0x1;
	s8 =	simm.s32 $0x4000;
	s9 =	sshrl.u32 @!p0 s1, $0x3  }
0xe: {  	s13 =	sshrl.u32 s13, $0x3;
	s11 =	sadd.s32 s14, s11;
	s14 =	simm.s32 $0x0  }
.LBB2_1:
0xf: {  	[tilespmem:s2], [sflag:$0x1] =	stream.linear.gather [hbm4b:s5+s2], $0x3E80, $0x38;
	[tilespmem:$0x1A800] =	vst v63  }
0x10: {  	_ =	swait.ge [sflag:s7], $0x3E80  }
0x11: {  	[sflag:s7] =	ssyncset.done $0x0  }
0x12: {  	[sflag:s7] =	ssyncadd.s32 $0xFFFFC180  }
0x13: {  	[tilespmem:s8], [sflag:$0x1] =	stream.linear.gather [hbm4b:s3+s2], $0x2800, $0x38;
	[tilespmem:$0x1A800] =	vst v63  }
0x14: {  	_ =	swait.ge [sflag:s7], $0x2800  }
0x15: {  	[sflag:s7] =	ssyncset.done $0x0  }
0x16: {  	s15 =	simm.s32 @!p0 $0x1C01;
	[sflag:s7] =	ssyncadd.s32 $0xFFFFD800  }
0x17: {  	[spmem:s9], [sflag:s15] =	dma.local @!p0 [hbm:s4], $0x28000  }
0x18: {  	s15 =	simm.s32 @!p0 $0x1  }
0x19: {  	_ =	swait.ge @!p0 [sflag:s15], $0x28000  }
0x1a: {  	[sflag:s15] =	ssyncset.done @!p0 $0x0  }
0x1b: {  	[sflag:s15] =	ssyncadd.s32 @!p0 $0xFFFD8000  }
0x1c: {  	s31 =	simm.s32 $0x0;
	[bflag:$0x0] =	sbarrier.arrive $0xFFFF  }
0x1d: {  	[spmem:s1] =	stream.indirect.scatter.add.f32 [tilespmem:s8], [sflag:$0x1], $0x80, s31, s10, $0xb8;
	[tilespmem:$0x1A800] =	vst v63  }
0x1e: {  	_ =	swait.ge [sflag:s7], $0x2800  }
0x1f: {  	s15 =	simm.s32 $0x200;
	[sflag:s7] =	ssyncset.done $0x0  }
.LBB2_2:
0x20: {  	s16 =	sshra.s32 s15, $0x2;
	[sflag:s7] =	ssyncadd.s32 $0xFFFFD800;
	p1 =	sne.s32 s15, $0xF800  }
0x21: {  	[spmem:s1] =	stream.indirect.scatter.add.f32 [tilespmem:s8], [sflag:$0x1], $0x80, s16, s10, $0xb8;
	[tilespmem:$0x1A800] =	vst v63  }
.Ltmp0:
0x22: {  	_ = 	snop;
	(pc) =	sbr.rel @p1 .LBB2_2-.Ltmp0, $4  }
0x23: {  	_ = 	snop  }
0x24: {  	s15 =	sadd.s32 $0x200, s15  }
0x25: {  	_ =	swait.ge [sflag:s7], $0x2800  }
0x26: {  	[sflag:s7] =	ssyncset.done $0x0  }
0x27: {  	s14 =	sadd.s32 $0x1, s14  }
0x28: {  	[sflag:s7] =	ssyncadd.s32 $0xFFFFD800;
	p1 =	sne.s32 s14, s6  }
.Ltmp1:
0x29: {  	[bflag:$0x0] =	sbarrier.arrive $0xFFFF;
	(pc) =	sbr.rel @p1 .LBB2_1-.Ltmp1, $4  }
0x2a: {  	[hbm:s11], [sflag:s12] =	dma.local [spmem:s13], $0x2800  }
0x2b: {  	_ =	swait.ge [sflag:s7], $0x2800  }
0x2c: {  	[sflag:s7] =	ssyncset.done $0x0  }
0x2d: {  	[sflag:s7] =	ssyncadd.s32 $0xFFFFD800  }
0x2e: {  	_ =	sfence.sel $0x180000  }
0x2f: {  	[bflag:$0x0] =	sbarrier.arrive $0xFFFF  }
0x30: {  	_ =	strace $0x90000047  }
0x31: {  	s0 =	sadd.s32 @!p0 $0x100000, s0;
	[bflag:$0x2] =	sbarrier.arrive $0xFFFF  }
0x32: {  	[sflag:s0] =	ssyncadd.tile.s32 @!p0 $0x1;
	_ =	shalt  }
.Lfunc_end2:
_tile_overlayer_lowered:
.L_overlay_start_2:
0x33: {  	(tag) =	ssettag $0x2  }
0x34: {  	s0 =	rddreg [dreg:$0x0];
	s2 =	stileid.u32  }
0x35: {  	s1 =	rddreg [dreg:$0x1];
	p0 =	sne.s32 s2, $0x0  }
0x36: {  	s3 =	rddreg [dreg:$0x2];
	[bflag:$0x3] =	sbarrier.arrive $0xFFFF;
	s2 =	simm.s32 @!p0 $0x1C01  }
0x37: {  	[timem:s3], [sflag:s2] =	dma.local @!p0 [hbm:s0], s1  }
0x38: {  	s0 =	simm.s32 @!p0 $0x1  }
0x39: {  	_ =	swait.ge @!p0 [sflag:s0], s1  }
0x3a: {  	s1 =	ssub.s32 @!p0 $0x0, s1;
	[sflag:s0] =	ssyncset.done @!p0 $0x0  }
0x3b: {  	[sflag:s0] =	ssyncadd.s32 @!p0 s1  }
0x3c: {  	[bflag:$0x3] =	sbarrier.arrive $0xFFFF  }
0x3d: {  	_ =	shalt  }

// kernel: kernel.15.cloned.1.call-start
scs
__scs_entry_jumppad:
0x0: {  	(pc) =	sbr.rel $0x88, $3  }
0x1: {  	(tag) =	ssettag $0x0;
	lr =	simm.s32 $0x1  }
0x2: {  	[smem:$0x3F90] =	sst lr;
	_ =	strace $0xD0000000  }
0x3: {  	_ = 	snop  }
0x4: {  	_ = 	snop  }
0x5: {  	_ = 	snop  }
0x6: {  	_ = 	snop  }
0x7: {  	_ = 	snop  }
__scs_overlays_trampoline_lowered:
0x8: {  	[smem:$0x3F9F] =	sst s0  }
0x9: {  	[smem:$0x3FA0] =	sst s1  }
0xa: {  	[smem:$0x3FA1] =	sst s2  }
0xb: {  	[smem:$0x3FA2] =	sst s3  }
0xc: {  	[smem:$0x3FA3] =	sst s4  }
0xd: {  	[smem:$0x3FA4] =	sst s5  }
0xe: {  	[smem:$0x3FA5] =	sst s6  }
0xf: {  	[smem:$0x3FA6] =	sst s7  }
0x10: {  	[smem:$0x3FA7] =	sst s8  }
0x11: {  	[smem:$0x3FA8] =	sst s9;
	s0 =	simm.s32 @!p0 $0x0  }
0x12: {  	s1 =	sld [smem:$0x3F8E];
	s0 =	simm.s32 @p0 $0x1  }
0x13: {  	[smem:$0x3FA9] =	sst s0;
	s0 =	simm.s32 @!p1 $0x0  }
0x14: {  	s2 =	sld [smem:$0x3F8D];
	s0 =	simm.s32 @p1 $0x1  }
0x15: {  	[smem:$0x3FAA] =	sst s0;
	s0 =	simm.s32 @!p2 $0x0  }
0x16: {  	s3 =	sld [smem:$0x3FDB];
	s0 =	simm.s32 @p2 $0x1  }
0x17: {  	s4 =	simm.s32 $0x1BF5;
	[smem:$0x3FAC] =	sst s0  }
0x18: {  	s0 =	sld [smem:$0x3F8F];
	_ =	swait.ge [sflag:s4], $0x0  }
0x19: {  	s7 =	sld [smem:$0x3F90]  }
0x1a: {  	s8 =	sadd.s32 $0xFFFFE003, lr  }
0x1b: {  	s9 =	sadd.s32 $0xFFFFFEF7, lr;
	s5 =	simm.s32 $0xFFFFFFFF;
	p2 =	slt.u32 s8, $0xFFFFF086  }
0x1c: {  	p1 =	slt.u32 s9, $0xF7A;
	s5 =	simm.s32 @!p2 $0x0  }
0x1d: {  	s5 =	simm.s32 @p1 $0x1;
	p0 =	seq.s32 s7, s2  }
0x1e: {  	s7 =	smul.u32 @!p0 $0xF7A, s2;
	p2 =	seq.s32 @!p0 s5, $0x0  }
0x1f: {  	s9 =	smul.u32 $0xF7A, s1;
	s8 =	simm.s32 @!p0 $0x1BF5;
	p2 =	por !p2, p0  }
0x20: {  	[sflag:s8] =	ssyncset.s32 @!p0 $0xFFFFF086;
	s6 =	sadd.s32 @!p0 s3, s7;
	s7 =	simm.s32 @!p0 $0x108  }
0x21: {  	s3 =	sadd.s32 s3, s9;
	s6 =	sadd.s32 @!p0 $0x88, s6;
	s7 =	simm.s32 @p2 $0x1082  }
0x22: {  	[simem:s7], [sflag:s8] =	dma.local @!p0 [hbm:s6], $0xF7A  }
0x23: {  	s9 =	sor.u32 $0xD0000000, s2;
	s6 =	simm.s32 $0x108;
	_ =	swait.ge @!p0 [sflag:s8], $0x0  }
0x24: {  	s3 =	sadd.s32 $0x88, s3;
	s6 =	simm.s32 @!p1 $0x1082;
	[sflag:s4] =	ssyncset.s32 $0xFFFFF086  }
0x25: {  	[simem:s6], [sflag:s4] =	dma.local [hbm:s3], $0xF7A  }
0x26: {  	[smem:$0x3F90] =	sst s1;
	(tag) =	ssettag s2;
	_ =	strace s9  }
0x27: {  	s1 =	sld [smem:$0x3FA0]  }
0x28: {  	s2 =	sld [smem:$0x3FA1]  }
0x29: {  	s4 =	sld [smem:$0x3FA3]  }
0x2a: {  	p0 =	seq.s32 s5, $0x0;
	s5 =	sld [smem:$0x3FA4]  }
0x2b: {  	s6 =	sld [smem:$0x3FA5]  }
0x2c: {  	s7 =	sld [smem:$0x3FA6]  }
0x2d: {  	s3 =	simm.s32 $0x108;
	s8 =	sld [smem:$0x3FA7]  }
0x2e: {  	s3 =	simm.s32 @!p0 $0x1082;
	s9 =	sld [smem:$0x3FA8]  }
0x2f: {  	lr =	sadd.s32 s0, s3;
	s0 =	sld [smem:$0x3F9F]  }
0x30: {  	s3 =	sld [smem:$0x3FA2]  }
0x31: {  	[smem:$0x3FAB] =	sst s10  }
0x32: {  	s10 =	sld [smem:$0x3FA9];
	_ =	sdelay $0x3  }
0x33: {  	p0 =	seq.s32 s10, $0x1;
	s10 =	sld [smem:$0x3FAB];
	_ =	sdelay $0x3  }
0x34: {  	[smem:$0x3FAB] =	sst s10  }
0x35: {  	s10 =	sld [smem:$0x3FAA];
	_ =	sdelay $0x3  }
0x36: {  	p1 =	seq.s32 s10, $0x1;
	s10 =	sld [smem:$0x3FAB];
	_ =	sdelay $0x3  }
0x37: {  	[smem:$0x3FAB] =	sst s10  }
0x38: {  	s10 =	sld [smem:$0x3FAC]  }
0x39: {  	_ = 	snop;
	(pc) =	sbr.ind lr, $3  }
0x3a: {  	_ = 	snop  }
0x3b: {  	_ = 	snop  }
0x3c: {  	p2 =	seq.s32 s10, $0x1;
	s10 =	sld [smem:$0x3FAB]  }
0x3d: {  	_ =	shalt  }
0x3e: {  	_ =	shalt  }
0x3f: {  	_ =	shalt  }
0x40: {  	_ =	shalt  }
0x41: {  	_ =	shalt  }
0x42: {  	_ =	shalt  }
0x43: {  	_ =	shalt  }
0x44: {  	_ =	shalt  }
0x45: {  	_ =	shalt  }
0x46: {  	_ =	shalt  }
0x47: {  	_ =	shalt  }
0x48: {  	_ =	shalt  }
0x49: {  	_ =	shalt  }
0x4a: {  	_ =	shalt  }
0x4b: {  	_ =	shalt  }
0x4c: {  	_ =	shalt  }
0x4d: {  	_ =	shalt  }
0x4e: {  	_ =	shalt  }
0x4f: {  	_ =	shalt  }
0x50: {  	_ =	shalt  }
0x51: {  	_ =	shalt  }
0x52: {  	_ =	shalt  }
0x53: {  	_ =	shalt  }
0x54: {  	_ =	shalt  }
0x55: {  	_ =	shalt  }
0x56: {  	_ =	shalt  }
0x57: {  	_ =	shalt  }
0x58: {  	_ =	shalt  }
0x59: {  	_ =	shalt  }
0x5a: {  	_ =	shalt  }
0x5b: {  	_ =	shalt  }
0x5c: {  	_ =	shalt  }
0x5d: {  	_ =	shalt  }
0x5e: {  	_ =	shalt  }
0x5f: {  	_ =	shalt  }
0x60: {  	_ =	shalt  }
0x61: {  	_ =	shalt  }
0x62: {  	_ =	shalt  }
0x63: {  	_ =	shalt  }
0x64: {  	_ =	shalt  }
0x65: {  	_ =	shalt  }
0x66: {  	_ =	shalt  }
0x67: {  	_ =	shalt  }
0x68: {  	_ =	shalt  }
0x69: {  	_ =	shalt  }
0x6a: {  	_ =	shalt  }
0x6b: {  	_ =	shalt  }
0x6c: {  	_ =	shalt  }
0x6d: {  	_ =	shalt  }
0x6e: {  	_ =	shalt  }
0x6f: {  	_ =	shalt  }
0x70: {  	_ =	shalt  }
0x71: {  	_ =	shalt  }
0x72: {  	_ =	shalt  }
0x73: {  	_ =	shalt  }
0x74: {  	_ =	shalt  }
0x75: {  	_ =	shalt  }
0x76: {  	_ =	shalt  }
0x77: {  	_ =	shalt  }
0x78: {  	_ =	shalt  }
0x79: {  	_ =	shalt  }
0x7a: {  	_ =	shalt  }
0x7b: {  	_ =	shalt  }
0x7c: {  	_ =	shalt  }
0x7d: {  	_ =	shalt  }
0x7e: {  	_ =	shalt  }
0x7f: {  	_ =	shalt  }
0x80: {  	_ =	shalt  }
0x81: {  	_ =	shalt  }
0x82: {  	_ =	shalt  }
0x83: {  	_ =	shalt  }
0x84: {  	_ =	shalt  }
0x85: {  	_ =	shalt  }
0x86: {  	_ =	shalt  }
0x87: {  	_ =	shalt  }
.Lfunc_end0:
.L_simem_size_0:
called_computation.1_lowered:
.L_overlay_start_0:
0x88: {  	s2 =	sld [smem:$0x3FD9]  }
0x89: {  	s3 =	sld [smem:$0x3FFE];
	_ =	sdelay $0x1  }
0x8a: {  	s1 =	srdreg.scid  }
0x8b: {  	s0 =	sand.u32 $0x1, s1  }
0x8c: {  	s16 =	sshll.u32 s0, $0xA;
	s2 =	sadd.s32 s3, s2  }
0x8d: {  	s2 =	sadd.s32 s2, s16  }
0x8e: {  	[smem:$0x3FB7] =	sst s2  }
0x8f: {  	_ = 	snop  }
0x90: {  	(tm) =	ssettm $0x1  }
0x91: {  	s17 =	sld [smem:$0x3FFB];
	_ =	sdelay $0x3  }
0x92: {  	_ =	strace s17  }
0x93: {  	s2 =	sld [smem:$0x3FFC];
	_ =	sdelay $0x3  }
0x94: {  	_ =	strace s2  }
0x95: {  	s2 =	sld [smem:$0x3FFD];
	_ =	sdelay $0x3  }
0x96: {  	_ =	strace s2  }
0x97: {  	_ =	strace $0x8FFFFFFF  }
0x98: {  	s18 =	sld [smem:$0x3FDB];
	_ =	sdelay $0x1  }
0x99: {  	s19 =	simm.s32 $_scs_section_size  }
0x9a: {  	s4 =	simm.s32 $_size__tile_overlayer_lowered;
	s5 =	simm.s32 $_tile_overlayer_lowered  }
0x9b: {  	s22 =	simm.s32 $0x1BFF;
	s21 =	sshll.u32 s5, $0x1;
	s2 =	sadd.s32 s19, s18  }
0x9c: {  	s6 =	simm.s32 $0x0;
	s20 =	sshll.u32 s4, $0x1;
	s4 =	sadd.s32 s21, s2  }
0x9d: {  	[timem:s6], [sflag:s22] =	dma.local [hbm:s4], s20  }
0x9e: {  	_ =	swait.ge [sflag:s22], s20  }
0x9f: {  	s3 =	ssub.s32 $0x0, s20;
	[sflag:s22] =	ssyncset.done $0x0  }
0xa0: {  	[sflag:s22] =	ssyncadd.s32 s3;
	_ =	sdelay $0x1  }
0xa1: {  	s23 =	simm.s32 $0x1B8B  }
0xa2: {  	_ =	swait.ge [sflag:s23], $0x1  }
0xa3: {  	[sflag:s23] =	ssyncset.done $0x0  }
0xa4: {  	s25 =	simm.s32 $0x1B8E;
	s24 =	sld [smem:$0x3FFE];
	[sflag:s23] =	ssyncadd.s32 $0xFFFFFFFF  }
0xa5: {  	s26 =	simm.s32 $execute0_lowered;
	[smem:$0x3FD2] =	sst s25  }
0xa6: {  	s4 =	sshll.u32 s26, $0x1;
	_ =	strace $0x80000049;
	[dreg:$0x1] =	wrdreg $0xFFFFFFFF  }
0xa7: {  	s28 =	simm.s32 $_size_execute0_lowered;
	s2 =	sadd.s32 s2, s4;
	[dreg:$0x0] =	wrdreg $0x0  }
0xa8: {  	s4 =	sshll.u32 s28, $0x1;
	[dreg:$0x2] =	wrdreg s2  }
0xa9: {  	[dreg:$0x3] =	wrdreg s4  }
0xaa: {  	[dreg:$0x4] =	wrdreg $0xC0  }
0xab: {  	_ =	task [dreg:s6], $0x5FFFF  }
0xac: {  	[dreg:$0x1] =	wrdreg $0xFFFFFFFF  }
0xad: {  	[dreg:$0x0] =	wrdreg $0x60  }
0xae: {  	[dreg:$0x2] =	wrdreg s24  }
0xaf: {  	[dreg:$0x3] =	wrdreg $0x94000  }
0xb0: {  	[dreg:$0x4] =	wrdreg $0x9  }
0xb1: {  	_ =	task.clear_ibuf [dreg:s6], $0x5FFFF;
	_ =	strace $0x90000049  }
0xb2: {  	s29 =	simm.s32 $0x9;
	_ =	strace $0x8000004B  }
0xb3: {  	_ =	swait.ge [sflag:s29], $0x1  }
0xb4: {  	[sflag:s29] =	ssyncadd.s32 $0xFFFFFFFF  }
0xb5: {  	_ =	strace $0x9000004B  }
0xb6: {  	_ =	sfence  }
0xb7: {  	s30 =	sld [smem:$0x0];
	_ =	sdelay $0x2  }
0xb8: {  	s31 =	sshll.u32 s1, $0xD;
	s1 =	sshrl.u32 s1, $0x2  }
0xb9: {  	s3 =	sand.u32 $0x4000, s31;
	s1 =	sadd.s32 s1, s30  }
0xba: {  	s0 =	sor.u32 s3, s0;
	s1 =	sshll.u32 s1, $0x11  }
0xbb: {  	s0 =	sor.u32 s1, s0  }
0xbc: {  	s0 =	sadd.s32 $0x8F2B, s0  }
0xbd: {  	[sflag:s0] =	ssyncadd.remote.s32 $0x1  }
0xbe: {  	_ =	sfence.sel $0xFFFF  }
0xbf: {  	[dreg:$0x0] =	wrdreg $0xFFFFFFFF;
	(pc) =	sbr.abs _section_cstart, $3  }
0xc0: {  	[dreg:$0x1] =	wrdreg $0xFFFFFFFF  }
0xc1: {  	_ =	task.clear_ibuf [dreg:s6], $0x2FFFF;
	_ =	strace $0x9FFFFFFF  }
0xc2: {  	(tm) =	ssettm $0x7FFFFFFF  }
0xc3: {  	_ =	shalt  }
tec
execute0_lowered:
.L_overlay_start_1:
0x0: {  	(tag) =	ssettag $0x1  }
0x1: {  	s5 =	rddreg [dreg:$0x0]  }
0x2: {  	s1 =	rddreg [dreg:$0x1]  }
0x3: {  	s0 =	rddreg [dreg:$0x2];
	s3 =	srdreg.scid  }
0x4: {  	s2 =	simm.s32 $0x0;
	s15 =	stileid.u32;
	s11 =	simm.s32 $0x28  }
0x5: {  	s12 =	simm.s32 $0x8000;
	s13 =	simm.s32 $0x1;
	s4 =	sand.u32 $0x1, s3  }
0x6: {  	[smem:$0x7FF] =	sst s2;
	s7 =	sshll.u32 s15, $0xB;
	s10 =	smul.u32 $0x50000, s15  }
0x7: {  	s3 =	sadd.s32 $0x3C600, s5;
	s17 =	smul.u32 $0x2800, s15;
	p0 =	sne.s32 s15, $0x0  }
0x8: {  	s15 =	sshll.u32 s15, $0x6;
	s6 =	sshll.u32 s4, $0xF;
	_ =	strace $0x8000004A  }
0x9: {  	s30 =	smul.u32 $0x28000, s4;
	s8 =	ssub.s32 $0x2, s4;
	s4 =	sadd.s32 $0x14400, s5  }
0xa: {  	s15 =	sor.u32 $0x1C02, s15;
	s6 =	sor.u32 s7, s6;
	s9 =	sshrl.u32 s8, $0x1  }
0xb: {  	s31 =	sshrl.u32 s10, $0x2;
	s10 =	sshrl.u32 @!p0 s1, $0x3;
	s6 =	sadd.s32 s6, s5  }
0xc: {  	s7 =	sadd.s32 s30, s5;
	s8 =	ssub.s32 s8, s9;
	s16 =	sadd.s32 s31, s1  }
0xd: {  	s9 =	simm.s32 $0x4000;
	s5 =	sadd.s32 $0x8CA00, s6;
	s6 =	sadd.s32 $0x9CA00, s6  }
0xe: {  	s14 =	sadd.s32 $0xACA00, s7;
	s7 =	smax.u32 s8, $0x1;
	s8 =	simm.s32 $0x2  }
0xf: {  	s16 =	sshrl.u32 s16, $0x3;
	s14 =	sadd.s32 s17, s14;
	s17 =	simm.s32 $0x0  }
.LBB2_1:
0x10: {  	[tilespmem:s2], [sflag:$0x2] =	stream.linear.gather [hbm4b:s5+s2], $0x3E80, $0x38;
	[tilespmem:$0x1D400] =	vst v63  }
0x11: {  	_ =	swait.ge [sflag:s8], $0x3E80  }
0x12: {  	[sflag:s8] =	ssyncset.done $0x0  }
0x13: {  	[sflag:s8] =	ssyncadd.s32 $0xFFFFC180  }
0x14: {  	[tilespmem:s9], [sflag:$0x2] =	stream.linear.gather [hbm4b:s6+s2], $0x3E80, $0x38;
	[tilespmem:$0x1D400] =	vst v63  }
0x15: {  	_ =	swait.ge [sflag:s8], $0x3E80  }
0x16: {  	[sflag:s8] =	ssyncset.done $0x0  }
0x17: {  	s18 =	simm.s32 @!p0 $0x1C02;
	[sflag:s8] =	ssyncadd.s32 $0xFFFFC180  }
0x18: {  	[spmem:s10], [sflag:s18] =	dma.local @!p0 [hbm:s4], $0x28000  }
0x19: {  	s18 =	simm.s32 @!p0 $0x2  }
0x1a: {  	_ =	swait.ge @!p0 [sflag:s18], $0x28000  }
0x1b: {  	[sflag:s18] =	ssyncset.done @!p0 $0x0  }
0x1c: {  	[sflag:s18] =	ssyncadd.s32 @!p0 $0xFFFD8000  }
0x1d: {  	s30 =	simm.s32 $0x0;
	[bflag:$0x0] =	sbarrier.arrive $0xFFFF  }
0x1e: {  	[tilespmem:s12], [sflag:$0x1] =	stream.indirect.gather [hbm4b:s3+s11], $0x80, s30, s11, $0xb8;
	[tilespmem:$0x1D400] =	vst v63  }
0x1f: {  	_ =	swait.ge [sflag:s13], $0x1400  }
0x20: {  	[sflag:s13] =	ssyncset.done $0x0  }
0x21: {  	s31 =	simm.s32 $0x4000;
	[sflag:s13] =	ssyncadd.s32 $0xFFFFEC00  }
0x22: {  	[spmem:s1] =	stream.indirect.scatter.add.f32 [tilespmem:s12], [sflag:$0x2], $0x80, s31, s11, $0xb8;
	[tilespmem:$0x1D400] =	vst v63  }
0x23: {  	_ =	swait.ge [sflag:s8], $0x1400  }
0x24: {  	s19 =	simm.s32 $0x400;
	s18 =	simm.s32 $0x200;
	[sflag:s8] =	ssyncset.done $0x0  }
.LBB2_2:
0x25: {  	s20 =	sshra.s32 s18, $0x2  }
0x26: {  	[sflag:s8] =	ssyncadd.s32 $0xFFFFEC00;
	s18 =	smov.u32 s19;
	s21 =	sadd.s32 $0x200, s19  }
0x27: {  	[tilespmem:s12], [sflag:$0x1] =	stream.indirect.gather [hbm4b:s3+s11], $0x80, s20, s11, $0xb8;
	[tilespmem:$0x1D400] =	vst v63  }
0x28: {  	p1 =	sne.s32 s19, $0xF800;
	_ =	swait.ge [sflag:s13], $0x1400  }
.Ltmp0:
0x29: {  	[sflag:s13] =	ssyncset.done $0x0;
	(pc) =	sbr.rel @p1 .LBB2_2-.Ltmp0, $4  }
0x2a: {  	s19 =	sadd.s32 $0x4000, s20;
	[sflag:s13] =	ssyncadd.s32 $0xFFFFEC00  }
0x2b: {  	[spmem:s1] =	stream.indirect.scatter.add.f32 [tilespmem:s12], [sflag:$0x2], $0x80, s19, s11, $0xb8;
	[tilespmem:$0x1D400] =	vst v63  }
0x2c: {  	_ =	swait.ge [sflag:s8], $0x1400  }
0x2d: {  	s19 =	smov.u32 s21;
	[sflag:s8] =	ssyncset.done $0x0  }
0x2e: {  	s18 =	sshra.s32 s18, $0x2;
	[sflag:s8] =	ssyncadd.s32 $0xFFFFEC00  }
0x2f: {  	[tilespmem:s12], [sflag:$0x1] =	stream.indirect.gather [hbm4b:s3+s11], $0x80, s18, s11, $0xb8;
	[tilespmem:$0x1D400] =	vst v63  }
0x30: {  	_ =	swait.ge [sflag:s13], $0x1400  }
0x31: {  	[sflag:s13] =	ssyncset.done $0x0  }
0x32: {  	s18 =	sadd.s32 $0x4000, s18;
	[sflag:s13] =	ssyncadd.s32 $0xFFFFEC00  }
0x33: {  	[spmem:s1] =	stream.indirect.scatter.add.f32 [tilespmem:s12], [sflag:$0x2], $0x80, s18, s11, $0xb8;
	[tilespmem:$0x1D400] =	vst v63  }
0x34: {  	_ =	swait.ge [sflag:s8], $0x1400  }
0x35: {  	s17 =	sadd.s32 $0x1, s17;
	[sflag:s8] =	ssyncset.done $0x0  }
0x36: {  	p1 =	sne.s32 s17, s7;
	[sflag:s8] =	ssyncadd.s32 $0xFFFFEC00  }
.Ltmp1:
0x37: {  	[bflag:$0x0] =	sbarrier.arrive $0xFFFF;
	(pc) =	sbr.rel @p1 .LBB2_1-.Ltmp1, $4  }
0x38: {  	[hbm:s14], [sflag:s15] =	dma.local [spmem:s16], $0x2800  }
0x39: {  	_ =	swait.ge [sflag:s8], $0x2800  }
0x3a: {  	[sflag:s8] =	ssyncset.done $0x0  }
0x3b: {  	[sflag:s8] =	ssyncadd.s32 $0xFFFFD800  }
0x3c: {  	_ =	sfence.sel $0x180000  }
0x3d: {  	[bflag:$0x0] =	sbarrier.arrive $0xFFFF  }
0x3e: {  	_ =	strace $0x9000004A  }
0x3f: {  	s0 =	sadd.s32 @!p0 $0x100000, s0;
	[bflag:$0x2] =	sbarrier.arrive $0xFFFF  }
0x40: {  	[sflag:s0] =	ssyncadd.tile.s32 @!p0 $0x1;
	_ =	shalt  }
.Lfunc_end2:
_tile_overlayer_lowered:
.L_overlay_start_2:
0x41: {  	(tag) =	ssettag $0x2  }
0x42: {  	s0 =	rddreg [dreg:$0x0];
	s2 =	stileid.u32  }
0x43: {  	s1 =	rddreg [dreg:$0x1];
	p0 =	sne.s32 s2, $0x0  }
0x44: {  	s3 =	rddreg [dreg:$0x2];
	[bflag:$0x3] =	sbarrier.arrive $0xFFFF;
	s2 =	simm.s32 @!p0 $0x1C02  }
0x45: {  	[timem:s3], [sflag:s2] =	dma.local @!p0 [hbm:s0], s1  }
0x46: {  	s0 =	simm.s32 @!p0 $0x2  }
0x47: {  	_ =	swait.ge @!p0 [sflag:s0], s1  }
0x48: {  	s1 =	ssub.s32 @!p0 $0x0, s1;
	[sflag:s0] =	ssyncset.done @!p0 $0x0  }
0x49: {  	[sflag:s0] =	ssyncadd.s32 @!p0 s1  }
0x4a: {  	[bflag:$0x3] =	sbarrier.arrive $0xFFFF  }
0x4b: {  	_ =	shalt  }

// kernel: kernel.18.cloned.1.call-start
scs
__scs_entry_jumppad:
0x0: {  	(pc) =	sbr.rel $0x88, $3  }
0x1: {  	(tag) =	ssettag $0x0;
	lr =	simm.s32 $0x1  }
0x2: {  	[smem:$0x3F90] =	sst lr;
	_ =	strace $0xD0000000  }
0x3: {  	_ = 	snop  }
0x4: {  	_ = 	snop  }
0x5: {  	_ = 	snop  }
0x6: {  	_ = 	snop  }
0x7: {  	_ = 	snop  }
__scs_overlays_trampoline_lowered:
0x8: {  	[smem:$0x3F9F] =	sst s0  }
0x9: {  	[smem:$0x3FA0] =	sst s1  }
0xa: {  	[smem:$0x3FA1] =	sst s2  }
0xb: {  	[smem:$0x3FA2] =	sst s3  }
0xc: {  	[smem:$0x3FA3] =	sst s4  }
0xd: {  	[smem:$0x3FA4] =	sst s5  }
0xe: {  	[smem:$0x3FA5] =	sst s6  }
0xf: {  	[smem:$0x3FA6] =	sst s7  }
0x10: {  	[smem:$0x3FA7] =	sst s8  }
0x11: {  	[smem:$0x3FA8] =	sst s9;
	s0 =	simm.s32 @!p0 $0x0  }
0x12: {  	s1 =	sld [smem:$0x3F8E];
	s0 =	simm.s32 @p0 $0x1  }
0x13: {  	[smem:$0x3FA9] =	sst s0;
	s0 =	simm.s32 @!p1 $0x0  }
0x14: {  	s2 =	sld [smem:$0x3F8D];
	s0 =	simm.s32 @p1 $0x1  }
0x15: {  	[smem:$0x3FAA] =	sst s0;
	s0 =	simm.s32 @!p2 $0x0  }
0x16: {  	s3 =	sld [smem:$0x3FDB];
	s0 =	simm.s32 @p2 $0x1  }
0x17: {  	s4 =	simm.s32 $0x1BF5;
	[smem:$0x3FAC] =	sst s0  }
0x18: {  	s0 =	sld [smem:$0x3F8F];
	_ =	swait.ge [sflag:s4], $0x0  }
0x19: {  	s7 =	sld [smem:$0x3F90]  }
0x1a: {  	s8 =	sadd.s32 $0xFFFFE003, lr  }
0x1b: {  	s9 =	sadd.s32 $0xFFFFFEF7, lr;
	s5 =	simm.s32 $0xFFFFFFFF;
	p2 =	slt.u32 s8, $0xFFFFF086  }
0x1c: {  	p1 =	slt.u32 s9, $0xF7A;
	s5 =	simm.s32 @!p2 $0x0  }
0x1d: {  	s5 =	simm.s32 @p1 $0x1;
	p0 =	seq.s32 s7, s2  }
0x1e: {  	s7 =	smul.u32 @!p0 $0xF7A, s2;
	p2 =	seq.s32 @!p0 s5, $0x0  }
0x1f: {  	s9 =	smul.u32 $0xF7A, s1;
	s8 =	simm.s32 @!p0 $0x1BF5;
	p2 =	por !p2, p0  }
0x20: {  	[sflag:s8] =	ssyncset.s32 @!p0 $0xFFFFF086;
	s6 =	sadd.s32 @!p0 s3, s7;
	s7 =	simm.s32 @!p0 $0x108  }
0x21: {  	s3 =	sadd.s32 s3, s9;
	s6 =	sadd.s32 @!p0 $0x88, s6;
	s7 =	simm.s32 @p2 $0x1082  }
0x22: {  	[simem:s7], [sflag:s8] =	dma.local @!p0 [hbm:s6], $0xF7A  }
0x23: {  	s9 =	sor.u32 $0xD0000000, s2;
	s6 =	simm.s32 $0x108;
	_ =	swait.ge @!p0 [sflag:s8], $0x0  }
0x24: {  	s3 =	sadd.s32 $0x88, s3;
	s6 =	simm.s32 @!p1 $0x1082;
	[sflag:s4] =	ssyncset.s32 $0xFFFFF086  }
0x25: {  	[simem:s6], [sflag:s4] =	dma.local [hbm:s3], $0xF7A  }
0x26: {  	[smem:$0x3F90] =	sst s1;
	(tag) =	ssettag s2;
	_ =	strace s9  }
0x27: {  	s1 =	sld [smem:$0x3FA0]  }
0x28: {  	s2 =	sld [smem:$0x3FA1]  }
0x29: {  	s4 =	sld [smem:$0x3FA3]  }
0x2a: {  	p0 =	seq.s32 s5, $0x0;
	s5 =	sld [smem:$0x3FA4]  }
0x2b: {  	s6 =	sld [smem:$0x3FA5]  }
0x2c: {  	s7 =	sld [smem:$0x3FA6]  }
0x2d: {  	s3 =	simm.s32 $0x108;
	s8 =	sld [smem:$0x3FA7]  }
0x2e: {  	s3 =	simm.s32 @!p0 $0x1082;
	s9 =	sld [smem:$0x3FA8]  }
0x2f: {  	lr =	sadd.s32 s0, s3;
	s0 =	sld [smem:$0x3F9F]  }
0x30: {  	s3 =	sld [smem:$0x3FA2]  }
0x31: {  	[smem:$0x3FAB] =	sst s10  }
0x32: {  	s10 =	sld [smem:$0x3FA9];
	_ =	sdelay $0x3  }
0x33: {  	p0 =	seq.s32 s10, $0x1;
	s10 =	sld [smem:$0x3FAB];
	_ =	sdelay $0x3  }
0x34: {  	[smem:$0x3FAB] =	sst s10  }
0x35: {  	s10 =	sld [smem:$0x3FAA];
	_ =	sdelay $0x3  }
0x36: {  	p1 =	seq.s32 s10, $0x1;
	s10 =	sld [smem:$0x3FAB];
	_ =	sdelay $0x3  }
0x37: {  	[smem:$0x3FAB] =	sst s10  }
0x38: {  	s10 =	sld [smem:$0x3FAC]  }
0x39: {  	_ = 	snop;
	(pc) =	sbr.ind lr, $3  }
0x3a: {  	_ = 	snop  }
0x3b: {  	_ = 	snop  }
0x3c: {  	p2 =	seq.s32 s10, $0x1;
	s10 =	sld [smem:$0x3FAB]  }
0x3d: {  	_ =	shalt  }
0x3e: {  	_ =	shalt  }
0x3f: {  	_ =	shalt  }
0x40: {  	_ =	shalt  }
0x41: {  	_ =	shalt  }
0x42: {  	_ =	shalt  }
0x43: {  	_ =	shalt  }
0x44: {  	_ =	shalt  }
0x45: {  	_ =	shalt  }
0x46: {  	_ =	shalt  }
0x47: {  	_ =	shalt  }
0x48: {  	_ =	shalt  }
0x49: {  	_ =	shalt  }
0x4a: {  	_ =	shalt  }
0x4b: {  	_ =	shalt  }
0x4c: {  	_ =	shalt  }
0x4d: {  	_ =	shalt  }
0x4e: {  	_ =	shalt  }
0x4f: {  	_ =	shalt  }
0x50: {  	_ =	shalt  }
0x51: {  	_ =	shalt  }
0x52: {  	_ =	shalt  }
0x53: {  	_ =	shalt  }
0x54: {  	_ =	shalt  }
0x55: {  	_ =	shalt  }
0x56: {  	_ =	shalt  }
0x57: {  	_ =	shalt  }
0x58: {  	_ =	shalt  }
0x59: {  	_ =	shalt  }
0x5a: {  	_ =	shalt  }
0x5b: {  	_ =	shalt  }
0x5c: {  	_ =	shalt  }
0x5d: {  	_ =	shalt  }
0x5e: {  	_ =	shalt  }
0x5f: {  	_ =	shalt  }
0x60: {  	_ =	shalt  }
0x61: {  	_ =	shalt  }
0x62: {  	_ =	shalt  }
0x63: {  	_ =	shalt  }
0x64: {  	_ =	shalt  }
0x65: {  	_ =	shalt  }
0x66: {  	_ =	shalt  }
0x67: {  	_ =	shalt  }
0x68: {  	_ =	shalt  }
0x69: {  	_ =	shalt  }
0x6a: {  	_ =	shalt  }
0x6b: {  	_ =	shalt  }
0x6c: {  	_ =	shalt  }
0x6d: {  	_ =	shalt  }
0x6e: {  	_ =	shalt  }
0x6f: {  	_ =	shalt  }
0x70: {  	_ =	shalt  }
0x71: {  	_ =	shalt  }
0x72: {  	_ =	shalt  }
0x73: {  	_ =	shalt  }
0x74: {  	_ =	shalt  }
0x75: {  	_ =	shalt  }
0x76: {  	_ =	shalt  }
0x77: {  	_ =	shalt  }
0x78: {  	_ =	shalt  }
0x79: {  	_ =	shalt  }
0x7a: {  	_ =	shalt  }
0x7b: {  	_ =	shalt  }
0x7c: {  	_ =	shalt  }
0x7d: {  	_ =	shalt  }
0x7e: {  	_ =	shalt  }
0x7f: {  	_ =	shalt  }
0x80: {  	_ =	shalt  }
0x81: {  	_ =	shalt  }
0x82: {  	_ =	shalt  }
0x83: {  	_ =	shalt  }
0x84: {  	_ =	shalt  }
0x85: {  	_ =	shalt  }
0x86: {  	_ =	shalt  }
0x87: {  	_ =	shalt  }
.Lfunc_end0:
.L_simem_size_0:
called_computation.2_lowered:
.L_overlay_start_0:
0x88: {  	s2 =	sld [smem:$0x3FD9]  }
0x89: {  	s3 =	sld [smem:$0x3FFE];
	_ =	sdelay $0x1  }
0x8a: {  	s1 =	srdreg.scid  }
0x8b: {  	s0 =	sand.u32 $0x1, s1  }
0x8c: {  	s16 =	sshll.u32 s0, $0xA;
	s2 =	sadd.s32 s3, s2  }
0x8d: {  	s2 =	sadd.s32 s2, s16  }
0x8e: {  	[smem:$0x3FB7] =	sst s2  }
0x8f: {  	_ = 	snop  }
0x90: {  	(tm) =	ssettm $0x1  }
0x91: {  	s17 =	sld [smem:$0x3FFB];
	_ =	sdelay $0x3  }
0x92: {  	_ =	strace s17  }
0x93: {  	s2 =	sld [smem:$0x3FFC];
	_ =	sdelay $0x3  }
0x94: {  	_ =	strace s2  }
0x95: {  	s2 =	sld [smem:$0x3FFD];
	_ =	sdelay $0x3  }
0x96: {  	_ =	strace s2  }
0x97: {  	_ =	strace $0x8FFFFFFF  }
0x98: {  	s18 =	sld [smem:$0x3FDB];
	_ =	sdelay $0x1  }
0x99: {  	s19 =	simm.s32 $_scs_section_size  }
0x9a: {  	s4 =	simm.s32 $_size__tile_overlayer_lowered;
	s5 =	simm.s32 $_tile_overlayer_lowered  }
0x9b: {  	s22 =	simm.s32 $0x1BFF;
	s21 =	sshll.u32 s5, $0x1;
	s2 =	sadd.s32 s19, s18  }
0x9c: {  	s6 =	simm.s32 $0x0;
	s20 =	sshll.u32 s4, $0x1;
	s4 =	sadd.s32 s21, s2  }
0x9d: {  	[timem:s6], [sflag:s22] =	dma.local [hbm:s4], s20  }
0x9e: {  	_ =	swait.ge [sflag:s22], s20  }
0x9f: {  	s3 =	ssub.s32 $0x0, s20;
	[sflag:s22] =	ssyncset.done $0x0  }
0xa0: {  	[sflag:s22] =	ssyncadd.s32 s3;
	_ =	sdelay $0x1  }
0xa1: {  	s23 =	simm.s32 $0x1B8B  }
0xa2: {  	_ =	swait.ge [sflag:s23], $0x1  }
0xa3: {  	[sflag:s23] =	ssyncset.done $0x0  }
0xa4: {  	s25 =	simm.s32 $0x1B8E;
	s24 =	sld [smem:$0x3FFE];
	[sflag:s23] =	ssyncadd.s32 $0xFFFFFFFF  }
0xa5: {  	s26 =	simm.s32 $execute0_lowered;
	[smem:$0x3FD2] =	sst s25  }
0xa6: {  	s4 =	sshll.u32 s26, $0x1;
	_ =	strace $0x8000004C;
	[dreg:$0x1] =	wrdreg $0xFFFFFFFF  }
0xa7: {  	s28 =	simm.s32 $_size_execute0_lowered;
	s2 =	sadd.s32 s2, s4;
	[dreg:$0x0] =	wrdreg $0x0  }
0xa8: {  	s4 =	sshll.u32 s28, $0x1;
	[dreg:$0x2] =	wrdreg s2  }
0xa9: {  	[dreg:$0x3] =	wrdreg s4  }
0xaa: {  	[dreg:$0x4] =	wrdreg $0xC0  }
0xab: {  	_ =	task [dreg:s6], $0x5FFFF  }
0xac: {  	[dreg:$0x1] =	wrdreg $0xFFFFFFFF  }
0xad: {  	[dreg:$0x0] =	wrdreg $0x60  }
0xae: {  	[dreg:$0x2] =	wrdreg s24  }
0xaf: {  	[dreg:$0x3] =	wrdreg $0xA8000  }
0xb0: {  	[dreg:$0x4] =	wrdreg $0x9  }
0xb1: {  	_ =	task.clear_ibuf [dreg:s6], $0x5FFFF;
	_ =	strace $0x9000004C  }
0xb2: {  	s29 =	simm.s32 $0x9;
	_ =	strace $0x8000004E  }
0xb3: {  	_ =	swait.ge [sflag:s29], $0x1  }
0xb4: {  	[sflag:s29] =	ssyncadd.s32 $0xFFFFFFFF  }
0xb5: {  	_ =	strace $0x9000004E  }
0xb6: {  	_ =	sfence  }
0xb7: {  	s30 =	sld [smem:$0x0];
	_ =	sdelay $0x2  }
0xb8: {  	s31 =	sshll.u32 s1, $0xD;
	s1 =	sshrl.u32 s1, $0x2  }
0xb9: {  	s3 =	sand.u32 $0x4000, s31;
	s1 =	sadd.s32 s1, s30  }
0xba: {  	s0 =	sor.u32 s3, s0;
	s1 =	sshll.u32 s1, $0x11  }
0xbb: {  	s0 =	sor.u32 s1, s0  }
0xbc: {  	s0 =	sadd.s32 $0x8F2B, s0  }
0xbd: {  	[sflag:s0] =	ssyncadd.remote.s32 $0x1  }
0xbe: {  	_ =	sfence.sel $0xFFFF  }
0xbf: {  	[dreg:$0x0] =	wrdreg $0xFFFFFFFF;
	(pc) =	sbr.abs _section_cstart, $3  }
0xc0: {  	[dreg:$0x1] =	wrdreg $0xFFFFFFFF  }
0xc1: {  	_ =	task.clear_ibuf [dreg:s6], $0x2FFFF;
	_ =	strace $0x9FFFFFFF  }
0xc2: {  	(tm) =	ssettm $0x7FFFFFFF  }
0xc3: {  	_ =	shalt  }
tec
execute0_lowered:
.L_overlay_start_1:
0x0: {  	(tag) =	ssettag $0x1  }
0x1: {  	s4 =	rddreg [dreg:$0x0]  }
0x2: {  	s1 =	rddreg [dreg:$0x1]  }
0x3: {  	s3 =	srdreg.scid;
	s0 =	rddreg [dreg:$0x2]  }
0x4: {  	s2 =	simm.s32 $0x0;
	s15 =	stileid.u32;
	s11 =	simm.s32 $0x50  }
0x5: {  	s12 =	simm.s32 $0x8000;
	s13 =	simm.s32 $0x1;
	s9 =	smul.u32 $0x50000, s15  }
0x6: {  	s5 =	sand.u32 $0x1, s3;
	[smem:$0x7FF] =	sst s2;
	s17 =	smul.u32 $0x2800, s15  }
0x7: {  	s29 =	sshll.u32 s15, $0xB;
	p0 =	sne.s32 s15, $0x0;
	s3 =	smul.u32 $0x27100, s5  }
0x8: {  	s15 =	sshll.u32 s15, $0x6;
	_ =	strace $0x8000004D;
	s7 =	smul.u32 $0x28000, s5  }
0x9: {  	s8 =	sadd.s32 s29, s4;
	s5 =	ssub.s32 $0x2, s5;
	s15 =	sor.u32 $0x1C02, s15  }
0xa: {  	s30 =	sshrl.u32 s5, $0x1;
	s31 =	sshrl.u32 s9, $0x2;
	s9 =	simm.s32 $0x4000  }
0xb: {  	s6 =	sadd.s32 s3, s4;
	s3 =	sadd.s32 $0x14400, s4;
	s7 =	sadd.s32 s7, s4  }
0xc: {  	s10 =	ssub.s32 s5, s30;
	s4 =	sadd.s32 $0x4400, s8;
	s5 =	sadd.s32 $0xC400, s8  }
0xd: {  	s16 =	sadd.s32 s31, s1;
	s8 =	simm.s32 $0x2;
	s6 =	sadd.s32 $0x3C600, s6  }
0xe: {  	s14 =	sadd.s32 $0x8A800, s7;
	s7 =	smax.u32 s10, $0x1;
	s10 =	sshrl.u32 @!p0 s1, $0x3  }
0xf: {  	s16 =	sshrl.u32 s16, $0x3;
	s14 =	sadd.s32 s17, s14;
	s17 =	simm.s32 $0x0  }
.LBB2_1:
0x10: {  	[tilespmem:s2], [sflag:$0x2] =	stream.linear.gather [hbm4b:s4+s2], $0x3E80, $0x38;
	[tilespmem:$0x1E800] =	vst v63  }
0x11: {  	_ =	swait.ge [sflag:s8], $0x3E80  }
0x12: {  	[sflag:s8] =	ssyncset.done $0x0  }
0x13: {  	[sflag:s8] =	ssyncadd.s32 $0xFFFFC180  }
0x14: {  	[tilespmem:s9], [sflag:$0x2] =	stream.linear.gather [hbm4b:s5+s2], $0x3E80, $0x38;
	[tilespmem:$0x1E800] =	vst v63  }
0x15: {  	_ =	swait.ge [sflag:s8], $0x3E80  }
0x16: {  	[sflag:s8] =	ssyncset.done $0x0  }
0x17: {  	s18 =	simm.s32 @!p0 $0x1C02;
	[sflag:s8] =	ssyncadd.s32 $0xFFFFC180  }
0x18: {  	[spmem:s10], [sflag:s18] =	dma.local @!p0 [hbm:s3], $0x28000  }
0x19: {  	s18 =	simm.s32 @!p0 $0x2  }
0x1a: {  	_ =	swait.ge @!p0 [sflag:s18], $0x28000  }
0x1b: {  	[sflag:s18] =	ssyncset.done @!p0 $0x0  }
0x1c: {  	[sflag:s18] =	ssyncadd.s32 @!p0 $0xFFFD8000  }
0x1d: {  	s30 =	simm.s32 $0x0;
	[bflag:$0x0] =	sbarrier.arrive $0xFFFF  }
0x1e: {  	[tilespmem:s12], [sflag:$0x1] =	stream.indirect.gather [hbm4b:s6+s11], $0x80, s30, s11, $0xb8;
	[tilespmem:$0x1E800] =	vst v63  }
0x1f: {  	_ =	swait.ge [sflag:s13], $0x2800  }
0x20: {  	[sflag:s13] =	ssyncset.done $0x0  }
0x21: {  	s31 =	simm.s32 $0x4000;
	[sflag:s13] =	ssyncadd.s32 $0xFFFFD800  }
0x22: {  	[spmem:s1] =	stream.indirect.scatter.add.f32 [tilespmem:s12], [sflag:$0x2], $0x80, s31, s11, $0xb8;
	[tilespmem:$0x1E800] =	vst v63  }
0x23: {  	_ =	swait.ge [sflag:s8], $0x2800  }
0x24: {  	s19 =	simm.s32 $0x400;
	s18 =	simm.s32 $0x200;
	[sflag:s8] =	ssyncset.done $0x0  }
.LBB2_2:
0x25: {  	s20 =	sshra.s32 s18, $0x2  }
0x26: {  	[sflag:s8] =	ssyncadd.s32 $0xFFFFD800;
	s18 =	smov.u32 s19;
	s21 =	sadd.s32 $0x200, s19  }
0x27: {  	[tilespmem:s12], [sflag:$0x1] =	stream.indirect.gather [hbm4b:s6+s11], $0x80, s20, s11, $0xb8;
	[tilespmem:$0x1E800] =	vst v63  }
0x28: {  	p1 =	sne.s32 s19, $0xF800;
	_ =	swait.ge [sflag:s13], $0x2800  }
.Ltmp0:
0x29: {  	[sflag:s13] =	ssyncset.done $0x0;
	(pc) =	sbr.rel @p1 .LBB2_2-.Ltmp0, $4  }
0x2a: {  	s19 =	sadd.s32 $0x4000, s20;
	[sflag:s13] =	ssyncadd.s32 $0xFFFFD800  }
0x2b: {  	[spmem:s1] =	stream.indirect.scatter.add.f32 [tilespmem:s12], [sflag:$0x2], $0x80, s19, s11, $0xb8;
	[tilespmem:$0x1E800] =	vst v63  }
0x2c: {  	_ =	swait.ge [sflag:s8], $0x2800  }
0x2d: {  	s19 =	smov.u32 s21;
	[sflag:s8] =	ssyncset.done $0x0  }
0x2e: {  	s18 =	sshra.s32 s18, $0x2;
	[sflag:s8] =	ssyncadd.s32 $0xFFFFD800  }
0x2f: {  	[tilespmem:s12], [sflag:$0x1] =	stream.indirect.gather [hbm4b:s6+s11], $0x80, s18, s11, $0xb8;
	[tilespmem:$0x1E800] =	vst v63  }
0x30: {  	_ =	swait.ge [sflag:s13], $0x2800  }
0x31: {  	[sflag:s13] =	ssyncset.done $0x0  }
0x32: {  	s18 =	sadd.s32 $0x4000, s18;
	[sflag:s13] =	ssyncadd.s32 $0xFFFFD800  }
0x33: {  	[spmem:s1] =	stream.indirect.scatter.add.f32 [tilespmem:s12], [sflag:$0x2], $0x80, s18, s11, $0xb8;
	[tilespmem:$0x1E800] =	vst v63  }
0x34: {  	_ =	swait.ge [sflag:s8], $0x2800  }
0x35: {  	s17 =	sadd.s32 $0x1, s17;
	[sflag:s8] =	ssyncset.done $0x0  }
0x36: {  	p1 =	sne.s32 s17, s7;
	[sflag:s8] =	ssyncadd.s32 $0xFFFFD800  }
.Ltmp1:
0x37: {  	[bflag:$0x0] =	sbarrier.arrive $0xFFFF;
	(pc) =	sbr.rel @p1 .LBB2_1-.Ltmp1, $4  }
0x38: {  	[hbm:s14], [sflag:s15] =	dma.local [spmem:s16], $0x2800  }
0x39: {  	_ =	swait.ge [sflag:s8], $0x2800  }
0x3a: {  	[sflag:s8] =	ssyncset.done $0x0  }
0x3b: {  	[sflag:s8] =	ssyncadd.s32 $0xFFFFD800  }
0x3c: {  	_ =	sfence.sel $0x180000  }
0x3d: {  	[bflag:$0x0] =	sbarrier.arrive $0xFFFF  }
0x3e: {  	_ =	strace $0x9000004D  }
0x3f: {  	s0 =	sadd.s32 @!p0 $0x100000, s0;
	[bflag:$0x2] =	sbarrier.arrive $0xFFFF  }
0x40: {  	[sflag:s0] =	ssyncadd.tile.s32 @!p0 $0x1;
	_ =	shalt  }
.Lfunc_end2:
_tile_overlayer_lowered:
.L_overlay_start_2:
0x41: {  	(tag) =	ssettag $0x2  }
0x42: {  	s0 =	rddreg [dreg:$0x0];
	s2 =	stileid.u32  }
0x43: {  	s1 =	rddreg [dreg:$0x1];
	p0 =	sne.s32 s2, $0x0  }
0x44: {  	s3 =	rddreg [dreg:$0x2];
	[bflag:$0x3] =	sbarrier.arrive $0xFFFF;
	s2 =	simm.s32 @!p0 $0x1C02  }
0x45: {  	[timem:s3], [sflag:s2] =	dma.local @!p0 [hbm:s0], s1  }
0x46: {  	s0 =	simm.s32 @!p0 $0x2  }
0x47: {  	_ =	swait.ge @!p0 [sflag:s0], s1  }
0x48: {  	s1 =	ssub.s32 @!p0 $0x0, s1;
	[sflag:s0] =	ssyncset.done @!p0 $0x0  }
0x49: {  	[sflag:s0] =	ssyncadd.s32 @!p0 s1  }
0x4a: {  	[bflag:$0x3] =	sbarrier.arrive $0xFFFF  }
0x4b: {  	_ =	shalt  }

// kernel: kernel.21.cloned.1.call-start
scs
__scs_entry_jumppad:
0x0: {  	(pc) =	sbr.rel $0x88, $3  }
0x1: {  	(tag) =	ssettag $0x0;
	lr =	simm.s32 $0x1  }
0x2: {  	[smem:$0x3F90] =	sst lr;
	_ =	strace $0xD0000000  }
0x3: {  	_ = 	snop  }
0x4: {  	_ = 	snop  }
0x5: {  	_ = 	snop  }
0x6: {  	_ = 	snop  }
0x7: {  	_ = 	snop  }
__scs_overlays_trampoline_lowered:
0x8: {  	[smem:$0x3F9F] =	sst s0  }
0x9: {  	[smem:$0x3FA0] =	sst s1  }
0xa: {  	[smem:$0x3FA1] =	sst s2  }
0xb: {  	[smem:$0x3FA2] =	sst s3  }
0xc: {  	[smem:$0x3FA3] =	sst s4  }
0xd: {  	[smem:$0x3FA4] =	sst s5  }
0xe: {  	[smem:$0x3FA5] =	sst s6  }
0xf: {  	[smem:$0x3FA6] =	sst s7  }
0x10: {  	[smem:$0x3FA7] =	sst s8  }
0x11: {  	[smem:$0x3FA8] =	sst s9;
	s0 =	simm.s32 @!p0 $0x0  }
0x12: {  	s1 =	sld [smem:$0x3F8E];
	s0 =	simm.s32 @p0 $0x1  }
0x13: {  	[smem:$0x3FA9] =	sst s0;
	s0 =	simm.s32 @!p1 $0x0  }
0x14: {  	s2 =	sld [smem:$0x3F8D];
	s0 =	simm.s32 @p1 $0x1  }
0x15: {  	[smem:$0x3FAA] =	sst s0;
	s0 =	simm.s32 @!p2 $0x0  }
0x16: {  	s3 =	sld [smem:$0x3FDB];
	s0 =	simm.s32 @p2 $0x1  }
0x17: {  	s4 =	simm.s32 $0x1BF5;
	[smem:$0x3FAC] =	sst s0  }
0x18: {  	s0 =	sld [smem:$0x3F8F];
	_ =	swait.ge [sflag:s4], $0x0  }
0x19: {  	s7 =	sld [smem:$0x3F90]  }
0x1a: {  	s8 =	sadd.s32 $0xFFFFE003, lr  }
0x1b: {  	s9 =	sadd.s32 $0xFFFFFEF7, lr;
	s5 =	simm.s32 $0xFFFFFFFF;
	p2 =	slt.u32 s8, $0xFFFFF086  }
0x1c: {  	p1 =	slt.u32 s9, $0xF7A;
	s5 =	simm.s32 @!p2 $0x0  }
0x1d: {  	s5 =	simm.s32 @p1 $0x1;
	p0 =	seq.s32 s7, s2  }
0x1e: {  	s7 =	smul.u32 @!p0 $0xF7A, s2;
	p2 =	seq.s32 @!p0 s5, $0x0  }
0x1f: {  	s9 =	smul.u32 $0xF7A, s1;
	s8 =	simm.s32 @!p0 $0x1BF5;
	p2 =	por !p2, p0  }
0x20: {  	[sflag:s8] =	ssyncset.s32 @!p0 $0xFFFFF086;
	s6 =	sadd.s32 @!p0 s3, s7;
	s7 =	simm.s32 @!p0 $0x108  }
0x21: {  	s3 =	sadd.s32 s3, s9;
	s6 =	sadd.s32 @!p0 $0x88, s6;
	s7 =	simm.s32 @p2 $0x1082  }
0x22: {  	[simem:s7], [sflag:s8] =	dma.local @!p0 [hbm:s6], $0xF7A  }
0x23: {  	s9 =	sor.u32 $0xD0000000, s2;
	s6 =	simm.s32 $0x108;
	_ =	swait.ge @!p0 [sflag:s8], $0x0  }
0x24: {  	s3 =	sadd.s32 $0x88, s3;
	s6 =	simm.s32 @!p1 $0x1082;
	[sflag:s4] =	ssyncset.s32 $0xFFFFF086  }
0x25: {  	[simem:s6], [sflag:s4] =	dma.local [hbm:s3], $0xF7A  }
0x26: {  	[smem:$0x3F90] =	sst s1;
	(tag) =	ssettag s2;
	_ =	strace s9  }
0x27: {  	s1 =	sld [smem:$0x3FA0]  }
0x28: {  	s2 =	sld [smem:$0x3FA1]  }
0x29: {  	s4 =	sld [smem:$0x3FA3]  }
0x2a: {  	p0 =	seq.s32 s5, $0x0;
	s5 =	sld [smem:$0x3FA4]  }
0x2b: {  	s6 =	sld [smem:$0x3FA5]  }
0x2c: {  	s7 =	sld [smem:$0x3FA6]  }
0x2d: {  	s3 =	simm.s32 $0x108;
	s8 =	sld [smem:$0x3FA7]  }
0x2e: {  	s3 =	simm.s32 @!p0 $0x1082;
	s9 =	sld [smem:$0x3FA8]  }
0x2f: {  	lr =	sadd.s32 s0, s3;
	s0 =	sld [smem:$0x3F9F]  }
0x30: {  	s3 =	sld [smem:$0x3FA2]  }
0x31: {  	[smem:$0x3FAB] =	sst s10  }
0x32: {  	s10 =	sld [smem:$0x3FA9];
	_ =	sdelay $0x3  }
0x33: {  	p0 =	seq.s32 s10, $0x1;
	s10 =	sld [smem:$0x3FAB];
	_ =	sdelay $0x3  }
0x34: {  	[smem:$0x3FAB] =	sst s10  }
0x35: {  	s10 =	sld [smem:$0x3FAA];
	_ =	sdelay $0x3  }
0x36: {  	p1 =	seq.s32 s10, $0x1;
	s10 =	sld [smem:$0x3FAB];
	_ =	sdelay $0x3  }
0x37: {  	[smem:$0x3FAB] =	sst s10  }
0x38: {  	s10 =	sld [smem:$0x3FAC]  }
0x39: {  	_ = 	snop;
	(pc) =	sbr.ind lr, $3  }
0x3a: {  	_ = 	snop  }
0x3b: {  	_ = 	snop  }
0x3c: {  	p2 =	seq.s32 s10, $0x1;
	s10 =	sld [smem:$0x3FAB]  }
0x3d: {  	_ =	shalt  }
0x3e: {  	_ =	shalt  }
0x3f: {  	_ =	shalt  }
0x40: {  	_ =	shalt  }
0x41: {  	_ =	shalt  }
0x42: {  	_ =	shalt  }
0x43: {  	_ =	shalt  }
0x44: {  	_ =	shalt  }
0x45: {  	_ =	shalt  }
0x46: {  	_ =	shalt  }
0x47: {  	_ =	shalt  }
0x48: {  	_ =	shalt  }
0x49: {  	_ =	shalt  }
0x4a: {  	_ =	shalt  }
0x4b: {  	_ =	shalt  }
0x4c: {  	_ =	shalt  }
0x4d: {  	_ =	shalt  }
0x4e: {  	_ =	shalt  }
0x4f: {  	_ =	shalt  }
0x50: {  	_ =	shalt  }
0x51: {  	_ =	shalt  }
0x52: {  	_ =	shalt  }
0x53: {  	_ =	shalt  }
0x54: {  	_ =	shalt  }
0x55: {  	_ =	shalt  }
0x56: {  	_ =	shalt  }
0x57: {  	_ =	shalt  }
0x58: {  	_ =	shalt  }
0x59: {  	_ =	shalt  }
0x5a: {  	_ =	shalt  }
0x5b: {  	_ =	shalt  }
0x5c: {  	_ =	shalt  }
0x5d: {  	_ =	shalt  }
0x5e: {  	_ =	shalt  }
0x5f: {  	_ =	shalt  }
0x60: {  	_ =	shalt  }
0x61: {  	_ =	shalt  }
0x62: {  	_ =	shalt  }
0x63: {  	_ =	shalt  }
0x64: {  	_ =	shalt  }
0x65: {  	_ =	shalt  }
0x66: {  	_ =	shalt  }
0x67: {  	_ =	shalt  }
0x68: {  	_ =	shalt  }
0x69: {  	_ =	shalt  }
0x6a: {  	_ =	shalt  }
0x6b: {  	_ =	shalt  }
0x6c: {  	_ =	shalt  }
0x6d: {  	_ =	shalt  }
0x6e: {  	_ =	shalt  }
0x6f: {  	_ =	shalt  }
0x70: {  	_ =	shalt  }
0x71: {  	_ =	shalt  }
0x72: {  	_ =	shalt  }
0x73: {  	_ =	shalt  }
0x74: {  	_ =	shalt  }
0x75: {  	_ =	shalt  }
0x76: {  	_ =	shalt  }
0x77: {  	_ =	shalt  }
0x78: {  	_ =	shalt  }
0x79: {  	_ =	shalt  }
0x7a: {  	_ =	shalt  }
0x7b: {  	_ =	shalt  }
0x7c: {  	_ =	shalt  }
0x7d: {  	_ =	shalt  }
0x7e: {  	_ =	shalt  }
0x7f: {  	_ =	shalt  }
0x80: {  	_ =	shalt  }
0x81: {  	_ =	shalt  }
0x82: {  	_ =	shalt  }
0x83: {  	_ =	shalt  }
0x84: {  	_ =	shalt  }
0x85: {  	_ =	shalt  }
0x86: {  	_ =	shalt  }
0x87: {  	_ =	shalt  }
.Lfunc_end0:
.L_simem_size_0:
called_computation.3_lowered:
.L_overlay_start_0:
0x88: {  	s2 =	sld [smem:$0x3FD9]  }
0x89: {  	s3 =	sld [smem:$0x3FFE];
	_ =	sdelay $0x1  }
0x8a: {  	s1 =	srdreg.scid  }
0x8b: {  	s0 =	sand.u32 $0x1, s1  }
0x8c: {  	s16 =	sshll.u32 s0, $0xA;
	s2 =	sadd.s32 s3, s2  }
0x8d: {  	s2 =	sadd.s32 s2, s16  }
0x8e: {  	[smem:$0x3FB7] =	sst s2  }
0x8f: {  	_ = 	snop  }
0x90: {  	(tm) =	ssettm $0x1  }
0x91: {  	s17 =	sld [smem:$0x3FFB];
	_ =	sdelay $0x3  }
0x92: {  	_ =	strace s17  }
0x93: {  	s2 =	sld [smem:$0x3FFC];
	_ =	sdelay $0x3  }
0x94: {  	_ =	strace s2  }
0x95: {  	s2 =	sld [smem:$0x3FFD];
	_ =	sdelay $0x3  }
0x96: {  	_ =	strace s2  }
0x97: {  	_ =	strace $0x8FFFFFFF  }
0x98: {  	s18 =	sld [smem:$0x3FDB];
	_ =	sdelay $0x1  }
0x99: {  	s19 =	simm.s32 $_scs_section_size  }
0x9a: {  	s4 =	simm.s32 $_size__tile_overlayer_lowered;
	s5 =	simm.s32 $_tile_overlayer_lowered  }
0x9b: {  	s22 =	simm.s32 $0x1BFF;
	s21 =	sshll.u32 s5, $0x1;
	s2 =	sadd.s32 s19, s18  }
0x9c: {  	s6 =	simm.s32 $0x0;
	s20 =	sshll.u32 s4, $0x1;
	s4 =	sadd.s32 s21, s2  }
0x9d: {  	[timem:s6], [sflag:s22] =	dma.local [hbm:s4], s20  }
0x9e: {  	_ =	swait.ge [sflag:s22], s20  }
0x9f: {  	s3 =	ssub.s32 $0x0, s20;
	[sflag:s22] =	ssyncset.done $0x0  }
0xa0: {  	[sflag:s22] =	ssyncadd.s32 s3;
	_ =	sdelay $0x1  }
0xa1: {  	s23 =	simm.s32 $0x1B8B  }
0xa2: {  	_ =	swait.ge [sflag:s23], $0x1  }
0xa3: {  	[sflag:s23] =	ssyncset.done $0x0  }
0xa4: {  	s25 =	simm.s32 $0x1B8E;
	s24 =	sld [smem:$0x3FFE];
	[sflag:s23] =	ssyncadd.s32 $0xFFFFFFFF  }
0xa5: {  	s26 =	simm.s32 $execute0_lowered;
	[smem:$0x3FD2] =	sst s25  }
0xa6: {  	s4 =	sshll.u32 s26, $0x1;
	_ =	strace $0x8000004F;
	[dreg:$0x1] =	wrdreg $0xFFFFFFFF  }
0xa7: {  	s28 =	simm.s32 $_size_execute0_lowered;
	s2 =	sadd.s32 s2, s4;
	[dreg:$0x0] =	wrdreg $0x0  }
0xa8: {  	s4 =	sshll.u32 s28, $0x1;
	[dreg:$0x2] =	wrdreg s2  }
0xa9: {  	[dreg:$0x3] =	wrdreg s4  }
0xaa: {  	[dreg:$0x4] =	wrdreg $0xC0  }
0xab: {  	_ =	task [dreg:s6], $0x5FFFF  }
0xac: {  	[dreg:$0x1] =	wrdreg $0xFFFFFFFF  }
0xad: {  	[dreg:$0x0] =	wrdreg $0x60  }
0xae: {  	[dreg:$0x2] =	wrdreg s24  }
0xaf: {  	[dreg:$0x3] =	wrdreg $0x9  }
0xb0: {  	_ =	task.clear_ibuf [dreg:s6], $0x4FFFF;
	_ =	strace $0x9000004F  }
0xb1: {  	s29 =	simm.s32 $0x9;
	_ =	strace $0x80000051  }
0xb2: {  	_ =	swait.ge [sflag:s29], $0x1  }
0xb3: {  	[sflag:s29] =	ssyncadd.s32 $0xFFFFFFFF  }
0xb4: {  	_ =	strace $0x90000051  }
0xb5: {  	_ =	sfence  }
0xb6: {  	s30 =	sld [smem:$0x0];
	_ =	sdelay $0x2  }
0xb7: {  	s31 =	sshll.u32 s1, $0xD;
	s1 =	sshrl.u32 s1, $0x2  }
0xb8: {  	s3 =	sand.u32 $0x4000, s31;
	s1 =	sadd.s32 s1, s30  }
0xb9: {  	s0 =	sor.u32 s3, s0;
	s1 =	sshll.u32 s1, $0x11  }
0xba: {  	s0 =	sor.u32 s1, s0  }
0xbb: {  	s0 =	sadd.s32 $0x8F2B, s0  }
0xbc: {  	[sflag:s0] =	ssyncadd.remote.s32 $0x1  }
0xbd: {  	_ =	sfence.sel $0xFFFF  }
0xbe: {  	[dreg:$0x0] =	wrdreg $0xFFFFFFFF;
	(pc) =	sbr.abs _section_cstart, $3  }
0xbf: {  	[dreg:$0x1] =	wrdreg $0xFFFFFFFF  }
0xc0: {  	_ =	task.clear_ibuf [dreg:s6], $0x2FFFF;
	_ =	strace $0x9FFFFFFF  }
0xc1: {  	(tm) =	ssettm $0x7FFFFFFF  }
tec
execute0_lowered:
.L_overlay_start_1:
0x0: {  	(tag) =	ssettag $0x1  }
0x1: {  	s3 =	rddreg [dreg:$0x0]  }
0x2: {  	s2 =	srdreg.scid;
	s0 =	rddreg [dreg:$0x1];
	s1 =	simm.s32 $0x0  }
0x3: {  	s10 =	simm.s32 $0x2;
	s11 =	simm.s32 $0x4000;
	s12 =	simm.s32 $0x50  }
0x4: {  	s13 =	simm.s32 $0x8000;
	s14 =	simm.s32 $0x1;
	s15 =	simm.s32 $0xA800  }
0x5: {  	s16 =	simm.s32 $0x0;
	s4 =	sand.u32 $0x1, s2;
	[smem:$0x7FF] =	sst s1  }
0x6: {  	s2 =	stileid.u32;
	s5 =	smul.u32 $0x27100, s4;
	_ =	strace $0x80000050  }
0x7: {  	s6 =	smul.u32 $0x271000, s4;
	s7 =	sshll.u32 s2, $0xB;
	s4 =	ssub.s32 $0x2, s4  }
0x8: {  	s7 =	sadd.s32 s7, s3;
	s31 =	sshrl.u32 s4, $0x1;
	s5 =	sadd.s32 s5, s3  }
0x9: {  	s8 =	sadd.s32 s6, s3;
	s9 =	ssub.s32 s4, s31;
	s3 =	sadd.s32 $0x4400, s7  }
0xa: {  	s4 =	sadd.s32 $0xC400, s7;
	s5 =	sadd.s32 $0x3C600, s5;
	s6 =	sadd.s32 $0x8A800, s8  }
0xb: {  	s7 =	sadd.s32 $0x56C800, s8;
	s8 =	smax.u32 s9, $0x1;
	s9 =	smul.u32 $0x27100, s2  }
.LBB2_1:
0xc: {  	[tilespmem:s1], [sflag:$0x2] =	stream.linear.gather [hbm4b:s3+s1], $0x3E80, $0x38;
	[tilespmem:$0xD000] =	vst v63  }
0xd: {  	_ =	swait.ge [sflag:s10], $0x3E80  }
0xe: {  	[sflag:s10] =	ssyncset.done $0x0  }
0xf: {  	[sflag:s10] =	ssyncadd.s32 $0xFFFFC180  }
0x10: {  	[tilespmem:s11], [sflag:$0x2] =	stream.linear.gather [hbm4b:s4+s1], $0x3E80, $0x38;
	[tilespmem:$0xD000] =	vst v63  }
0x11: {  	_ =	swait.ge [sflag:s10], $0x3E80  }
0x12: {  	[sflag:s10] =	ssyncset.done $0x0  }
0x13: {  	s17 =	simm.s32 $0x0;
	[sflag:s10] =	ssyncadd.s32 $0xFFFFC180  }
0x14: {  	[tilespmem:s13], [sflag:$0x1] =	stream.indirect.gather [hbm4b:s5+s12], $0x80, s17, s12, $0xb8;
	[tilespmem:$0xD000] =	vst v63  }
0x15: {  	_ =	swait.ge [sflag:s14], $0x2800  }
0x16: {  	[sflag:s14] =	ssyncset.done $0x0  }
0x17: {  	s29 =	sadd.s32 s9, s6;
	[sflag:s14] =	ssyncadd.s32 $0xFFFFD800  }
0x18: {  	[hbm4b:s29+s1] =	stream.linear.scatter [tilespmem:s13], [sflag:$0x2], $0x2800, $0x38;
	[tilespmem:$0xD000] =	vst v63  }
0x19: {  	_ =	swait.ge [sflag:s10], $0x2800  }
0x1a: {  	[sflag:s10] =	ssyncset.done $0x0  }
0x1b: {  	s30 =	simm.s32 $0x4000;
	[sflag:s10] =	ssyncadd.s32 $0xFFFFD800  }
0x1c: {  	[tilespmem:s15], [sflag:$0x1] =	stream.indirect.gather [hbm4b:s5+s12], $0x80, s30, s12, $0xb8;
	[tilespmem:$0xD000] =	vst v63  }
0x1d: {  	_ =	swait.ge [sflag:s14], $0x2800  }
0x1e: {  	[sflag:s14] =	ssyncset.done $0x0  }
0x1f: {  	s31 =	sadd.s32 s9, s7;
	[sflag:s14] =	ssyncadd.s32 $0xFFFFD800  }
0x20: {  	[hbm4b:s31+s1] =	stream.linear.scatter [tilespmem:s15], [sflag:$0x2], $0x2800, $0x38;
	[tilespmem:$0xD000] =	vst v63  }
0x21: {  	s18 =	simm.s32 $0x200;
	_ =	swait.ge [sflag:s10], $0x2800  }
0x22: {  	s19 =	simm.s32 $0x400;
	s17 =	sadd.s32 $0x500, s9;
	[sflag:s10] =	ssyncset.done $0x0  }
.LBB2_2:
0x23: {  	s20 =	sshra.s32 s18, $0x2  }
0x24: {  	[sflag:s10] =	ssyncadd.s32 $0xFFFFD800;
	s18 =	smov.u32 s19;
	s21 =	sadd.s32 $0x200, s19  }
0x25: {  	[tilespmem:s13], [sflag:$0x1] =	stream.indirect.gather [hbm4b:s5+s12], $0x80, s20, s12, $0xb8;
	[tilespmem:$0xD000] =	vst v63  }
0x26: {  	p0 =	sne.s32 s19, $0xF800;
	_ =	swait.ge [sflag:s14], $0x2800  }
0x27: {  	[sflag:s14] =	ssyncset.done $0x0  }
0x28: {  	s19 =	sadd.s32 s17, s6;
	[sflag:s14] =	ssyncadd.s32 $0xFFFFD800  }
0x29: {  	[hbm4b:s19+s1] =	stream.linear.scatter [tilespmem:s13], [sflag:$0x2], $0x2800, $0x38;
	[tilespmem:$0xD000] =	vst v63  }
0x2a: {  	_ =	swait.ge [sflag:s10], $0x2800  }
0x2b: {  	[sflag:s10] =	ssyncset.done $0x0  }
0x2c: {  	s19 =	sadd.s32 $0x4000, s20;
	[sflag:s10] =	ssyncadd.s32 $0xFFFFD800  }
0x2d: {  	[tilespmem:s15], [sflag:$0x1] =	stream.indirect.gather [hbm4b:s5+s12], $0x80, s19, s12, $0xb8;
	[tilespmem:$0xD000] =	vst v63  }
0x2e: {  	_ =	swait.ge [sflag:s14], $0x2800  }
.Ltmp0:
0x2f: {  	[sflag:s14] =	ssyncset.done $0x0;
	(pc) =	sbr.rel @p0 .LBB2_2-.Ltmp0, $4  }
0x30: {  	s19 =	sadd.s32 s17, s7;
	[sflag:s14] =	ssyncadd.s32 $0xFFFFD800  }
0x31: {  	[hbm4b:s19+s1] =	stream.linear.scatter [tilespmem:s15], [sflag:$0x2], $0x2800, $0x38;
	[tilespmem:$0xD000] =	vst v63  }
0x32: {  	_ =	swait.ge [sflag:s10], $0x2800  }
0x33: {  	s17 =	sadd.s32 $0x500, s17;
	s19 =	smov.u32 s21;
	[sflag:s10] =	ssyncset.done $0x0  }
0x34: {  	s18 =	sshra.s32 s18, $0x2;
	[sflag:s10] =	ssyncadd.s32 $0xFFFFD800  }
0x35: {  	[tilespmem:s13], [sflag:$0x1] =	stream.indirect.gather [hbm4b:s5+s12], $0x80, s18, s12, $0xb8;
	[tilespmem:$0xD000] =	vst v63  }
0x36: {  	_ =	swait.ge [sflag:s14], $0x2800  }
0x37: {  	[sflag:s14] =	ssyncset.done $0x0  }
0x38: {  	s19 =	sadd.s32 s17, s6;
	[sflag:s14] =	ssyncadd.s32 $0xFFFFD800  }
0x39: {  	[hbm4b:s19+s1] =	stream.linear.scatter [tilespmem:s13], [sflag:$0x2], $0x2800, $0x38;
	[tilespmem:$0xD000] =	vst v63  }
0x3a: {  	_ =	swait.ge [sflag:s10], $0x2800  }
0x3b: {  	[sflag:s10] =	ssyncset.done $0x0  }
0x3c: {  	s18 =	sadd.s32 $0x4000, s18;
	[sflag:s10] =	ssyncadd.s32 $0xFFFFD800  }
0x3d: {  	[tilespmem:s15], [sflag:$0x1] =	stream.indirect.gather [hbm4b:s5+s12], $0x80, s18, s12, $0xb8;
	[tilespmem:$0xD000] =	vst v63  }
0x3e: {  	s16 =	sadd.s32 $0x1, s16;
	_ =	swait.ge [sflag:s14], $0x2800  }
0x3f: {  	p0 =	sne.s32 s16, s8;
	[sflag:s14] =	ssyncset.done $0x0  }
.Ltmp1:
0x40: {  	s31 =	sadd.s32 s17, s7;
	[sflag:s14] =	ssyncadd.s32 $0xFFFFD800;
	(pc) =	sbr.rel @p0 .LBB2_1-.Ltmp1, $4  }
0x41: {  	[hbm4b:s31+s1] =	stream.linear.scatter [tilespmem:s15], [sflag:$0x2], $0x2800, $0x38;
	[tilespmem:$0xD000] =	vst v63  }
0x42: {  	_ =	swait.ge [sflag:s10], $0x2800  }
0x43: {  	[sflag:s10] =	ssyncset.done $0x0  }
0x44: {  	[sflag:s10] =	ssyncadd.s32 $0xFFFFD800  }
0x45: {  	_ =	sfence.sel $0x180000  }
0x46: {  	[bflag:$0x0] =	sbarrier.arrive $0xFFFF  }
0x47: {  	p0 =	sne.s32 s2, $0x0;
	_ =	strace $0x90000050  }
0x48: {  	s0 =	sadd.s32 @!p0 $0x100000, s0;
	[bflag:$0x2] =	sbarrier.arrive $0xFFFF  }
0x49: {  	[sflag:s0] =	ssyncadd.tile.s32 @!p0 $0x1;
	_ =	shalt  }
.Lfunc_end2:
_tile_overlayer_lowered:
.L_overlay_start_2:
0x4a: {  	(tag) =	ssettag $0x2  }
0x4b: {  	s0 =	rddreg [dreg:$0x0];
	s2 =	stileid.u32  }
0x4c: {  	s1 =	rddreg [dreg:$0x1];
	p0 =	sne.s32 s2, $0x0  }
0x4d: {  	s3 =	rddreg [dreg:$0x2];
	[bflag:$0x3] =	sbarrier.arrive $0xFFFF;
	s2 =	simm.s32 @!p0 $0x1C02  }
0x4e: {  	[timem:s3], [sflag:s2] =	dma.local @!p0 [hbm:s0], s1  }
0x4f: {  	s0 =	simm.s32 @!p0 $0x2  }
0x50: {  	_ =	swait.ge @!p0 [sflag:s0], s1  }
0x51: {  	s1 =	ssub.s32 @!p0 $0x0, s1;
	[sflag:s0] =	ssyncset.done @!p0 $0x0  }
0x52: {  	[sflag:s0] =	ssyncadd.s32 @!p0 s1  }
0x53: {  	[bflag:$0x3] =	sbarrier.arrive $0xFFFF  }
0x54: {  	_ =	shalt  }

</sc_bundles>
